<compile_context>
chip_gen: v7x
topology: tpu7x:2x2x1
jax: 0.10.2.dev20260603
libtpu: 0.0.44.dev20260713+nightly
codegen_flags: <defaults>
</compile_context>

<pallas_src>
import jax
import jax.numpy as jnp
from jax import lax
from jax.experimental import pallas as pl
from jax.experimental.pallas import tpu as pltpu
from jax.experimental.pallas import tpu_sc as plsc

N = 10000
NP = 10240
E = 320000
F = 128
H = 256
NCLS = 18
NC = 2
NS = 16
CH = 80
ROWS_T = NP // NS
C1 = E // (NC * NS * CH)
C2 = E // (NS * CH)
BR = NP // 16

import functools


@functools.cache
def _mesh():
    return plsc.VectorSubcoreMesh(core_axis_name="c", subcore_axis_name="s",
                                  num_cores=NC, num_subcores=NS)


def _deg_body(src3, dst3, oh2, zfeat, deg, idxs_v, idxd_v, ohs_v, ohd_v, acc_sh,
              ssem):
    c = lax.axis_index("c")
    s = lax.axis_index("s")
    r0 = s * ROWS_T
    pltpu.sync_copy(zfeat, acc_sh.at[pl.ds(r0, ROWS_T)])
    pltpu.sync_copy(oh2.at[0], ohs_v)
    pltpu.sync_copy(oh2.at[1], ohd_v)
    plsc.subcore_barrier()

    def seg(g, carry):
        pltpu.sync_copy(src3.at[c, s, g], idxs_v)
        pltpu.sync_copy(dst3.at[c, s, g], idxd_v)

        def chunk(j, carry2):
            pltpu.async_copy(ohs_v, acc_sh.at[idxs_v.at[j]], ssem, add=True)
            pltpu.async_copy(ohd_v, acc_sh.at[idxd_v.at[j]], ssem, add=True)
            return carry2

        lax.fori_loop(0, SEG, chunk, 0)

        def drain(j, carry2):
            pltpu.make_async_copy(ohs_v, acc_sh.at[idxs_v.at[j]], ssem).wait()
            pltpu.make_async_copy(ohd_v, acc_sh.at[idxd_v.at[j]], ssem).wait()
            return carry2

        lax.fori_loop(0, SEG, drain, 0)
        return carry

    lax.fori_loop(0, C1 // SEG, seg, 0)
    plsc.subcore_barrier()
    pltpu.sync_copy(acc_sh.at[pl.ds(r0, ROWS_T)], deg.at[c, pl.ds(r0, ROWS_T)])


@functools.cache
def _deg_call():
    return pl.kernel(
        _deg_body,
        out_type=jax.ShapeDtypeStruct((NC, NP, F), jnp.float32),
        mesh=_mesh(),
        scratch_types=[
            pltpu.VMEM((SEG, CH), jnp.int32),
            pltpu.VMEM((SEG, CH), jnp.int32),
            pltpu.VMEM((CH, F), jnp.float32),
            pltpu.VMEM((CH, F), jnp.float32),
            pltpu.VMEM_SHARED((NP, F), jnp.float32),
            pltpu.SemaphoreType.DMA,
        ],
    )


SEG = 25


def _make_spmm(nchunks, tbl_rows, seg_sz=SEG):
    nseg = nchunks // seg_sz

    def body(tbl, src3, dst3, zfeat, out, idxg_v, idxd_v, rows0, rows1, rows2,
             acc_sh, gs0, gs1, gs2, ss0, ss1, ss2):
        c = lax.axis_index("c")
        s = lax.axis_index("s")
        r0 = s * ROWS_T
        pltpu.sync_copy(zfeat, acc_sh.at[pl.ds(r0, ROWS_T)])
        plsc.subcore_barrier()

        rows = (rows0, rows1, rows2)
        gss = (gs0, gs1, gs2)
        sss = (ss0, ss1, ss2)

        def gather(j, b, gsem):
            pltpu.async_copy(tbl.at[idxg_v.at[j]], rows[b], gss[gsem])

        def seg(g, carry):
            pltpu.sync_copy(src3.at[c, s, g], idxg_v)
            pltpu.sync_copy(dst3.at[c, s, g], idxd_v)
            gather(0, 0, 0)
            gather(1, 1, 1)
            gather(2, 2, 2)
            pltpu.make_async_copy(tbl.at[idxg_v.at[0]], rows0, gs0).wait()
            pltpu.async_copy(rows0, acc_sh.at[idxd_v.at[0]], ss0, add=True)

            def triple(i, carry2):
                j = 3 * i

                def step(jj, b):
                    bp = (b + 2) % 3
                    pltpu.make_async_copy(rows[bp],
                                          acc_sh.at[idxd_v.at[jj - 1]],
                                          sss[bp]).wait()
                    jn = jnp.where(jj + 2 >= seg_sz, 0, jj + 2)
                    gather(jn, bp, bp)
                    pltpu.make_async_copy(tbl.at[idxg_v.at[jj]], rows[b],
                                          gss[b]).wait()
                    pltpu.async_copy(rows[b], acc_sh.at[idxd_v.at[jj]],
                                     sss[b], add=True)

                step(j + 1, 1)
                step(j + 2, 2)
                step(j + 3, 0)
                return carry2

            lax.fori_loop(0, (seg_sz - 1) // 3, triple, 0)
            pltpu.make_async_copy(rows0, acc_sh.at[idxd_v.at[seg_sz - 1]],
                                  ss0).wait()
            pltpu.make_async_copy(tbl.at[idxg_v.at[0]], rows1, gs1).wait()
            pltpu.make_async_copy(tbl.at[idxg_v.at[0]], rows2, gs2).wait()
            return carry

        lax.fori_loop(0, nseg, seg, 0)
        plsc.subcore_barrier()
        pltpu.sync_copy(acc_sh.at[pl.ds(r0, ROWS_T)], out.at[c, pl.ds(r0, ROWS_T)])

    return pl.kernel(
        body,
        out_type=jax.ShapeDtypeStruct((NC, NP, F), jnp.float32),
        mesh=_mesh(),
        scratch_types=[
            pltpu.VMEM((seg_sz, CH), jnp.int32),
            pltpu.VMEM((seg_sz, CH), jnp.int32),
            pltpu.VMEM((CH, F), jnp.float32),
            pltpu.VMEM((CH, F), jnp.float32),
            pltpu.VMEM((CH, F), jnp.float32),
            pltpu.VMEM_SHARED((NP, F), jnp.float32),
            pltpu.SemaphoreType.DMA,
            pltpu.SemaphoreType.DMA,
            pltpu.SemaphoreType.DMA,
            pltpu.SemaphoreType.DMA,
            pltpu.SemaphoreType.DMA,
            pltpu.SemaphoreType.DMA,
        ],
    )


_spmm1_call = functools.cache(lambda: _make_spmm(C1, NP))
_spmm2_call = functools.cache(lambda: _make_spmm(C2, NC * NP))


def _prep_body(deg_ref, x_ref, h0_ref, ns_ref, nd_ref):
    dsum = deg_ref[0] + deg_ref[1]
    ns = lax.rsqrt(jnp.maximum(dsum[:, 0:1], 1.0))
    nd = lax.rsqrt(jnp.maximum(dsum[:, 1:2], 1.0))
    h0_ref[...] = x_ref[...] * ns
    ns_ref[...] = ns
    nd_ref[...] = nd


def _prep_call(deg, x_p):
    return pl.pallas_call(
        _prep_body,
        grid=(NP // BR,),
        in_specs=[
            pl.BlockSpec((NC, BR, F), lambda i: (0, i, 0)),
            pl.BlockSpec((BR, F), lambda i: (i, 0)),
        ],
        out_specs=[
            pl.BlockSpec((BR, F), lambda i: (i, 0)),
            pl.BlockSpec((BR, 1), lambda i: (i, 0)),
            pl.BlockSpec((BR, 1), lambda i: (i, 0)),
        ],
        out_shape=[jax.ShapeDtypeStruct((NP, F), jnp.float32),
                   jax.ShapeDtypeStruct((NP, 1), jnp.float32),
                   jax.ShapeDtypeStruct((NP, 1), jnp.float32)],
    )(deg, x_p)


def _l1_body(a_ref, nd_ref, ns_ref, w_ref, b_ref, g_ref):
    agg = (a_ref[0] + a_ref[1]) * nd_ref[...]
    h = jnp.dot(agg, w_ref[...], preferred_element_type=jnp.float32) + b_ref[...]
    h = jnp.maximum(h, 0.0) * ns_ref[...]
    g_ref[0] = h[:, :F]
    g_ref[1] = h[:, F:]


def _l1_call(agg1, nd, ns, W1, b1):
    return pl.pallas_call(
        _l1_body,
        grid=(NP // BR,),
        in_specs=[
            pl.BlockSpec((NC, BR, F), lambda i: (0, i, 0)),
            pl.BlockSpec((BR, 1), lambda i: (i, 0)),
            pl.BlockSpec((BR, 1), lambda i: (i, 0)),
            pl.BlockSpec((F, H), lambda i: (0, 0)),
            pl.BlockSpec((1, H), lambda i: (0, 0)),
        ],
        out_specs=pl.BlockSpec((NC, BR, F), lambda i: (0, i, 0)),
        out_shape=jax.ShapeDtypeStruct((NC, NP, F), jnp.float32),
    )(agg1, nd, ns, W1, b1)


def _l2_body(a_ref, nd_ref, w_ref, b_ref, wfc_ref, bfc_ref, o_ref, acc_ref):
    i = pl.program_id(0)

    @pl.when(i == 0)
    def _():
        acc_ref[...] = jnp.zeros_like(acc_ref)

    agg = jnp.concatenate([a_ref[0], a_ref[1]], axis=1) * nd_ref[...]
    h = jnp.dot(agg, w_ref[...], preferred_element_type=jnp.float32) + b_ref[...]
    h = jnp.maximum(h, 0.0)
    rid = lax.broadcasted_iota(jnp.int32, h.shape, 0) + i * BR
    h = jnp.where(rid < N, h, 0.0)
    acc_ref[...] += jnp.sum(h, axis=0, keepdims=True)

    @pl.when(i == NP // BR - 1)
    def _():
        hg = acc_ref[...] * (1.0 / N)
        o_ref[...] = jnp.dot(hg, wfc_ref[...], preferred_element_type=jnp.float32) + bfc_ref[...]


def _l2_call(agg2, nd, W2, b2, wfc_p, bfc_p):
    return pl.pallas_call(
        _l2_body,
        grid=(NP // BR,),
        in_specs=[
            pl.BlockSpec((NC, BR, F), lambda i: (0, i, 0)),
            pl.BlockSpec((BR, 1), lambda i: (i, 0)),
            pl.BlockSpec((H, H), lambda i: (0, 0)),
            pl.BlockSpec((1, H), lambda i: (0, 0)),
            pl.BlockSpec((H, 128), lambda i: (0, 0)),
            pl.BlockSpec((1, 128), lambda i: (0, 0)),
        ],
        out_specs=pl.BlockSpec((1, 128), lambda i: (0, 0)),
        out_shape=jax.ShapeDtypeStruct((1, 128), jnp.float32),
        scratch_shapes=[pltpu.VMEM((1, H), jnp.float32)],
    )(agg2, nd, W2, b2, wfc_p, bfc_p)


def kernel(x, edge_index, W1, b1, W2, b2, Wfc, bfc):
    src = edge_index[0].astype(jnp.int32)
    dst = edge_index[1].astype(jnp.int32)
    x_p = jnp.zeros((NP, F), jnp.float32).at[:N].set(x)
    src1 = src.reshape(NC, NS, C1 // SEG, SEG, CH)
    dst1 = dst.reshape(NC, NS, C1 // SEG, SEG, CH)
    src2 = jnp.stack([src, src + NP]).reshape(NC, NS, C2 // SEG, SEG, CH)
    dst2 = jnp.broadcast_to(dst.reshape(1, NS, C2 // SEG, SEG, CH),
                            (NC, NS, C2 // SEG, SEG, CH))
    oh2 = jnp.zeros((2, CH, F), jnp.float32).at[0, :, 0].set(1.0).at[1, :, 1].set(1.0)
    zfeat = jnp.zeros((ROWS_T, F), jnp.float32)

    deg = _deg_call()(src1, dst1, oh2, zfeat)
    h0, ns, nd = _prep_call(deg, x_p)
    agg1 = _spmm1_call()(h0, src1, dst1, zfeat)
    g1 = _l1_call(agg1, nd, ns, W1, b1.reshape(1, H))
    tbl2 = g1.reshape(NC * NP, F)
    agg2 = _spmm2_call()(tbl2, src2, dst2, zfeat)
    wfc_p = jnp.zeros((H, 128), jnp.float32).at[:, :NCLS].set(Wfc)
    bfc_p = jnp.zeros((1, 128), jnp.float32).at[0, :NCLS].set(bfc)
    outp = _l2_call(agg2, nd, W2, b2.reshape(1, H), wfc_p, bfc_p)
    return outp[:, :NCLS]

# --- scband reference (transcript-rebuilt; emitter-appended) ---
"""Pipeline reference for scband-gatclassifier-1176821039335 (READ-ONLY COPY).

The authoritative reference and input builder live on the scoring server;
editing this copy changes nothing except your own understanding.
"""

import jax, jax.numpy as jnp
import numpy as np

N_NODES = 10000
N_EDGES = 320000
IN_FEAT = 128
HID = 256
N_CLS = 18


def setup_inputs(seed: int = 0) -> dict:
    key = jax.random.key(seed)
    k_x, k_e, k_w1, k_w2, k_wf = jax.random.split(key, 5)
    x = jax.random.normal(k_x, (N_NODES, IN_FEAT), dtype=jnp.float32)
    edge_index = jax.random.randint(k_e, (2, N_EDGES), 0, N_NODES, dtype=jnp.int64)
    # GraphConv weights (Glorot-ish scale) and biases
    W1 = jax.random.normal(k_w1, (IN_FEAT, HID), dtype=jnp.float32) * (1.0 / np.sqrt(IN_FEAT))
    b1 = jnp.zeros((HID,), dtype=jnp.float32)
    W2 = jax.random.normal(k_w2, (HID, HID), dtype=jnp.float32) * (1.0 / np.sqrt(HID))
    b2 = jnp.zeros((HID,), dtype=jnp.float32)
    Wfc = jax.random.normal(k_wf, (HID, N_CLS), dtype=jnp.float32) * (1.0 / np.sqrt(HID))
    bfc = jnp.zeros((N_CLS,), dtype=jnp.float32)
    return {"x": x, "edge_index": edge_index, "W1": W1, "b1": b1, "W2": W2, "b2": b2, "Wfc": Wfc, "bfc": bfc}


def reference(x, edge_index, W1, b1, W2, b2, Wfc, bfc):
    src = edge_index[0]
    dst = edge_index[1]
    n = x.shape[0]
    ones_e = jnp.ones((src.shape[0],), dtype=jnp.float32)
    out_deg = jax.ops.segment_sum(ones_e, src, num_segments=n)
    in_deg = jax.ops.segment_sum(ones_e, dst, num_segments=n)
    norm_src = jnp.power(jnp.clip(out_deg, 1.0), -0.5)
    norm_dst = jnp.power(jnp.clip(in_deg, 1.0), -0.5)

    def graph_conv(h, W, b):
        # DGL GraphConv with norm='both': D_out^{-1/2} A_msg D_in^{-1/2} h W + b
        h = h * norm_src[:, None]
        msg = jnp.take(h, src, axis=0)
        agg = jax.ops.segment_sum(msg, dst, num_segments=n)
        agg = agg * norm_dst[:, None]
        return agg @ W + b

    h = jax.nn.relu(graph_conv(x, W1, b1))
    h = jax.nn.relu(graph_conv(h, W2, b2))
    hg = jnp.mean(h, axis=0, keepdims=True)  # dgl.mean_nodes, single batched graph
    return hg @ Wfc + bfc

if __name__ == "__main__":
    import jax
    _d = setup_inputs()
    print(jax.jit(kernel)(*tuple(_d.values())))

</pallas_src>

<mosaic_0001>
#map = affine_map<(d0, d1) -> (0, 0, 0, 0, 0)>
#map1 = affine_map<(d0, d1) -> (0, 0, 0)>
#map2 = affine_map<(d0, d1) -> (0, 0)>
module attributes {stable_mosaic.version = 14 : i64} {
  func.func @_deg_body(%arg0: i32, %arg1: i32, %arg2: memref<2x16x5x25x80xi32, #tpu.memory_space<hbm>>, %arg3: memref<2x16x5x25x80xi32, #tpu.memory_space<hbm>>, %arg4: memref<2x80x128xf32, #tpu.memory_space<hbm>>, %arg5: memref<640x128xf32, #tpu.memory_space<hbm>>, %arg6: memref<2x10240x128xf32, #tpu.memory_space<hbm>>, %arg7: memref<25x80xi32, #tpu.memory_space<vmem>>, %arg8: memref<25x80xi32, #tpu.memory_space<vmem>>, %arg9: memref<80x128xf32, #tpu.memory_space<vmem>>, %arg10: memref<80x128xf32, #tpu.memory_space<vmem>>, %arg11: memref<10240x128xf32, #tpu.memory_space<vmem_shared>>, %arg12: memref<!tpu.dma_semaphore, #tpu.memory_space<semaphore_mem>>) attributes {dimension_semantics = [#tpu.dimension_semantics<core_parallel>, #tpu.dimension_semantics<subcore_parallel>], iteration_bounds = array<i64: 2, 16>, scalar_prefetch = 0 : i64, scratch_operands = 6 : i64, tpu.core_type = #tpu.core_type<sc_vector_subcore>, window_params = [{transform_indices = #map}, {transform_indices = #map}, {transform_indices = #map1}, {transform_indices = #map2}, {transform_indices = #map1}]} {
    %mul3A = arith.constant 640 : i32
    %mul3A_0 = arith.muli %arg1, %mul3A : i32
    "tpu.region"() ({
      %run_scoped3A_8 = tpu.sem_alloc : memref<!tpu.dma_semaphore, #tpu.memory_space<semaphore_mem>>
      %dma_start3A = arith.constant 0 : i32
      %dma_start3A_9 = tpu.memref_slice %arg11[%mul3A_0, %dma_start3A] : memref<10240x128xf32, #tpu.memory_space<vmem_shared>> -> memref<640x128xf32, #tpu.memory_space<vmem_shared>>
      tpu.enqueue_dma source(%arg5 : memref<640x128xf32, #tpu.memory_space<hbm>>) target(%dma_start3A_9 : memref<640x128xf32, #tpu.memory_space<vmem_shared>>) target_semaphore(%run_scoped3A_8 : memref<!tpu.dma_semaphore, #tpu.memory_space<semaphore_mem>>)
      %dma_wait3A = arith.constant 0 : i32
      %dma_wait3A_10 = tpu.memref_slice %arg11[%mul3A_0, %dma_wait3A] : memref<10240x128xf32, #tpu.memory_space<vmem_shared>> -> memref<640x128xf32, #tpu.memory_space<vmem_shared>>
      tpu.wait_dma2 semaphore(%run_scoped3A_8 : memref<!tpu.dma_semaphore, #tpu.memory_space<semaphore_mem>>) src(%arg5 : memref<640x128xf32, #tpu.memory_space<hbm>>) dst(%dma_wait3A_10 : memref<640x128xf32, #tpu.memory_space<vmem_shared>>)
      tpu.yield
    }) : () -> ()
    %run_scoped3A = arith.constant 0 : i32
    "tpu.region"() ({
      %run_scoped3A_8 = tpu.sem_alloc : memref<!tpu.dma_semaphore, #tpu.memory_space<semaphore_mem>>
      %dma_start3A = arith.constant 0 : i32
      %dma_start3A_9 = arith.constant 0 : i32
      %dma_start3A_10 = tpu.memref_slice %arg4[%run_scoped3A, %dma_start3A, %dma_start3A_9] : memref<2x80x128xf32, #tpu.memory_space<hbm>> -> memref<1x80x128xf32, #tpu.memory_space<hbm>>
      %dma_start3A_11 = tpu.memref_squeeze %dma_start3A_10 : memref<1x80x128xf32, #tpu.memory_space<hbm>> -> memref<80x128xf32, #tpu.memory_space<hbm>>
      %dma_start3A_12 = arith.constant 0 : i32
      %dma_start3A_13 = arith.constant 0 : i32
      %dma_start3A_14 = tpu.memref_slice %arg4[%run_scoped3A, %dma_start3A_12, %dma_start3A_13] : memref<2x80x128xf32, #tpu.memory_space<hbm>> -> memref<1x80x128xf32, #tpu.memory_space<hbm>>
      %dma_start3A_15 = tpu.memref_squeeze %dma_start3A_14 : memref<1x80x128xf32, #tpu.memory_space<hbm>> -> memref<80x128xf32, #tpu.memory_space<hbm>>
      tpu.enqueue_dma source(%dma_start3A_15 : memref<80x128xf32, #tpu.memory_space<hbm>>) target(%arg9 : memref<80x128xf32, #tpu.memory_space<vmem>>) target_semaphore(%run_scoped3A_8 : memref<!tpu.dma_semaphore, #tpu.memory_space<semaphore_mem>>)
      %dma_wait3A = arith.constant 0 : i32
      %dma_wait3A_16 = arith.constant 0 : i32
      %dma_wait3A_17 = tpu.memref_slice %arg4[%run_scoped3A, %dma_wait3A, %dma_wait3A_16] : memref<2x80x128xf32, #tpu.memory_space<hbm>> -> memref<1x80x128xf32, #tpu.memory_space<hbm>>
      %dma_wait3A_18 = tpu.memref_squeeze %dma_wait3A_17 : memref<1x80x128xf32, #tpu.memory_space<hbm>> -> memref<80x128xf32, #tpu.memory_space<hbm>>
      %dma_wait3A_19 = arith.constant 0 : i32
      %dma_wait3A_20 = arith.constant 0 : i32
      %dma_wait3A_21 = tpu.memref_slice %arg4[%run_scoped3A, %dma_wait3A_19, %dma_wait3A_20] : memref<2x80x128xf32, #tpu.memory_space<hbm>> -> memref<1x80x128xf32, #tpu.memory_space<hbm>>
      %dma_wait3A_22 = tpu.memref_squeeze %dma_wait3A_21 : memref<1x80x128xf32, #tpu.memory_space<hbm>> -> memref<80x128xf32, #tpu.memory_space<hbm>>
      tpu.wait_dma2 semaphore(%run_scoped3A_8 : memref<!tpu.dma_semaphore, #tpu.memory_space<semaphore_mem>>) src(%dma_wait3A_22 : memref<80x128xf32, #tpu.memory_space<hbm>>) dst(%arg9 : memref<80x128xf32, #tpu.memory_space<vmem>>)
      tpu.yield
    }) : () -> ()
    %run_scoped3A_1 = arith.constant 1 : i32
    "tpu.region"() ({
      %run_scoped3A_8 = tpu.sem_alloc : memref<!tpu.dma_semaphore, #tpu.memory_space<semaphore_mem>>
      %dma_start3A = arith.constant 0 : i32
      %dma_start3A_9 = arith.constant 0 : i32
      %dma_start3A_10 = tpu.memref_slice %arg4[%run_scoped3A_1, %dma_start3A, %dma_start3A_9] : memref<2x80x128xf32, #tpu.memory_space<hbm>> -> memref<1x80x128xf32, #tpu.memory_space<hbm>>
      %dma_start3A_11 = tpu.memref_squeeze %dma_start3A_10 : memref<1x80x128xf32, #tpu.memory_space<hbm>> -> memref<80x128xf32, #tpu.memory_space<hbm>>
      %dma_start3A_12 = arith.constant 0 : i32
      %dma_start3A_13 = arith.constant 0 : i32
      %dma_start3A_14 = tpu.memref_slice %arg4[%run_scoped3A_1, %dma_start3A_12, %dma_start3A_13] : memref<2x80x128xf32, #tpu.memory_space<hbm>> -> memref<1x80x128xf32, #tpu.memory_space<hbm>>
      %dma_start3A_15 = tpu.memref_squeeze %dma_start3A_14 : memref<1x80x128xf32, #tpu.memory_space<hbm>> -> memref<80x128xf32, #tpu.memory_space<hbm>>
      tpu.enqueue_dma source(%dma_start3A_15 : memref<80x128xf32, #tpu.memory_space<hbm>>) target(%arg10 : memref<80x128xf32, #tpu.memory_space<vmem>>) target_semaphore(%run_scoped3A_8 : memref<!tpu.dma_semaphore, #tpu.memory_space<semaphore_mem>>)
      %dma_wait3A = arith.constant 0 : i32
      %dma_wait3A_16 = arith.constant 0 : i32
      %dma_wait3A_17 = tpu.memref_slice %arg4[%run_scoped3A_1, %dma_wait3A, %dma_wait3A_16] : memref<2x80x128xf32, #tpu.memory_space<hbm>> -> memref<1x80x128xf32, #tpu.memory_space<hbm>>
      %dma_wait3A_18 = tpu.memref_squeeze %dma_wait3A_17 : memref<1x80x128xf32, #tpu.memory_space<hbm>> -> memref<80x128xf32, #tpu.memory_space<hbm>>
      %dma_wait3A_19 = arith.constant 0 : i32
      %dma_wait3A_20 = arith.constant 0 : i32
      %dma_wait3A_21 = tpu.memref_slice %arg4[%run_scoped3A_1, %dma_wait3A_19, %dma_wait3A_20] : memref<2x80x128xf32, #tpu.memory_space<hbm>> -> memref<1x80x128xf32, #tpu.memory_space<hbm>>
      %dma_wait3A_22 = tpu.memref_squeeze %dma_wait3A_21 : memref<1x80x128xf32, #tpu.memory_space<hbm>> -> memref<80x128xf32, #tpu.memory_space<hbm>>
      tpu.wait_dma2 semaphore(%run_scoped3A_8 : memref<!tpu.dma_semaphore, #tpu.memory_space<semaphore_mem>>) src(%dma_wait3A_22 : memref<80x128xf32, #tpu.memory_space<hbm>>) dst(%arg10 : memref<80x128xf32, #tpu.memory_space<vmem>>)
      tpu.yield
    }) : () -> ()
    %barrier3A = arith.constant 0 : index
    tpu.barrier barrier_id(%barrier3A)
    %scan3A = arith.constant 0 : i32
    %scan3A_2 = arith.constant 0 : i32
    %scan3A_3 = arith.constant 5 : i32
    %scan3A_4 = arith.addi %scan3A_2, %scan3A_3 : i32
    %scan3A_5 = arith.constant 1 : i32
    scf.for %scan3A_8 = %scan3A_2 to %scan3A_4 step %scan3A_5  : i32 {
      "tpu.region"() ({
        %run_scoped3A_21 = tpu.sem_alloc : memref<!tpu.dma_semaphore, #tpu.memory_space<semaphore_mem>>
        %dma_start3A = arith.constant 0 : i32
        %dma_start3A_22 = arith.constant 0 : i32
        %dma_start3A_23 = tpu.memref_slice %arg2[%arg0, %arg1, %scan3A_8, %dma_start3A, %dma_start3A_22] : memref<2x16x5x25x80xi32, #tpu.memory_space<hbm>> -> memref<1x1x1x25x80xi32, #tpu.memory_space<hbm>>
        %dma_start3A_24 = tpu.memref_squeeze %dma_start3A_23 : memref<1x1x1x25x80xi32, #tpu.memory_space<hbm>> -> memref<25x80xi32, #tpu.memory_space<hbm>>
        %dma_start3A_25 = arith.constant 0 : i32
        %dma_start3A_26 = arith.constant 0 : i32
        %dma_start3A_27 = tpu.memref_slice %arg2[%arg0, %arg1, %scan3A_8, %dma_start3A_25, %dma_start3A_26] : memref<2x16x5x25x80xi32, #tpu.memory_space<hbm>> -> memref<1x1x1x25x80xi32, #tpu.memory_space<hbm>>
        %dma_start3A_28 = tpu.memref_squeeze %dma_start3A_27 : memref<1x1x1x25x80xi32, #tpu.memory_space<hbm>> -> memref<25x80xi32, #tpu.memory_space<hbm>>
        tpu.enqueue_dma source(%dma_start3A_28 : memref<25x80xi32, #tpu.memory_space<hbm>>) target(%arg7 : memref<25x80xi32, #tpu.memory_space<vmem>>) target_semaphore(%run_scoped3A_21 : memref<!tpu.dma_semaphore, #tpu.memory_space<semaphore_mem>>)
        %dma_wait3A = arith.constant 0 : i32
        %dma_wait3A_29 = arith.constant 0 : i32
        %dma_wait3A_30 = tpu.memref_slice %arg2[%arg0, %arg1, %scan3A_8, %dma_wait3A, %dma_wait3A_29] : memref<2x16x5x25x80xi32, #tpu.memory_space<hbm>> -> memref<1x1x1x25x80xi32, #tpu.memory_space<hbm>>
        %dma_wait3A_31 = tpu.memref_squeeze %dma_wait3A_30 : memref<1x1x1x25x80xi32, #tpu.memory_space<hbm>> -> memref<25x80xi32, #tpu.memory_space<hbm>>
        %dma_wait3A_32 = arith.constant 0 : i32
        %dma_wait3A_33 = arith.constant 0 : i32
        %dma_wait3A_34 = tpu.memref_slice %arg2[%arg0, %arg1, %scan3A_8, %dma_wait3A_32, %dma_wait3A_33] : memref<2x16x5x25x80xi32, #tpu.memory_space<hbm>> -> memref<1x1x1x25x80xi32, #tpu.memory_space<hbm>>
        %dma_wait3A_35 = tpu.memref_squeeze %dma_wait3A_34 : memref<1x1x1x25x80xi32, #tpu.memory_space<hbm>> -> memref<25x80xi32, #tpu.memory_space<hbm>>
        tpu.wait_dma2 semaphore(%run_scoped3A_21 : memref<!tpu.dma_semaphore, #tpu.memory_space<semaphore_mem>>) src(%dma_wait3A_35 : memref<25x80xi32, #tpu.memory_space<hbm>>) dst(%arg7 : memref<25x80xi32, #tpu.memory_space<vmem>>)
        tpu.yield
      }) : () -> ()
      "tpu.region"() ({
        %run_scoped3A_21 = tpu.sem_alloc : memref<!tpu.dma_semaphore, #tpu.memory_space<semaphore_mem>>
        %dma_start3A = arith.constant 0 : i32
        %dma_start3A_22 = arith.constant 0 : i32
        %dma_start3A_23 = tpu.memref_slice %arg3[%arg0, %arg1, %scan3A_8, %dma_start3A, %dma_start3A_22] : memref<2x16x5x25x80xi32, #tpu.memory_space<hbm>> -> memref<1x1x1x25x80xi32, #tpu.memory_space<hbm>>
        %dma_start3A_24 = tpu.memref_squeeze %dma_start3A_23 : memref<1x1x1x25x80xi32, #tpu.memory_space<hbm>> -> memref<25x80xi32, #tpu.memory_space<hbm>>
        %dma_start3A_25 = arith.constant 0 : i32
        %dma_start3A_26 = arith.constant 0 : i32
        %dma_start3A_27 = tpu.memref_slice %arg3[%arg0, %arg1, %scan3A_8, %dma_start3A_25, %dma_start3A_26] : memref<2x16x5x25x80xi32, #tpu.memory_space<hbm>> -> memref<1x1x1x25x80xi32, #tpu.memory_space<hbm>>
        %dma_start3A_28 = tpu.memref_squeeze %dma_start3A_27 : memref<1x1x1x25x80xi32, #tpu.memory_space<hbm>> -> memref<25x80xi32, #tpu.memory_space<hbm>>
        tpu.enqueue_dma source(%dma_start3A_28 : memref<25x80xi32, #tpu.memory_space<hbm>>) target(%arg8 : memref<25x80xi32, #tpu.memory_space<vmem>>) target_semaphore(%run_scoped3A_21 : memref<!tpu.dma_semaphore, #tpu.memory_space<semaphore_mem>>)
        %dma_wait3A = arith.constant 0 : i32
        %dma_wait3A_29 = arith.constant 0 : i32
        %dma_wait3A_30 = tpu.memref_slice %arg3[%arg0, %arg1, %scan3A_8, %dma_wait3A, %dma_wait3A_29] : memref<2x16x5x25x80xi32, #tpu.memory_space<hbm>> -> memref<1x1x1x25x80xi32, #tpu.memory_space<hbm>>
        %dma_wait3A_31 = tpu.memref_squeeze %dma_wait3A_30 : memref<1x1x1x25x80xi32, #tpu.memory_space<hbm>> -> memref<25x80xi32, #tpu.memory_space<hbm>>
        %dma_wait3A_32 = arith.constant 0 : i32
        %dma_wait3A_33 = arith.constant 0 : i32
        %dma_wait3A_34 = tpu.memref_slice %arg3[%arg0, %arg1, %scan3A_8, %dma_wait3A_32, %dma_wait3A_33] : memref<2x16x5x25x80xi32, #tpu.memory_space<hbm>> -> memref<1x1x1x25x80xi32, #tpu.memory_space<hbm>>
        %dma_wait3A_35 = tpu.memref_squeeze %dma_wait3A_34 : memref<1x1x1x25x80xi32, #tpu.memory_space<hbm>> -> memref<25x80xi32, #tpu.memory_space<hbm>>
        tpu.wait_dma2 semaphore(%run_scoped3A_21 : memref<!tpu.dma_semaphore, #tpu.memory_space<semaphore_mem>>) src(%dma_wait3A_35 : memref<25x80xi32, #tpu.memory_space<hbm>>) dst(%arg8 : memref<25x80xi32, #tpu.memory_space<vmem>>)
        tpu.yield
      }) : () -> ()
      %scan3A_9 = arith.constant 0 : i32
      %scan3A_10 = arith.constant 0 : i32
      %scan3A_11 = arith.constant 25 : i32
      %scan3A_12 = arith.addi %scan3A_10, %scan3A_11 : i32
      %scan3A_13 = arith.constant 1 : i32
      scf.for %scan3A_21 = %scan3A_10 to %scan3A_12 step %scan3A_13  : i32 {
        %dma_start3A = arith.constant 0 : i32
        %dma_start3A_22 = tpu.memref_slice %arg7[%scan3A_21, %dma_start3A] : memref<25x80xi32, #tpu.memory_space<vmem>> -> memref<1x80xi32, #tpu.memory_space<vmem>>
        %dma_start3A_23 = tpu.memref_squeeze %dma_start3A_22 : memref<1x80xi32, #tpu.memory_space<vmem>> -> memref<80xi32, #tpu.memory_space<vmem>>
        %dma_start3A_24 = arith.constant 0 : i32
        %dma_start3A_25 = arith.constant 0 : i32
        %dma_start3A_26 = tpu.memref_slice %arg11[%dma_start3A_24, %dma_start3A_25] : memref<10240x128xf32, #tpu.memory_space<vmem_shared>> -> memref<10240x128xf32, #tpu.memory_space<vmem_shared>>
        tpu.enqueue_indirect_dma source(%arg9 : memref<80x128xf32, #tpu.memory_space<vmem>>) target(%dma_start3A_26 : memref<10240x128xf32, #tpu.memory_space<vmem_shared>>) offsets(%dma_start3A_23 : memref<80xi32, #tpu.memory_space<vmem>>) semaphore(%arg12 : memref<!tpu.dma_semaphore, #tpu.memory_space<semaphore_mem>>) {add = true}
        %dma_start3A_27 = arith.constant 0 : i32
        %dma_start3A_28 = tpu.memref_slice %arg8[%scan3A_21, %dma_start3A_27] : memref<25x80xi32, #tpu.memory_space<vmem>> -> memref<1x80xi32, #tpu.memory_space<vmem>>
        %dma_start3A_29 = tpu.memref_squeeze %dma_start3A_28 : memref<1x80xi32, #tpu.memory_space<vmem>> -> memref<80xi32, #tpu.memory_space<vmem>>
        %dma_start3A_30 = arith.constant 0 : i32
        %dma_start3A_31 = arith.constant 0 : i32
        %dma_start3A_32 = tpu.memref_slice %arg11[%dma_start3A_30, %dma_start3A_31] : memref<10240x128xf32, #tpu.memory_space<vmem_shared>> -> memref<10240x128xf32, #tpu.memory_space<vmem_shared>>
        tpu.enqueue_indirect_dma source(%arg10 : memref<80x128xf32, #tpu.memory_space<vmem>>) target(%dma_start3A_32 : memref<10240x128xf32, #tpu.memory_space<vmem_shared>>) offsets(%dma_start3A_29 : memref<80xi32, #tpu.memory_space<vmem>>) semaphore(%arg12 : memref<!tpu.dma_semaphore, #tpu.memory_space<semaphore_mem>>) {add = true}
      }
      %scan3A_14 = arith.constant 25 : i32
      %scan3A_15 = arith.constant 0 : i32
      %scan3A_16 = arith.constant 0 : i32
      %scan3A_17 = arith.constant 25 : i32
      %scan3A_18 = arith.addi %scan3A_16, %scan3A_17 : i32
      %scan3A_19 = arith.constant 1 : i32
      scf.for %scan3A_21 = %scan3A_16 to %scan3A_18 step %scan3A_19  : i32 {
        %dma_wait3A = arith.constant 0 : i32
        %dma_wait3A_22 = tpu.memref_slice %arg7[%scan3A_21, %dma_wait3A] : memref<25x80xi32, #tpu.memory_space<vmem>> -> memref<1x80xi32, #tpu.memory_space<vmem>>
        %dma_wait3A_23 = tpu.memref_squeeze %dma_wait3A_22 : memref<1x80xi32, #tpu.memory_space<vmem>> -> memref<80xi32, #tpu.memory_space<vmem>>
        %dma_wait3A_24 = arith.constant 0 : i32
        %dma_wait3A_25 = arith.constant 0 : i32
        %dma_wait3A_26 = tpu.memref_slice %arg11[%dma_wait3A_24, %dma_wait3A_25] : memref<10240x128xf32, #tpu.memory_space<vmem_shared>> -> memref<10240x128xf32, #tpu.memory_space<vmem_shared>>
        tpu.wait_indirect_dma semaphore(%arg12 : memref<!tpu.dma_semaphore, #tpu.memory_space<semaphore_mem>>) src(%arg9 : memref<80x128xf32, #tpu.memory_space<vmem>>) dst(%dma_wait3A_26 : memref<10240x128xf32, #tpu.memory_space<vmem_shared>>)
        %dma_wait3A_27 = arith.constant 0 : i32
        %dma_wait3A_28 = tpu.memref_slice %arg8[%scan3A_21, %dma_wait3A_27] : memref<25x80xi32, #tpu.memory_space<vmem>> -> memref<1x80xi32, #tpu.memory_space<vmem>>
        %dma_wait3A_29 = tpu.memref_squeeze %dma_wait3A_28 : memref<1x80xi32, #tpu.memory_space<vmem>> -> memref<80xi32, #tpu.memory_space<vmem>>
        %dma_wait3A_30 = arith.constant 0 : i32
        %dma_wait3A_31 = arith.constant 0 : i32
        %dma_wait3A_32 = tpu.memref_slice %arg11[%dma_wait3A_30, %dma_wait3A_31] : memref<10240x128xf32, #tpu.memory_space<vmem_shared>> -> memref<10240x128xf32, #tpu.memory_space<vmem_shared>>
        tpu.wait_indirect_dma semaphore(%arg12 : memref<!tpu.dma_semaphore, #tpu.memory_space<semaphore_mem>>) src(%arg10 : memref<80x128xf32, #tpu.memory_space<vmem>>) dst(%dma_wait3A_32 : memref<10240x128xf32, #tpu.memory_space<vmem_shared>>)
      }
      %scan3A_20 = arith.constant 25 : i32
    }
    %scan3A_6 = arith.constant 5 : i32
    %barrier3A_7 = arith.constant 0 : index
    tpu.barrier barrier_id(%barrier3A_7)
    "tpu.region"() ({
      %run_scoped3A_8 = tpu.sem_alloc : memref<!tpu.dma_semaphore, #tpu.memory_space<semaphore_mem>>
      %dma_start3A = arith.constant 0 : i32
      %dma_start3A_9 = tpu.memref_slice %arg6[%arg0, %mul3A_0, %dma_start3A] : memref<2x10240x128xf32, #tpu.memory_space<hbm>> -> memref<1x640x128xf32, #tpu.memory_space<hbm>>
      %dma_start3A_10 = tpu.memref_squeeze %dma_start3A_9 : memref<1x640x128xf32, #tpu.memory_space<hbm>> -> memref<640x128xf32, #tpu.memory_space<hbm>>
      %dma_start3A_11 = arith.constant 0 : i32
      %dma_start3A_12 = tpu.memref_slice %arg11[%mul3A_0, %dma_start3A_11] : memref<10240x128xf32, #tpu.memory_space<vmem_shared>> -> memref<640x128xf32, #tpu.memory_space<vmem_shared>>
      tpu.enqueue_dma source(%dma_start3A_12 : memref<640x128xf32, #tpu.memory_space<vmem_shared>>) target(%dma_start3A_10 : memref<640x128xf32, #tpu.memory_space<hbm>>) target_semaphore(%run_scoped3A_8 : memref<!tpu.dma_semaphore, #tpu.memory_space<semaphore_mem>>)
      %dma_wait3A = arith.constant 0 : i32
      %dma_wait3A_13 = tpu.memref_slice %arg6[%arg0, %mul3A_0, %dma_wait3A] : memref<2x10240x128xf32, #tpu.memory_space<hbm>> -> memref<1x640x128xf32, #tpu.memory_space<hbm>>
      %dma_wait3A_14 = tpu.memref_squeeze %dma_wait3A_13 : memref<1x640x128xf32, #tpu.memory_space<hbm>> -> memref<640x128xf32, #tpu.memory_space<hbm>>
      %dma_wait3A_15 = arith.constant 0 : i32
      %dma_wait3A_16 = tpu.memref_slice %arg11[%mul3A_0, %dma_wait3A_15] : memref<10240x128xf32, #tpu.memory_space<vmem_shared>> -> memref<640x128xf32, #tpu.memory_space<vmem_shared>>
      tpu.wait_dma2 semaphore(%run_scoped3A_8 : memref<!tpu.dma_semaphore, #tpu.memory_space<semaphore_mem>>) src(%dma_wait3A_16 : memref<640x128xf32, #tpu.memory_space<vmem_shared>>) dst(%dma_wait3A_14 : memref<640x128xf32, #tpu.memory_space<hbm>>)
      tpu.yield
    }) : () -> ()
    return
  }
}

#map = affine_map<(d0, d1) -> (0, 0)>
#map1 = affine_map<(d0, d1) -> (0, 0, 0, 0, 0)>
#map2 = affine_map<(d0, d1) -> (0, 0, 0)>
module attributes {stable_mosaic.version = 14 : i64} {
  func.func @body(%arg0: i32, %arg1: i32, %arg2: memref<10240x128xf32, #tpu.memory_space<hbm>>, %arg3: memref<2x16x5x25x80xi32, #tpu.memory_space<hbm>>, %arg4: memref<2x16x5x25x80xi32, #tpu.memory_space<hbm>>, %arg5: memref<640x128xf32, #tpu.memory_space<hbm>>, %arg6: memref<2x10240x128xf32, #tpu.memory_space<hbm>>, %arg7: memref<25x80xi32, #tpu.memory_space<vmem>>, %arg8: memref<25x80xi32, #tpu.memory_space<vmem>>, %arg9: memref<80x128xf32, #tpu.memory_space<vmem>>, %arg10: memref<80x128xf32, #tpu.memory_space<vmem>>, %arg11: memref<80x128xf32, #tpu.memory_space<vmem>>, %arg12: memref<10240x128xf32, #tpu.memory_space<vmem_shared>>, %arg13: memref<!tpu.dma_semaphore, #tpu.memory_space<semaphore_mem>>, %arg14: memref<!tpu.dma_semaphore, #tpu.memory_space<semaphore_mem>>, %arg15: memref<!tpu.dma_semaphore, #tpu.memory_space<semaphore_mem>>, %arg16: memref<!tpu.dma_semaphore, #tpu.memory_space<semaphore_mem>>, %arg17: memref<!tpu.dma_semaphore, #tpu.memory_space<semaphore_mem>>, %arg18: memref<!tpu.dma_semaphore, #tpu.memory_space<semaphore_mem>>) attributes {dimension_semantics = [#tpu.dimension_semantics<core_parallel>, #tpu.dimension_semantics<subcore_parallel>], iteration_bounds = array<i64: 2, 16>, scalar_prefetch = 0 : i64, scratch_operands = 12 : i64, tpu.core_type = #tpu.core_type<sc_vector_subcore>, window_params = [{transform_indices = #map}, {transform_indices = #map1}, {transform_indices = #map1}, {transform_indices = #map}, {transform_indices = #map2}]} {
    %mul3A = arith.constant 640 : i32
    %mul3A_0 = arith.muli %arg1, %mul3A : i32
    "tpu.region"() ({
      %run_scoped3A = tpu.sem_alloc : memref<!tpu.dma_semaphore, #tpu.memory_space<semaphore_mem>>
      %dma_start3A = arith.constant 0 : i32
      %dma_start3A_7 = tpu.memref_slice %arg12[%mul3A_0, %dma_start3A] : memref<10240x128xf32, #tpu.memory_space<vmem_shared>> -> memref<640x128xf32, #tpu.memory_space<vmem_shared>>
      tpu.enqueue_dma source(%arg5 : memref<640x128xf32, #tpu.memory_space<hbm>>) target(%dma_start3A_7 : memref<640x128xf32, #tpu.memory_space<vmem_shared>>) target_semaphore(%run_scoped3A : memref<!tpu.dma_semaphore, #tpu.memory_space<semaphore_mem>>)
      %dma_wait3A = arith.constant 0 : i32
      %dma_wait3A_8 = tpu.memref_slice %arg12[%mul3A_0, %dma_wait3A] : memref<10240x128xf32, #tpu.memory_space<vmem_shared>> -> memref<640x128xf32, #tpu.memory_space<vmem_shared>>
      tpu.wait_dma2 semaphore(%run_scoped3A : memref<!tpu.dma_semaphore, #tpu.memory_space<semaphore_mem>>) src(%arg5 : memref<640x128xf32, #tpu.memory_space<hbm>>) dst(%dma_wait3A_8 : memref<640x128xf32, #tpu.memory_space<vmem_shared>>)
      tpu.yield
    }) : () -> ()
    %barrier3A = arith.constant 0 : index
    tpu.barrier barrier_id(%barrier3A)
    %scan3A = arith.constant 0 : i32
    %scan3A_1 = arith.constant 0 : i32
    %scan3A_2 = arith.constant 5 : i32
    %scan3A_3 = arith.addi %scan3A_1, %scan3A_2 : i32
    %scan3A_4 = arith.constant 1 : i32
    scf.for %scan3A_7 = %scan3A_1 to %scan3A_3 step %scan3A_4  : i32 {
      "tpu.region"() ({
        %run_scoped3A = tpu.sem_alloc : memref<!tpu.dma_semaphore, #tpu.memory_space<semaphore_mem>>
        %dma_start3A_68 = arith.constant 0 : i32
        %dma_start3A_69 = arith.constant 0 : i32
        %dma_start3A_70 = tpu.memref_slice %arg3[%arg0, %arg1, %scan3A_7, %dma_start3A_68, %dma_start3A_69] : memref<2x16x5x25x80xi32, #tpu.memory_space<hbm>> -> memref<1x1x1x25x80xi32, #tpu.memory_space<hbm>>
        %dma_start3A_71 = tpu.memref_squeeze %dma_start3A_70 : memref<1x1x1x25x80xi32, #tpu.memory_space<hbm>> -> memref<25x80xi32, #tpu.memory_space<hbm>>
        %dma_start3A_72 = arith.constant 0 : i32
        %dma_start3A_73 = arith.constant 0 : i32
        %dma_start3A_74 = tpu.memref_slice %arg3[%arg0, %arg1, %scan3A_7, %dma_start3A_72, %dma_start3A_73] : memref<2x16x5x25x80xi32, #tpu.memory_space<hbm>> -> memref<1x1x1x25x80xi32, #tpu.memory_space<hbm>>
        %dma_start3A_75 = tpu.memref_squeeze %dma_start3A_74 : memref<1x1x1x25x80xi32, #tpu.memory_space<hbm>> -> memref<25x80xi32, #tpu.memory_space<hbm>>
        tpu.enqueue_dma source(%dma_start3A_75 : memref<25x80xi32, #tpu.memory_space<hbm>>) target(%arg7 : memref<25x80xi32, #tpu.memory_space<vmem>>) target_semaphore(%run_scoped3A : memref<!tpu.dma_semaphore, #tpu.memory_space<semaphore_mem>>)
        %dma_wait3A_76 = arith.constant 0 : i32
        %dma_wait3A_77 = arith.constant 0 : i32
        %dma_wait3A_78 = tpu.memref_slice %arg3[%arg0, %arg1, %scan3A_7, %dma_wait3A_76, %dma_wait3A_77] : memref<2x16x5x25x80xi32, #tpu.memory_space<hbm>> -> memref<1x1x1x25x80xi32, #tpu.memory_space<hbm>>
        %dma_wait3A_79 = tpu.memref_squeeze %dma_wait3A_78 : memref<1x1x1x25x80xi32, #tpu.memory_space<hbm>> -> memref<25x80xi32, #tpu.memory_space<hbm>>
        %dma_wait3A_80 = arith.constant 0 : i32
        %dma_wait3A_81 = arith.constant 0 : i32
        %dma_wait3A_82 = tpu.memref_slice %arg3[%arg0, %arg1, %scan3A_7, %dma_wait3A_80, %dma_wait3A_81] : memref<2x16x5x25x80xi32, #tpu.memory_space<hbm>> -> memref<1x1x1x25x80xi32, #tpu.memory_space<hbm>>
        %dma_wait3A_83 = tpu.memref_squeeze %dma_wait3A_82 : memref<1x1x1x25x80xi32, #tpu.memory_space<hbm>> -> memref<25x80xi32, #tpu.memory_space<hbm>>
        tpu.wait_dma2 semaphore(%run_scoped3A : memref<!tpu.dma_semaphore, #tpu.memory_space<semaphore_mem>>) src(%dma_wait3A_83 : memref<25x80xi32, #tpu.memory_space<hbm>>) dst(%arg7 : memref<25x80xi32, #tpu.memory_space<vmem>>)
        tpu.yield
      }) : () -> ()
      "tpu.region"() ({
        %run_scoped3A = tpu.sem_alloc : memref<!tpu.dma_semaphore, #tpu.memory_space<semaphore_mem>>
        %dma_start3A_68 = arith.constant 0 : i32
        %dma_start3A_69 = arith.constant 0 : i32
        %dma_start3A_70 = tpu.memref_slice %arg4[%arg0, %arg1, %scan3A_7, %dma_start3A_68, %dma_start3A_69] : memref<2x16x5x25x80xi32, #tpu.memory_space<hbm>> -> memref<1x1x1x25x80xi32, #tpu.memory_space<hbm>>
        %dma_start3A_71 = tpu.memref_squeeze %dma_start3A_70 : memref<1x1x1x25x80xi32, #tpu.memory_space<hbm>> -> memref<25x80xi32, #tpu.memory_space<hbm>>
        %dma_start3A_72 = arith.constant 0 : i32
        %dma_start3A_73 = arith.constant 0 : i32
        %dma_start3A_74 = tpu.memref_slice %arg4[%arg0, %arg1, %scan3A_7, %dma_start3A_72, %dma_start3A_73] : memref<2x16x5x25x80xi32, #tpu.memory_space<hbm>> -> memref<1x1x1x25x80xi32, #tpu.memory_space<hbm>>
        %dma_start3A_75 = tpu.memref_squeeze %dma_start3A_74 : memref<1x1x1x25x80xi32, #tpu.memory_space<hbm>> -> memref<25x80xi32, #tpu.memory_space<hbm>>
        tpu.enqueue_dma source(%dma_start3A_75 : memref<25x80xi32, #tpu.memory_space<hbm>>) target(%arg8 : memref<25x80xi32, #tpu.memory_space<vmem>>) target_semaphore(%run_scoped3A : memref<!tpu.dma_semaphore, #tpu.memory_space<semaphore_mem>>)
        %dma_wait3A_76 = arith.constant 0 : i32
        %dma_wait3A_77 = arith.constant 0 : i32
        %dma_wait3A_78 = tpu.memref_slice %arg4[%arg0, %arg1, %scan3A_7, %dma_wait3A_76, %dma_wait3A_77] : memref<2x16x5x25x80xi32, #tpu.memory_space<hbm>> -> memref<1x1x1x25x80xi32, #tpu.memory_space<hbm>>
        %dma_wait3A_79 = tpu.memref_squeeze %dma_wait3A_78 : memref<1x1x1x25x80xi32, #tpu.memory_space<hbm>> -> memref<25x80xi32, #tpu.memory_space<hbm>>
        %dma_wait3A_80 = arith.constant 0 : i32
        %dma_wait3A_81 = arith.constant 0 : i32
        %dma_wait3A_82 = tpu.memref_slice %arg4[%arg0, %arg1, %scan3A_7, %dma_wait3A_80, %dma_wait3A_81] : memref<2x16x5x25x80xi32, #tpu.memory_space<hbm>> -> memref<1x1x1x25x80xi32, #tpu.memory_space<hbm>>
        %dma_wait3A_83 = tpu.memref_squeeze %dma_wait3A_82 : memref<1x1x1x25x80xi32, #tpu.memory_space<hbm>> -> memref<25x80xi32, #tpu.memory_space<hbm>>
        tpu.wait_dma2 semaphore(%run_scoped3A : memref<!tpu.dma_semaphore, #tpu.memory_space<semaphore_mem>>) src(%dma_wait3A_83 : memref<25x80xi32, #tpu.memory_space<hbm>>) dst(%arg8 : memref<25x80xi32, #tpu.memory_space<vmem>>)
        tpu.yield
      }) : () -> ()
      %dma_start3A = arith.constant 0 : i32
      %dma_start3A_8 = arith.constant 0 : i32
      %dma_start3A_9 = tpu.memref_slice %arg7[%dma_start3A, %dma_start3A_8] : memref<25x80xi32, #tpu.memory_space<vmem>> -> memref<1x80xi32, #tpu.memory_space<vmem>>
      %dma_start3A_10 = tpu.memref_squeeze %dma_start3A_9 : memref<1x80xi32, #tpu.memory_space<vmem>> -> memref<80xi32, #tpu.memory_space<vmem>>
      %dma_start3A_11 = arith.constant 0 : i32
      %dma_start3A_12 = arith.constant 0 : i32
      %dma_start3A_13 = tpu.memref_slice %arg2[%dma_start3A_11, %dma_start3A_12] : memref<10240x128xf32, #tpu.memory_space<hbm>> -> memref<10240x128xf32, #tpu.memory_space<hbm>>
      tpu.enqueue_indirect_dma source(%dma_start3A_13 : memref<10240x128xf32, #tpu.memory_space<hbm>>) target(%arg9 : memref<80x128xf32, #tpu.memory_space<vmem>>) offsets(%dma_start3A_10 : memref<80xi32, #tpu.memory_space<vmem>>) semaphore(%arg13 : memref<!tpu.dma_semaphore, #tpu.memory_space<semaphore_mem>>)
      %dma_start3A_14 = arith.constant 1 : i32
      %dma_start3A_15 = arith.constant 0 : i32
      %dma_start3A_16 = tpu.memref_slice %arg7[%dma_start3A_14, %dma_start3A_15] : memref<25x80xi32, #tpu.memory_space<vmem>> -> memref<1x80xi32, #tpu.memory_space<vmem>>
      %dma_start3A_17 = tpu.memref_squeeze %dma_start3A_16 : memref<1x80xi32, #tpu.memory_space<vmem>> -> memref<80xi32, #tpu.memory_space<vmem>>
      %dma_start3A_18 = arith.constant 0 : i32
      %dma_start3A_19 = arith.constant 0 : i32
      %dma_start3A_20 = tpu.memref_slice %arg2[%dma_start3A_18, %dma_start3A_19] : memref<10240x128xf32, #tpu.memory_space<hbm>> -> memref<10240x128xf32, #tpu.memory_space<hbm>>
      tpu.enqueue_indirect_dma source(%dma_start3A_20 : memref<10240x128xf32, #tpu.memory_space<hbm>>) target(%arg10 : memref<80x128xf32, #tpu.memory_space<vmem>>) offsets(%dma_start3A_17 : memref<80xi32, #tpu.memory_space<vmem>>) semaphore(%arg14 : memref<!tpu.dma_semaphore, #tpu.memory_space<semaphore_mem>>)
      %dma_start3A_21 = arith.constant 2 : i32
      %dma_start3A_22 = arith.constant 0 : i32
      %dma_start3A_23 = tpu.memref_slice %arg7[%dma_start3A_21, %dma_start3A_22] : memref<25x80xi32, #tpu.memory_space<vmem>> -> memref<1x80xi32, #tpu.memory_space<vmem>>
      %dma_start3A_24 = tpu.memref_squeeze %dma_start3A_23 : memref<1x80xi32, #tpu.memory_space<vmem>> -> memref<80xi32, #tpu.memory_space<vmem>>
      %dma_start3A_25 = arith.constant 0 : i32
      %dma_start3A_26 = arith.constant 0 : i32
      %dma_start3A_27 = tpu.memref_slice %arg2[%dma_start3A_25, %dma_start3A_26] : memref<10240x128xf32, #tpu.memory_space<hbm>> -> memref<10240x128xf32, #tpu.memory_space<hbm>>
      tpu.enqueue_indirect_dma source(%dma_start3A_27 : memref<10240x128xf32, #tpu.memory_space<hbm>>) target(%arg11 : memref<80x128xf32, #tpu.memory_space<vmem>>) offsets(%dma_start3A_24 : memref<80xi32, #tpu.memory_space<vmem>>) semaphore(%arg15 : memref<!tpu.dma_semaphore, #tpu.memory_space<semaphore_mem>>)
      %dma_wait3A = arith.constant 0 : i32
      %dma_wait3A_28 = arith.constant 0 : i32
      %dma_wait3A_29 = tpu.memref_slice %arg7[%dma_wait3A, %dma_wait3A_28] : memref<25x80xi32, #tpu.memory_space<vmem>> -> memref<1x80xi32, #tpu.memory_space<vmem>>
      %dma_wait3A_30 = tpu.memref_squeeze %dma_wait3A_29 : memref<1x80xi32, #tpu.memory_space<vmem>> -> memref<80xi32, #tpu.memory_space<vmem>>
      %dma_wait3A_31 = arith.constant 0 : i32
      %dma_wait3A_32 = arith.constant 0 : i32
      %dma_wait3A_33 = tpu.memref_slice %arg2[%dma_wait3A_31, %dma_wait3A_32] : memref<10240x128xf32, #tpu.memory_space<hbm>> -> memref<10240x128xf32, #tpu.memory_space<hbm>>
      tpu.wait_indirect_dma semaphore(%arg13 : memref<!tpu.dma_semaphore, #tpu.memory_space<semaphore_mem>>) src(%dma_wait3A_33 : memref<10240x128xf32, #tpu.memory_space<hbm>>) dst(%arg9 : memref<80x128xf32, #tpu.memory_space<vmem>>)
      %dma_start3A_34 = arith.constant 0 : i32
      %dma_start3A_35 = arith.constant 0 : i32
      %dma_start3A_36 = tpu.memref_slice %arg8[%dma_start3A_34, %dma_start3A_35] : memref<25x80xi32, #tpu.memory_space<vmem>> -> memref<1x80xi32, #tpu.memory_space<vmem>>
      %dma_start3A_37 = tpu.memref_squeeze %dma_start3A_36 : memref<1x80xi32, #tpu.memory_space<vmem>> -> memref<80xi32, #tpu.memory_space<vmem>>
      %dma_start3A_38 = arith.constant 0 : i32
      %dma_start3A_39 = arith.constant 0 : i32
      %dma_start3A_40 = tpu.memref_slice %arg12[%dma_start3A_38, %dma_start3A_39] : memref<10240x128xf32, #tpu.memory_space<vmem_shared>> -> memref<10240x128xf32, #tpu.memory_space<vmem_shared>>
      tpu.enqueue_indirect_dma source(%arg9 : memref<80x128xf32, #tpu.memory_space<vmem>>) target(%dma_start3A_40 : memref<10240x128xf32, #tpu.memory_space<vmem_shared>>) offsets(%dma_start3A_37 : memref<80xi32, #tpu.memory_space<vmem>>) semaphore(%arg16 : memref<!tpu.dma_semaphore, #tpu.memory_space<semaphore_mem>>) {add = true}
      %scan3A_41 = arith.constant 0 : i32
      %scan3A_42 = arith.constant 0 : i32
      %scan3A_43 = arith.constant 8 : i32
      %scan3A_44 = arith.addi %scan3A_42, %scan3A_43 : i32
      %scan3A_45 = arith.constant 1 : i32
      scf.for %scan3A_68 = %scan3A_42 to %scan3A_44 step %scan3A_45  : i32 {
        %mul3A_69 = arith.constant 3 : i32
        %mul3A_70 = arith.muli %mul3A_69, %scan3A_68 : i32
        %add3A = arith.constant 1 : i32
        %add3A_71 = arith.addi %mul3A_70, %add3A : i32
        %sub3A = arith.constant 1 : i32
        %sub3A_72 = arith.subi %add3A_71, %sub3A : i32
        %dma_wait3A_73 = arith.constant 0 : i32
        %dma_wait3A_74 = tpu.memref_slice %arg8[%sub3A_72, %dma_wait3A_73] : memref<25x80xi32, #tpu.memory_space<vmem>> -> memref<1x80xi32, #tpu.memory_space<vmem>>
        %dma_wait3A_75 = tpu.memref_squeeze %dma_wait3A_74 : memref<1x80xi32, #tpu.memory_space<vmem>> -> memref<80xi32, #tpu.memory_space<vmem>>
        %dma_wait3A_76 = arith.constant 0 : i32
        %dma_wait3A_77 = arith.constant 0 : i32
        %dma_wait3A_78 = tpu.memref_slice %arg12[%dma_wait3A_76, %dma_wait3A_77] : memref<10240x128xf32, #tpu.memory_space<vmem_shared>> -> memref<10240x128xf32, #tpu.memory_space<vmem_shared>>
        tpu.wait_indirect_dma semaphore(%arg16 : memref<!tpu.dma_semaphore, #tpu.memory_space<semaphore_mem>>) src(%arg9 : memref<80x128xf32, #tpu.memory_space<vmem>>) dst(%dma_wait3A_78 : memref<10240x128xf32, #tpu.memory_space<vmem_shared>>)
        %add3A_79 = arith.constant 2 : i32
        %add3A_80 = arith.addi %add3A_71, %add3A_79 : i32
        %ge3A = arith.constant 25 : i32
        %ge3A_81 = arith.cmpi sge, %add3A_80, %ge3A : i32
        %add3A_82 = arith.constant 2 : i32
        %add3A_83 = arith.addi %add3A_71, %add3A_82 : i32
        %jit3A = arith.constant 0 : i32
        %select_n3A = arith.select %ge3A_81, %jit3A, %add3A_83 : i32
        %dma_start3A_84 = arith.constant 0 : i32
        %dma_start3A_85 = tpu.memref_slice %arg7[%select_n3A, %dma_start3A_84] : memref<25x80xi32, #tpu.memory_space<vmem>> -> memref<1x80xi32, #tpu.memory_space<vmem>>
        %dma_start3A_86 = tpu.memref_squeeze %dma_start3A_85 : memref<1x80xi32, #tpu.memory_space<vmem>> -> memref<80xi32, #tpu.memory_space<vmem>>
        %dma_start3A_87 = arith.constant 0 : i32
        %dma_start3A_88 = arith.constant 0 : i32
        %dma_start3A_89 = tpu.memref_slice %arg2[%dma_start3A_87, %dma_start3A_88] : memref<10240x128xf32, #tpu.memory_space<hbm>> -> memref<10240x128xf32, #tpu.memory_space<hbm>>
        tpu.enqueue_indirect_dma source(%dma_start3A_89 : memref<10240x128xf32, #tpu.memory_space<hbm>>) target(%arg9 : memref<80x128xf32, #tpu.memory_space<vmem>>) offsets(%dma_start3A_86 : memref<80xi32, #tpu.memory_space<vmem>>) semaphore(%arg13 : memref<!tpu.dma_semaphore, #tpu.memory_space<semaphore_mem>>)
        %dma_wait3A_90 = arith.constant 0 : i32
        %dma_wait3A_91 = tpu.memref_slice %arg7[%add3A_71, %dma_wait3A_90] : memref<25x80xi32, #tpu.memory_space<vmem>> -> memref<1x80xi32, #tpu.memory_space<vmem>>
        %dma_wait3A_92 = tpu.memref_squeeze %dma_wait3A_91 : memref<1x80xi32, #tpu.memory_space<vmem>> -> memref<80xi32, #tpu.memory_space<vmem>>
        %dma_wait3A_93 = arith.constant 0 : i32
        %dma_wait3A_94 = arith.constant 0 : i32
        %dma_wait3A_95 = tpu.memref_slice %arg2[%dma_wait3A_93, %dma_wait3A_94] : memref<10240x128xf32, #tpu.memory_space<hbm>> -> memref<10240x128xf32, #tpu.memory_space<hbm>>
        tpu.wait_indirect_dma semaphore(%arg14 : memref<!tpu.dma_semaphore, #tpu.memory_space<semaphore_mem>>) src(%dma_wait3A_95 : memref<10240x128xf32, #tpu.memory_space<hbm>>) dst(%arg10 : memref<80x128xf32, #tpu.memory_space<vmem>>)
        %dma_start3A_96 = arith.constant 0 : i32
        %dma_start3A_97 = tpu.memref_slice %arg8[%add3A_71, %dma_start3A_96] : memref<25x80xi32, #tpu.memory_space<vmem>> -> memref<1x80xi32, #tpu.memory_space<vmem>>
        %dma_start3A_98 = tpu.memref_squeeze %dma_start3A_97 : memref<1x80xi32, #tpu.memory_space<vmem>> -> memref<80xi32, #tpu.memory_space<vmem>>
        %dma_start3A_99 = arith.constant 0 : i32
        %dma_start3A_100 = arith.constant 0 : i32
        %dma_start3A_101 = tpu.memref_slice %arg12[%dma_start3A_99, %dma_start3A_100] : memref<10240x128xf32, #tpu.memory_space<vmem_shared>> -> memref<10240x128xf32, #tpu.memory_space<vmem_shared>>
        tpu.enqueue_indirect_dma source(%arg10 : memref<80x128xf32, #tpu.memory_space<vmem>>) target(%dma_start3A_101 : memref<10240x128xf32, #tpu.memory_space<vmem_shared>>) offsets(%dma_start3A_98 : memref<80xi32, #tpu.memory_space<vmem>>) semaphore(%arg17 : memref<!tpu.dma_semaphore, #tpu.memory_space<semaphore_mem>>) {add = true}
        %add3A_102 = arith.constant 2 : i32
        %add3A_103 = arith.addi %mul3A_70, %add3A_102 : i32
        %sub3A_104 = arith.constant 1 : i32
        %sub3A_105 = arith.subi %add3A_103, %sub3A_104 : i32
        %dma_wait3A_106 = arith.constant 0 : i32
        %dma_wait3A_107 = tpu.memref_slice %arg8[%sub3A_105, %dma_wait3A_106] : memref<25x80xi32, #tpu.memory_space<vmem>> -> memref<1x80xi32, #tpu.memory_space<vmem>>
        %dma_wait3A_108 = tpu.memref_squeeze %dma_wait3A_107 : memref<1x80xi32, #tpu.memory_space<vmem>> -> memref<80xi32, #tpu.memory_space<vmem>>
        %dma_wait3A_109 = arith.constant 0 : i32
        %dma_wait3A_110 = arith.constant 0 : i32
        %dma_wait3A_111 = tpu.memref_slice %arg12[%dma_wait3A_109, %dma_wait3A_110] : memref<10240x128xf32, #tpu.memory_space<vmem_shared>> -> memref<10240x128xf32, #tpu.memory_space<vmem_shared>>
        tpu.wait_indirect_dma semaphore(%arg17 : memref<!tpu.dma_semaphore, #tpu.memory_space<semaphore_mem>>) src(%arg10 : memref<80x128xf32, #tpu.memory_space<vmem>>) dst(%dma_wait3A_111 : memref<10240x128xf32, #tpu.memory_space<vmem_shared>>)
        %add3A_112 = arith.constant 2 : i32
        %add3A_113 = arith.addi %add3A_103, %add3A_112 : i32
        %ge3A_114 = arith.constant 25 : i32
        %ge3A_115 = arith.cmpi sge, %add3A_113, %ge3A_114 : i32
        %add3A_116 = arith.constant 2 : i32
        %add3A_117 = arith.addi %add3A_103, %add3A_116 : i32
        %jit3A_118 = arith.constant 0 : i32
        %select_n3A_119 = arith.select %ge3A_115, %jit3A_118, %add3A_117 : i32
        %dma_start3A_120 = arith.constant 0 : i32
        %dma_start3A_121 = tpu.memref_slice %arg7[%select_n3A_119, %dma_start3A_120] : memref<25x80xi32, #tpu.memory_space<vmem>> -> memref<1x80xi32, #tpu.memory_space<vmem>>
        %dma_start3A_122 = tpu.memref_squeeze %dma_start3A_121 : memref<1x80xi32, #tpu.memory_space<vmem>> -> memref<80xi32, #tpu.memory_space<vmem>>
        %dma_start3A_123 = arith.constant 0 : i32
        %dma_start3A_124 = arith.constant 0 : i32
        %dma_start3A_125 = tpu.memref_slice %arg2[%dma_start3A_123, %dma_start3A_124] : memref<10240x128xf32, #tpu.memory_space<hbm>> -> memref<10240x128xf32, #tpu.memory_space<hbm>>
        tpu.enqueue_indirect_dma source(%dma_start3A_125 : memref<10240x128xf32, #tpu.memory_space<hbm>>) target(%arg10 : memref<80x128xf32, #tpu.memory_space<vmem>>) offsets(%dma_start3A_122 : memref<80xi32, #tpu.memory_space<vmem>>) semaphore(%arg14 : memref<!tpu.dma_semaphore, #tpu.memory_space<semaphore_mem>>)
        %dma_wait3A_126 = arith.constant 0 : i32
        %dma_wait3A_127 = tpu.memref_slice %arg7[%add3A_103, %dma_wait3A_126] : memref<25x80xi32, #tpu.memory_space<vmem>> -> memref<1x80xi32, #tpu.memory_space<vmem>>
        %dma_wait3A_128 = tpu.memref_squeeze %dma_wait3A_127 : memref<1x80xi32, #tpu.memory_space<vmem>> -> memref<80xi32, #tpu.memory_space<vmem>>
        %dma_wait3A_129 = arith.constant 0 : i32
        %dma_wait3A_130 = arith.constant 0 : i32
        %dma_wait3A_131 = tpu.memref_slice %arg2[%dma_wait3A_129, %dma_wait3A_130] : memref<10240x128xf32, #tpu.memory_space<hbm>> -> memref<10240x128xf32, #tpu.memory_space<hbm>>
        tpu.wait_indirect_dma semaphore(%arg15 : memref<!tpu.dma_semaphore, #tpu.memory_space<semaphore_mem>>) src(%dma_wait3A_131 : memref<10240x128xf32, #tpu.memory_space<hbm>>) dst(%arg11 : memref<80x128xf32, #tpu.memory_space<vmem>>)
        %dma_start3A_132 = arith.constant 0 : i32
        %dma_start3A_133 = tpu.memref_slice %arg8[%add3A_103, %dma_start3A_132] : memref<25x80xi32, #tpu.memory_space<vmem>> -> memref<1x80xi32, #tpu.memory_space<vmem>>
        %dma_start3A_134 = tpu.memref_squeeze %dma_start3A_133 : memref<1x80xi32, #tpu.memory_space<vmem>> -> memref<80xi32, #tpu.memory_space<vmem>>
        %dma_start3A_135 = arith.constant 0 : i32
        %dma_start3A_136 = arith.constant 0 : i32
        %dma_start3A_137 = tpu.memref_slice %arg12[%dma_start3A_135, %dma_start3A_136] : memref<10240x128xf32, #tpu.memory_space<vmem_shared>> -> memref<10240x128xf32, #tpu.memory_space<vmem_shared>>
        tpu.enqueue_indirect_dma source(%arg11 : memref<80x128xf32, #tpu.memory_space<vmem>>) target(%dma_start3A_137 : memref<10240x128xf32, #tpu.memory_space<vmem_shared>>) offsets(%dma_start3A_134 : memref<80xi32, #tpu.memory_space<vmem>>) semaphore(%arg18 : memref<!tpu.dma_semaphore, #tpu.memory_space<semaphore_mem>>) {add = true}
        %add3A_138 = arith.constant 3 : i32
        %add3A_139 = arith.addi %mul3A_70, %add3A_138 : i32
        %sub3A_140 = arith.constant 1 : i32
        %sub3A_141 = arith.subi %add3A_139, %sub3A_140 : i32
        %dma_wait3A_142 = arith.constant 0 : i32
        %dma_wait3A_143 = tpu.memref_slice %arg8[%sub3A_141, %dma_wait3A_142] : memref<25x80xi32, #tpu.memory_space<vmem>> -> memref<1x80xi32, #tpu.memory_space<vmem>>
        %dma_wait3A_144 = tpu.memref_squeeze %dma_wait3A_143 : memref<1x80xi32, #tpu.memory_space<vmem>> -> memref<80xi32, #tpu.memory_space<vmem>>
        %dma_wait3A_145 = arith.constant 0 : i32
        %dma_wait3A_146 = arith.constant 0 : i32
        %dma_wait3A_147 = tpu.memref_slice %arg12[%dma_wait3A_145, %dma_wait3A_146] : memref<10240x128xf32, #tpu.memory_space<vmem_shared>> -> memref<10240x128xf32, #tpu.memory_space<vmem_shared>>
        tpu.wait_indirect_dma semaphore(%arg18 : memref<!tpu.dma_semaphore, #tpu.memory_space<semaphore_mem>>) src(%arg11 : memref<80x128xf32, #tpu.memory_space<vmem>>) dst(%dma_wait3A_147 : memref<10240x128xf32, #tpu.memory_space<vmem_shared>>)
        %add3A_148 = arith.constant 2 : i32
        %add3A_149 = arith.addi %add3A_139, %add3A_148 : i32
        %ge3A_150 = arith.constant 25 : i32
        %ge3A_151 = arith.cmpi sge, %add3A_149, %ge3A_150 : i32
        %add3A_152 = arith.constant 2 : i32
        %add3A_153 = arith.addi %add3A_139, %add3A_152 : i32
        %jit3A_154 = arith.constant 0 : i32
        %select_n3A_155 = arith.select %ge3A_151, %jit3A_154, %add3A_153 : i32
        %dma_start3A_156 = arith.constant 0 : i32
        %dma_start3A_157 = tpu.memref_slice %arg7[%select_n3A_155, %dma_start3A_156] : memref<25x80xi32, #tpu.memory_space<vmem>> -> memref<1x80xi32, #tpu.memory_space<vmem>>
        %dma_start3A_158 = tpu.memref_squeeze %dma_start3A_157 : memref<1x80xi32, #tpu.memory_space<vmem>> -> memref<80xi32, #tpu.memory_space<vmem>>
        %dma_start3A_159 = arith.constant 0 : i32
        %dma_start3A_160 = arith.constant 0 : i32
        %dma_start3A_161 = tpu.memref_slice %arg2[%dma_start3A_159, %dma_start3A_160] : memref<10240x128xf32, #tpu.memory_space<hbm>> -> memref<10240x128xf32, #tpu.memory_space<hbm>>
        tpu.enqueue_indirect_dma source(%dma_start3A_161 : memref<10240x128xf32, #tpu.memory_space<hbm>>) target(%arg11 : memref<80x128xf32, #tpu.memory_space<vmem>>) offsets(%dma_start3A_158 : memref<80xi32, #tpu.memory_space<vmem>>) semaphore(%arg15 : memref<!tpu.dma_semaphore, #tpu.memory_space<semaphore_mem>>)
        %dma_wait3A_162 = arith.constant 0 : i32
        %dma_wait3A_163 = tpu.memref_slice %arg7[%add3A_139, %dma_wait3A_162] : memref<25x80xi32, #tpu.memory_space<vmem>> -> memref<1x80xi32, #tpu.memory_space<vmem>>
        %dma_wait3A_164 = tpu.memref_squeeze %dma_wait3A_163 : memref<1x80xi32, #tpu.memory_space<vmem>> -> memref<80xi32, #tpu.memory_space<vmem>>
        %dma_wait3A_165 = arith.constant 0 : i32
        %dma_wait3A_166 = arith.constant 0 : i32
        %dma_wait3A_167 = tpu.memref_slice %arg2[%dma_wait3A_165, %dma_wait3A_166] : memref<10240x128xf32, #tpu.memory_space<hbm>> -> memref<10240x128xf32, #tpu.memory_space<hbm>>
        tpu.wait_indirect_dma semaphore(%arg13 : memref<!tpu.dma_semaphore, #tpu.memory_space<semaphore_mem>>) src(%dma_wait3A_167 : memref<10240x128xf32, #tpu.memory_space<hbm>>) dst(%arg9 : memref<80x128xf32, #tpu.memory_space<vmem>>)
        %dma_start3A_168 = arith.constant 0 : i32
        %dma_start3A_169 = tpu.memref_slice %arg8[%add3A_139, %dma_start3A_168] : memref<25x80xi32, #tpu.memory_space<vmem>> -> memref<1x80xi32, #tpu.memory_space<vmem>>
        %dma_start3A_170 = tpu.memref_squeeze %dma_start3A_169 : memref<1x80xi32, #tpu.memory_space<vmem>> -> memref<80xi32, #tpu.memory_space<vmem>>
        %dma_start3A_171 = arith.constant 0 : i32
        %dma_start3A_172 = arith.constant 0 : i32
        %dma_start3A_173 = tpu.memref_slice %arg12[%dma_start3A_171, %dma_start3A_172] : memref<10240x128xf32, #tpu.memory_space<vmem_shared>> -> memref<10240x128xf32, #tpu.memory_space<vmem_shared>>
        tpu.enqueue_indirect_dma source(%arg9 : memref<80x128xf32, #tpu.memory_space<vmem>>) target(%dma_start3A_173 : memref<10240x128xf32, #tpu.memory_space<vmem_shared>>) offsets(%dma_start3A_170 : memref<80xi32, #tpu.memory_space<vmem>>) semaphore(%arg16 : memref<!tpu.dma_semaphore, #tpu.memory_space<semaphore_mem>>) {add = true}
      }
      %scan3A_46 = arith.constant 8 : i32
      %dma_wait3A_47 = arith.constant 24 : i32
      %dma_wait3A_48 = arith.constant 0 : i32
      %dma_wait3A_49 = tpu.memref_slice %arg8[%dma_wait3A_47, %dma_wait3A_48] : memref<25x80xi32, #tpu.memory_space<vmem>> -> memref<1x80xi32, #tpu.memory_space<vmem>>
      %dma_wait3A_50 = tpu.memref_squeeze %dma_wait3A_49 : memref<1x80xi32, #tpu.memory_space<vmem>> -> memref<80xi32, #tpu.memory_space<vmem>>
      %dma_wait3A_51 = arith.constant 0 : i32
      %dma_wait3A_52 = arith.constant 0 : i32
      %dma_wait3A_53 = tpu.memref_slice %arg12[%dma_wait3A_51, %dma_wait3A_52] : memref<10240x128xf32, #tpu.memory_space<vmem_shared>> -> memref<10240x128xf32, #tpu.memory_space<vmem_shared>>
      tpu.wait_indirect_dma semaphore(%arg16 : memref<!tpu.dma_semaphore, #tpu.memory_space<semaphore_mem>>) src(%arg9 : memref<80x128xf32, #tpu.memory_space<vmem>>) dst(%dma_wait3A_53 : memref<10240x128xf32, #tpu.memory_space<vmem_shared>>)
      %dma_wait3A_54 = arith.constant 0 : i32
      %dma_wait3A_55 = arith.constant 0 : i32
      %dma_wait3A_56 = tpu.memref_slice %arg7[%dma_wait3A_54, %dma_wait3A_55] : memref<25x80xi32, #tpu.memory_space<vmem>> -> memref<1x80xi32, #tpu.memory_space<vmem>>
      %dma_wait3A_57 = tpu.memref_squeeze %dma_wait3A_56 : memref<1x80xi32, #tpu.memory_space<vmem>> -> memref<80xi32, #tpu.memory_space<vmem>>
      %dma_wait3A_58 = arith.constant 0 : i32
      %dma_wait3A_59 = arith.constant 0 : i32
      %dma_wait3A_60 = tpu.memref_slice %arg2[%dma_wait3A_58, %dma_wait3A_59] : memref<10240x128xf32, #tpu.memory_space<hbm>> -> memref<10240x128xf32, #tpu.memory_space<hbm>>
      tpu.wait_indirect_dma semaphore(%arg14 : memref<!tpu.dma_semaphore, #tpu.memory_space<semaphore_mem>>) src(%dma_wait3A_60 : memref<10240x128xf32, #tpu.memory_space<hbm>>) dst(%arg10 : memref<80x128xf32, #tpu.memory_space<vmem>>)
      %dma_wait3A_61 = arith.constant 0 : i32
      %dma_wait3A_62 = arith.constant 0 : i32
      %dma_wait3A_63 = tpu.memref_slice %arg7[%dma_wait3A_61, %dma_wait3A_62] : memref<25x80xi32, #tpu.memory_space<vmem>> -> memref<1x80xi32, #tpu.memory_space<vmem>>
      %dma_wait3A_64 = tpu.memref_squeeze %dma_wait3A_63 : memref<1x80xi32, #tpu.memory_space<vmem>> -> memref<80xi32, #tpu.memory_space<vmem>>
      %dma_wait3A_65 = arith.constant 0 : i32
      %dma_wait3A_66 = arith.constant 0 : i32
      %dma_wait3A_67 = tpu.memref_slice %arg2[%dma_wait3A_65, %dma_wait3A_66] : memref<10240x128xf32, #tpu.memory_space<hbm>> -> memref<10240x128xf32, #tpu.memory_space<hbm>>
      tpu.wait_indirect_dma semaphore(%arg15 : memref<!tpu.dma_semaphore, #tpu.memory_space<semaphore_mem>>) src(%dma_wait3A_67 : memref<10240x128xf32, #tpu.memory_space<hbm>>) dst(%arg11 : memref<80x128xf32, #tpu.memory_space<vmem>>)
    }
    %scan3A_5 = arith.constant 5 : i32
    %barrier3A_6 = arith.constant 0 : index
    tpu.barrier barrier_id(%barrier3A_6)
    "tpu.region"() ({
      %run_scoped3A = tpu.sem_alloc : memref<!tpu.dma_semaphore, #tpu.memory_space<semaphore_mem>>
      %dma_start3A = arith.constant 0 : i32
      %dma_start3A_7 = tpu.memref_slice %arg6[%arg0, %mul3A_0, %dma_start3A] : memref<2x10240x128xf32, #tpu.memory_space<hbm>> -> memref<1x640x128xf32, #tpu.memory_space<hbm>>
      %dma_start3A_8 = tpu.memref_squeeze %dma_start3A_7 : memref<1x640x128xf32, #tpu.memory_space<hbm>> -> memref<640x128xf32, #tpu.memory_space<hbm>>
      %dma_start3A_9 = arith.constant 0 : i32
      %dma_start3A_10 = tpu.memref_slice %arg12[%mul3A_0, %dma_start3A_9] : memref<10240x128xf32, #tpu.memory_space<vmem_shared>> -> memref<640x128xf32, #tpu.memory_space<vmem_shared>>
      tpu.enqueue_dma source(%dma_start3A_10 : memref<640x128xf32, #tpu.memory_space<vmem_shared>>) target(%dma_start3A_8 : memref<640x128xf32, #tpu.memory_space<hbm>>) target_semaphore(%run_scoped3A : memref<!tpu.dma_semaphore, #tpu.memory_space<semaphore_mem>>)
      %dma_wait3A = arith.constant 0 : i32
      %dma_wait3A_11 = tpu.memref_slice %arg6[%arg0, %mul3A_0, %dma_wait3A] : memref<2x10240x128xf32, #tpu.memory_space<hbm>> -> memref<1x640x128xf32, #tpu.memory_space<hbm>>
      %dma_wait3A_12 = tpu.memref_squeeze %dma_wait3A_11 : memref<1x640x128xf32, #tpu.memory_space<hbm>> -> memref<640x128xf32, #tpu.memory_space<hbm>>
      %dma_wait3A_13 = arith.constant 0 : i32
      %dma_wait3A_14 = tpu.memref_slice %arg12[%mul3A_0, %dma_wait3A_13] : memref<10240x128xf32, #tpu.memory_space<vmem_shared>> -> memref<640x128xf32, #tpu.memory_space<vmem_shared>>
      tpu.wait_dma2 semaphore(%run_scoped3A : memref<!tpu.dma_semaphore, #tpu.memory_space<semaphore_mem>>) src(%dma_wait3A_14 : memref<640x128xf32, #tpu.memory_space<vmem_shared>>) dst(%dma_wait3A_12 : memref<640x128xf32, #tpu.memory_space<hbm>>)
      tpu.yield
    }) : () -> ()
    return
  }
}

#map = affine_map<(d0, d1) -> (0, 0)>
#map1 = affine_map<(d0, d1) -> (0, 0, 0, 0, 0)>
#map2 = affine_map<(d0, d1) -> (0, 0, 0)>
module attributes {stable_mosaic.version = 14 : i64} {
  func.func @body(%arg0: i32, %arg1: i32, %arg2: memref<20480x128xf32, #tpu.memory_space<hbm>>, %arg3: memref<2x16x10x25x80xi32, #tpu.memory_space<hbm>>, %arg4: memref<2x16x10x25x80xi32, #tpu.memory_space<hbm>>, %arg5: memref<640x128xf32, #tpu.memory_space<hbm>>, %arg6: memref<2x10240x128xf32, #tpu.memory_space<hbm>>, %arg7: memref<25x80xi32, #tpu.memory_space<vmem>>, %arg8: memref<25x80xi32, #tpu.memory_space<vmem>>, %arg9: memref<80x128xf32, #tpu.memory_space<vmem>>, %arg10: memref<80x128xf32, #tpu.memory_space<vmem>>, %arg11: memref<80x128xf32, #tpu.memory_space<vmem>>, %arg12: memref<10240x128xf32, #tpu.memory_space<vmem_shared>>, %arg13: memref<!tpu.dma_semaphore, #tpu.memory_space<semaphore_mem>>, %arg14: memref<!tpu.dma_semaphore, #tpu.memory_space<semaphore_mem>>, %arg15: memref<!tpu.dma_semaphore, #tpu.memory_space<semaphore_mem>>, %arg16: memref<!tpu.dma_semaphore, #tpu.memory_space<semaphore_mem>>, %arg17: memref<!tpu.dma_semaphore, #tpu.memory_space<semaphore_mem>>, %arg18: memref<!tpu.dma_semaphore, #tpu.memory_space<semaphore_mem>>) attributes {dimension_semantics = [#tpu.dimension_semantics<core_parallel>, #tpu.dimension_semantics<subcore_parallel>], iteration_bounds = array<i64: 2, 16>, scalar_prefetch = 0 : i64, scratch_operands = 12 : i64, tpu.core_type = #tpu.core_type<sc_vector_subcore>, window_params = [{transform_indices = #map}, {transform_indices = #map1}, {transform_indices = #map1}, {transform_indices = #map}, {transform_indices = #map2}]} {
    %mul3A = arith.constant 640 : i32
    %mul3A_0 = arith.muli %arg1, %mul3A : i32
    "tpu.region"() ({
      %run_scoped3A = tpu.sem_alloc : memref<!tpu.dma_semaphore, #tpu.memory_space<semaphore_mem>>
      %dma_start3A = arith.constant 0 : i32
      %dma_start3A_7 = tpu.memref_slice %arg12[%mul3A_0, %dma_start3A] : memref<10240x128xf32, #tpu.memory_space<vmem_shared>> -> memref<640x128xf32, #tpu.memory_space<vmem_shared>>
      tpu.enqueue_dma source(%arg5 : memref<640x128xf32, #tpu.memory_space<hbm>>) target(%dma_start3A_7 : memref<640x128xf32, #tpu.memory_space<vmem_shared>>) target_semaphore(%run_scoped3A : memref<!tpu.dma_semaphore, #tpu.memory_space<semaphore_mem>>)
      %dma_wait3A = arith.constant 0 : i32
      %dma_wait3A_8 = tpu.memref_slice %arg12[%mul3A_0, %dma_wait3A] : memref<10240x128xf32, #tpu.memory_space<vmem_shared>> -> memref<640x128xf32, #tpu.memory_space<vmem_shared>>
      tpu.wait_dma2 semaphore(%run_scoped3A : memref<!tpu.dma_semaphore, #tpu.memory_space<semaphore_mem>>) src(%arg5 : memref<640x128xf32, #tpu.memory_space<hbm>>) dst(%dma_wait3A_8 : memref<640x128xf32, #tpu.memory_space<vmem_shared>>)
      tpu.yield
    }) : () -> ()
    %barrier3A = arith.constant 0 : index
    tpu.barrier barrier_id(%barrier3A)
    %scan3A = arith.constant 0 : i32
    %scan3A_1 = arith.constant 0 : i32
    %scan3A_2 = arith.constant 10 : i32
    %scan3A_3 = arith.addi %scan3A_1, %scan3A_2 : i32
    %scan3A_4 = arith.constant 1 : i32
    scf.for %scan3A_7 = %scan3A_1 to %scan3A_3 step %scan3A_4  : i32 {
      "tpu.region"() ({
        %run_scoped3A = tpu.sem_alloc : memref<!tpu.dma_semaphore, #tpu.memory_space<semaphore_mem>>
        %dma_start3A_68 = arith.constant 0 : i32
        %dma_start3A_69 = arith.constant 0 : i32
        %dma_start3A_70 = tpu.memref_slice %arg3[%arg0, %arg1, %scan3A_7, %dma_start3A_68, %dma_start3A_69] : memref<2x16x10x25x80xi32, #tpu.memory_space<hbm>> -> memref<1x1x1x25x80xi32, #tpu.memory_space<hbm>>
        %dma_start3A_71 = tpu.memref_squeeze %dma_start3A_70 : memref<1x1x1x25x80xi32, #tpu.memory_space<hbm>> -> memref<25x80xi32, #tpu.memory_space<hbm>>
        %dma_start3A_72 = arith.constant 0 : i32
        %dma_start3A_73 = arith.constant 0 : i32
        %dma_start3A_74 = tpu.memref_slice %arg3[%arg0, %arg1, %scan3A_7, %dma_start3A_72, %dma_start3A_73] : memref<2x16x10x25x80xi32, #tpu.memory_space<hbm>> -> memref<1x1x1x25x80xi32, #tpu.memory_space<hbm>>
        %dma_start3A_75 = tpu.memref_squeeze %dma_start3A_74 : memref<1x1x1x25x80xi32, #tpu.memory_space<hbm>> -> memref<25x80xi32, #tpu.memory_space<hbm>>
        tpu.enqueue_dma source(%dma_start3A_75 : memref<25x80xi32, #tpu.memory_space<hbm>>) target(%arg7 : memref<25x80xi32, #tpu.memory_space<vmem>>) target_semaphore(%run_scoped3A : memref<!tpu.dma_semaphore, #tpu.memory_space<semaphore_mem>>)
        %dma_wait3A_76 = arith.constant 0 : i32
        %dma_wait3A_77 = arith.constant 0 : i32
        %dma_wait3A_78 = tpu.memref_slice %arg3[%arg0, %arg1, %scan3A_7, %dma_wait3A_76, %dma_wait3A_77] : memref<2x16x10x25x80xi32, #tpu.memory_space<hbm>> -> memref<1x1x1x25x80xi32, #tpu.memory_space<hbm>>
        %dma_wait3A_79 = tpu.memref_squeeze %dma_wait3A_78 : memref<1x1x1x25x80xi32, #tpu.memory_space<hbm>> -> memref<25x80xi32, #tpu.memory_space<hbm>>
        %dma_wait3A_80 = arith.constant 0 : i32
        %dma_wait3A_81 = arith.constant 0 : i32
        %dma_wait3A_82 = tpu.memref_slice %arg3[%arg0, %arg1, %scan3A_7, %dma_wait3A_80, %dma_wait3A_81] : memref<2x16x10x25x80xi32, #tpu.memory_space<hbm>> -> memref<1x1x1x25x80xi32, #tpu.memory_space<hbm>>
        %dma_wait3A_83 = tpu.memref_squeeze %dma_wait3A_82 : memref<1x1x1x25x80xi32, #tpu.memory_space<hbm>> -> memref<25x80xi32, #tpu.memory_space<hbm>>
        tpu.wait_dma2 semaphore(%run_scoped3A : memref<!tpu.dma_semaphore, #tpu.memory_space<semaphore_mem>>) src(%dma_wait3A_83 : memref<25x80xi32, #tpu.memory_space<hbm>>) dst(%arg7 : memref<25x80xi32, #tpu.memory_space<vmem>>)
        tpu.yield
      }) : () -> ()
      "tpu.region"() ({
        %run_scoped3A = tpu.sem_alloc : memref<!tpu.dma_semaphore, #tpu.memory_space<semaphore_mem>>
        %dma_start3A_68 = arith.constant 0 : i32
        %dma_start3A_69 = arith.constant 0 : i32
        %dma_start3A_70 = tpu.memref_slice %arg4[%arg0, %arg1, %scan3A_7, %dma_start3A_68, %dma_start3A_69] : memref<2x16x10x25x80xi32, #tpu.memory_space<hbm>> -> memref<1x1x1x25x80xi32, #tpu.memory_space<hbm>>
        %dma_start3A_71 = tpu.memref_squeeze %dma_start3A_70 : memref<1x1x1x25x80xi32, #tpu.memory_space<hbm>> -> memref<25x80xi32, #tpu.memory_space<hbm>>
        %dma_start3A_72 = arith.constant 0 : i32
        %dma_start3A_73 = arith.constant 0 : i32
        %dma_start3A_74 = tpu.memref_slice %arg4[%arg0, %arg1, %scan3A_7, %dma_start3A_72, %dma_start3A_73] : memref<2x16x10x25x80xi32, #tpu.memory_space<hbm>> -> memref<1x1x1x25x80xi32, #tpu.memory_space<hbm>>
        %dma_start3A_75 = tpu.memref_squeeze %dma_start3A_74 : memref<1x1x1x25x80xi32, #tpu.memory_space<hbm>> -> memref<25x80xi32, #tpu.memory_space<hbm>>
        tpu.enqueue_dma source(%dma_start3A_75 : memref<25x80xi32, #tpu.memory_space<hbm>>) target(%arg8 : memref<25x80xi32, #tpu.memory_space<vmem>>) target_semaphore(%run_scoped3A : memref<!tpu.dma_semaphore, #tpu.memory_space<semaphore_mem>>)
        %dma_wait3A_76 = arith.constant 0 : i32
        %dma_wait3A_77 = arith.constant 0 : i32
        %dma_wait3A_78 = tpu.memref_slice %arg4[%arg0, %arg1, %scan3A_7, %dma_wait3A_76, %dma_wait3A_77] : memref<2x16x10x25x80xi32, #tpu.memory_space<hbm>> -> memref<1x1x1x25x80xi32, #tpu.memory_space<hbm>>
        %dma_wait3A_79 = tpu.memref_squeeze %dma_wait3A_78 : memref<1x1x1x25x80xi32, #tpu.memory_space<hbm>> -> memref<25x80xi32, #tpu.memory_space<hbm>>
        %dma_wait3A_80 = arith.constant 0 : i32
        %dma_wait3A_81 = arith.constant 0 : i32
        %dma_wait3A_82 = tpu.memref_slice %arg4[%arg0, %arg1, %scan3A_7, %dma_wait3A_80, %dma_wait3A_81] : memref<2x16x10x25x80xi32, #tpu.memory_space<hbm>> -> memref<1x1x1x25x80xi32, #tpu.memory_space<hbm>>
        %dma_wait3A_83 = tpu.memref_squeeze %dma_wait3A_82 : memref<1x1x1x25x80xi32, #tpu.memory_space<hbm>> -> memref<25x80xi32, #tpu.memory_space<hbm>>
        tpu.wait_dma2 semaphore(%run_scoped3A : memref<!tpu.dma_semaphore, #tpu.memory_space<semaphore_mem>>) src(%dma_wait3A_83 : memref<25x80xi32, #tpu.memory_space<hbm>>) dst(%arg8 : memref<25x80xi32, #tpu.memory_space<vmem>>)
        tpu.yield
      }) : () -> ()
      %dma_start3A = arith.constant 0 : i32
      %dma_start3A_8 = arith.constant 0 : i32
      %dma_start3A_9 = tpu.memref_slice %arg7[%dma_start3A, %dma_start3A_8] : memref<25x80xi32, #tpu.memory_space<vmem>> -> memref<1x80xi32, #tpu.memory_space<vmem>>
      %dma_start3A_10 = tpu.memref_squeeze %dma_start3A_9 : memref<1x80xi32, #tpu.memory_space<vmem>> -> memref<80xi32, #tpu.memory_space<vmem>>
      %dma_start3A_11 = arith.constant 0 : i32
      %dma_start3A_12 = arith.constant 0 : i32
      %dma_start3A_13 = tpu.memref_slice %arg2[%dma_start3A_11, %dma_start3A_12] : memref<20480x128xf32, #tpu.memory_space<hbm>> -> memref<20480x128xf32, #tpu.memory_space<hbm>>
      tpu.enqueue_indirect_dma source(%dma_start3A_13 : memref<20480x128xf32, #tpu.memory_space<hbm>>) target(%arg9 : memref<80x128xf32, #tpu.memory_space<vmem>>) offsets(%dma_start3A_10 : memref<80xi32, #tpu.memory_space<vmem>>) semaphore(%arg13 : memref<!tpu.dma_semaphore, #tpu.memory_space<semaphore_mem>>)
      %dma_start3A_14 = arith.constant 1 : i32
      %dma_start3A_15 = arith.constant 0 : i32
      %dma_start3A_16 = tpu.memref_slice %arg7[%dma_start3A_14, %dma_start3A_15] : memref<25x80xi32, #tpu.memory_space<vmem>> -> memref<1x80xi32, #tpu.memory_space<vmem>>
      %dma_start3A_17 = tpu.memref_squeeze %dma_start3A_16 : memref<1x80xi32, #tpu.memory_space<vmem>> -> memref<80xi32, #tpu.memory_space<vmem>>
      %dma_start3A_18 = arith.constant 0 : i32
      %dma_start3A_19 = arith.constant 0 : i32
      %dma_start3A_20 = tpu.memref_slice %arg2[%dma_start3A_18, %dma_start3A_19] : memref<20480x128xf32, #tpu.memory_space<hbm>> -> memref<20480x128xf32, #tpu.memory_space<hbm>>
      tpu.enqueue_indirect_dma source(%dma_start3A_20 : memref<20480x128xf32, #tpu.memory_space<hbm>>) target(%arg10 : memref<80x128xf32, #tpu.memory_space<vmem>>) offsets(%dma_start3A_17 : memref<80xi32, #tpu.memory_space<vmem>>) semaphore(%arg14 : memref<!tpu.dma_semaphore, #tpu.memory_space<semaphore_mem>>)
      %dma_start3A_21 = arith.constant 2 : i32
      %dma_start3A_22 = arith.constant 0 : i32
      %dma_start3A_23 = tpu.memref_slice %arg7[%dma_start3A_21, %dma_start3A_22] : memref<25x80xi32, #tpu.memory_space<vmem>> -> memref<1x80xi32, #tpu.memory_space<vmem>>
      %dma_start3A_24 = tpu.memref_squeeze %dma_start3A_23 : memref<1x80xi32, #tpu.memory_space<vmem>> -> memref<80xi32, #tpu.memory_space<vmem>>
      %dma_start3A_25 = arith.constant 0 : i32
      %dma_start3A_26 = arith.constant 0 : i32
      %dma_start3A_27 = tpu.memref_slice %arg2[%dma_start3A_25, %dma_start3A_26] : memref<20480x128xf32, #tpu.memory_space<hbm>> -> memref<20480x128xf32, #tpu.memory_space<hbm>>
      tpu.enqueue_indirect_dma source(%dma_start3A_27 : memref<20480x128xf32, #tpu.memory_space<hbm>>) target(%arg11 : memref<80x128xf32, #tpu.memory_space<vmem>>) offsets(%dma_start3A_24 : memref<80xi32, #tpu.memory_space<vmem>>) semaphore(%arg15 : memref<!tpu.dma_semaphore, #tpu.memory_space<semaphore_mem>>)
      %dma_wait3A = arith.constant 0 : i32
      %dma_wait3A_28 = arith.constant 0 : i32
      %dma_wait3A_29 = tpu.memref_slice %arg7[%dma_wait3A, %dma_wait3A_28] : memref<25x80xi32, #tpu.memory_space<vmem>> -> memref<1x80xi32, #tpu.memory_space<vmem>>
      %dma_wait3A_30 = tpu.memref_squeeze %dma_wait3A_29 : memref<1x80xi32, #tpu.memory_space<vmem>> -> memref<80xi32, #tpu.memory_space<vmem>>
      %dma_wait3A_31 = arith.constant 0 : i32
      %dma_wait3A_32 = arith.constant 0 : i32
      %dma_wait3A_33 = tpu.memref_slice %arg2[%dma_wait3A_31, %dma_wait3A_32] : memref<20480x128xf32, #tpu.memory_space<hbm>> -> memref<20480x128xf32, #tpu.memory_space<hbm>>
      tpu.wait_indirect_dma semaphore(%arg13 : memref<!tpu.dma_semaphore, #tpu.memory_space<semaphore_mem>>) src(%dma_wait3A_33 : memref<20480x128xf32, #tpu.memory_space<hbm>>) dst(%arg9 : memref<80x128xf32, #tpu.memory_space<vmem>>)
      %dma_start3A_34 = arith.constant 0 : i32
      %dma_start3A_35 = arith.constant 0 : i32
      %dma_start3A_36 = tpu.memref_slice %arg8[%dma_start3A_34, %dma_start3A_35] : memref<25x80xi32, #tpu.memory_space<vmem>> -> memref<1x80xi32, #tpu.memory_space<vmem>>
      %dma_start3A_37 = tpu.memref_squeeze %dma_start3A_36 : memref<1x80xi32, #tpu.memory_space<vmem>> -> memref<80xi32, #tpu.memory_space<vmem>>
      %dma_start3A_38 = arith.constant 0 : i32
      %dma_start3A_39 = arith.constant 0 : i32
      %dma_start3A_40 = tpu.memref_slice %arg12[%dma_start3A_38, %dma_start3A_39] : memref<10240x128xf32, #tpu.memory_space<vmem_shared>> -> memref<10240x128xf32, #tpu.memory_space<vmem_shared>>
      tpu.enqueue_indirect_dma source(%arg9 : memref<80x128xf32, #tpu.memory_space<vmem>>) target(%dma_start3A_40 : memref<10240x128xf32, #tpu.memory_space<vmem_shared>>) offsets(%dma_start3A_37 : memref<80xi32, #tpu.memory_space<vmem>>) semaphore(%arg16 : memref<!tpu.dma_semaphore, #tpu.memory_space<semaphore_mem>>) {add = true}
      %scan3A_41 = arith.constant 0 : i32
      %scan3A_42 = arith.constant 0 : i32
      %scan3A_43 = arith.constant 8 : i32
      %scan3A_44 = arith.addi %scan3A_42, %scan3A_43 : i32
      %scan3A_45 = arith.constant 1 : i32
      scf.for %scan3A_68 = %scan3A_42 to %scan3A_44 step %scan3A_45  : i32 {
        %mul3A_69 = arith.constant 3 : i32
        %mul3A_70 = arith.muli %mul3A_69, %scan3A_68 : i32
        %add3A = arith.constant 1 : i32
        %add3A_71 = arith.addi %mul3A_70, %add3A : i32
        %sub3A = arith.constant 1 : i32
        %sub3A_72 = arith.subi %add3A_71, %sub3A : i32
        %dma_wait3A_73 = arith.constant 0 : i32
        %dma_wait3A_74 = tpu.memref_slice %arg8[%sub3A_72, %dma_wait3A_73] : memref<25x80xi32, #tpu.memory_space<vmem>> -> memref<1x80xi32, #tpu.memory_space<vmem>>
        %dma_wait3A_75 = tpu.memref_squeeze %dma_wait3A_74 : memref<1x80xi32, #tpu.memory_space<vmem>> -> memref<80xi32, #tpu.memory_space<vmem>>
        %dma_wait3A_76 = arith.constant 0 : i32
        %dma_wait3A_77 = arith.constant 0 : i32
        %dma_wait3A_78 = tpu.memref_slice %arg12[%dma_wait3A_76, %dma_wait3A_77] : memref<10240x128xf32, #tpu.memory_space<vmem_shared>> -> memref<10240x128xf32, #tpu.memory_space<vmem_shared>>
        tpu.wait_indirect_dma semaphore(%arg16 : memref<!tpu.dma_semaphore, #tpu.memory_space<semaphore_mem>>) src(%arg9 : memref<80x128xf32, #tpu.memory_space<vmem>>) dst(%dma_wait3A_78 : memref<10240x128xf32, #tpu.memory_space<vmem_shared>>)
        %add3A_79 = arith.constant 2 : i32
        %add3A_80 = arith.addi %add3A_71, %add3A_79 : i32
        %ge3A = arith.constant 25 : i32
        %ge3A_81 = arith.cmpi sge, %add3A_80, %ge3A : i32
        %add3A_82 = arith.constant 2 : i32
        %add3A_83 = arith.addi %add3A_71, %add3A_82 : i32
        %jit3A = arith.constant 0 : i32
        %select_n3A = arith.select %ge3A_81, %jit3A, %add3A_83 : i32
        %dma_start3A_84 = arith.constant 0 : i32
        %dma_start3A_85 = tpu.memref_slice %arg7[%select_n3A, %dma_start3A_84] : memref<25x80xi32, #tpu.memory_space<vmem>> -> memref<1x80xi32, #tpu.memory_space<vmem>>
        %dma_start3A_86 = tpu.memref_squeeze %dma_start3A_85 : memref<1x80xi32, #tpu.memory_space<vmem>> -> memref<80xi32, #tpu.memory_space<vmem>>
        %dma_start3A_87 = arith.constant 0 : i32
        %dma_start3A_88 = arith.constant 0 : i32
        %dma_start3A_89 = tpu.memref_slice %arg2[%dma_start3A_87, %dma_start3A_88] : memref<20480x128xf32, #tpu.memory_space<hbm>> -> memref<20480x128xf32, #tpu.memory_space<hbm>>
        tpu.enqueue_indirect_dma source(%dma_start3A_89 : memref<20480x128xf32, #tpu.memory_space<hbm>>) target(%arg9 : memref<80x128xf32, #tpu.memory_space<vmem>>) offsets(%dma_start3A_86 : memref<80xi32, #tpu.memory_space<vmem>>) semaphore(%arg13 : memref<!tpu.dma_semaphore, #tpu.memory_space<semaphore_mem>>)
        %dma_wait3A_90 = arith.constant 0 : i32
        %dma_wait3A_91 = tpu.memref_slice %arg7[%add3A_71, %dma_wait3A_90] : memref<25x80xi32, #tpu.memory_space<vmem>> -> memref<1x80xi32, #tpu.memory_space<vmem>>
        %dma_wait3A_92 = tpu.memref_squeeze %dma_wait3A_91 : memref<1x80xi32, #tpu.memory_space<vmem>> -> memref<80xi32, #tpu.memory_space<vmem>>
        %dma_wait3A_93 = arith.constant 0 : i32
        %dma_wait3A_94 = arith.constant 0 : i32
        %dma_wait3A_95 = tpu.memref_slice %arg2[%dma_wait3A_93, %dma_wait3A_94] : memref<20480x128xf32, #tpu.memory_space<hbm>> -> memref<20480x128xf32, #tpu.memory_space<hbm>>
        tpu.wait_indirect_dma semaphore(%arg14 : memref<!tpu.dma_semaphore, #tpu.memory_space<semaphore_mem>>) src(%dma_wait3A_95 : memref<20480x128xf32, #tpu.memory_space<hbm>>) dst(%arg10 : memref<80x128xf32, #tpu.memory_space<vmem>>)
        %dma_start3A_96 = arith.constant 0 : i32
        %dma_start3A_97 = tpu.memref_slice %arg8[%add3A_71, %dma_start3A_96] : memref<25x80xi32, #tpu.memory_space<vmem>> -> memref<1x80xi32, #tpu.memory_space<vmem>>
        %dma_start3A_98 = tpu.memref_squeeze %dma_start3A_97 : memref<1x80xi32, #tpu.memory_space<vmem>> -> memref<80xi32, #tpu.memory_space<vmem>>
        %dma_start3A_99 = arith.constant 0 : i32
        %dma_start3A_100 = arith.constant 0 : i32
        %dma_start3A_101 = tpu.memref_slice %arg12[%dma_start3A_99, %dma_start3A_100] : memref<10240x128xf32, #tpu.memory_space<vmem_shared>> -> memref<10240x128xf32, #tpu.memory_space<vmem_shared>>
        tpu.enqueue_indirect_dma source(%arg10 : memref<80x128xf32, #tpu.memory_space<vmem>>) target(%dma_start3A_101 : memref<10240x128xf32, #tpu.memory_space<vmem_shared>>) offsets(%dma_start3A_98 : memref<80xi32, #tpu.memory_space<vmem>>) semaphore(%arg17 : memref<!tpu.dma_semaphore, #tpu.memory_space<semaphore_mem>>) {add = true}
        %add3A_102 = arith.constant 2 : i32
        %add3A_103 = arith.addi %mul3A_70, %add3A_102 : i32
        %sub3A_104 = arith.constant 1 : i32
        %sub3A_105 = arith.subi %add3A_103, %sub3A_104 : i32
        %dma_wait3A_106 = arith.constant 0 : i32
        %dma_wait3A_107 = tpu.memref_slice %arg8[%sub3A_105, %dma_wait3A_106] : memref<25x80xi32, #tpu.memory_space<vmem>> -> memref<1x80xi32, #tpu.memory_space<vmem>>
        %dma_wait3A_108 = tpu.memref_squeeze %dma_wait3A_107 : memref<1x80xi32, #tpu.memory_space<vmem>> -> memref<80xi32, #tpu.memory_space<vmem>>
        %dma_wait3A_109 = arith.constant 0 : i32
        %dma_wait3A_110 = arith.constant 0 : i32
        %dma_wait3A_111 = tpu.memref_slice %arg12[%dma_wait3A_109, %dma_wait3A_110] : memref<10240x128xf32, #tpu.memory_space<vmem_shared>> -> memref<10240x128xf32, #tpu.memory_space<vmem_shared>>
        tpu.wait_indirect_dma semaphore(%arg17 : memref<!tpu.dma_semaphore, #tpu.memory_space<semaphore_mem>>) src(%arg10 : memref<80x128xf32, #tpu.memory_space<vmem>>) dst(%dma_wait3A_111 : memref<10240x128xf32, #tpu.memory_space<vmem_shared>>)
        %add3A_112 = arith.constant 2 : i32
        %add3A_113 = arith.addi %add3A_103, %add3A_112 : i32
        %ge3A_114 = arith.constant 25 : i32
        %ge3A_115 = arith.cmpi sge, %add3A_113, %ge3A_114 : i32
        %add3A_116 = arith.constant 2 : i32
        %add3A_117 = arith.addi %add3A_103, %add3A_116 : i32
        %jit3A_118 = arith.constant 0 : i32
        %select_n3A_119 = arith.select %ge3A_115, %jit3A_118, %add3A_117 : i32
        %dma_start3A_120 = arith.constant 0 : i32
        %dma_start3A_121 = tpu.memref_slice %arg7[%select_n3A_119, %dma_start3A_120] : memref<25x80xi32, #tpu.memory_space<vmem>> -> memref<1x80xi32, #tpu.memory_space<vmem>>
        %dma_start3A_122 = tpu.memref_squeeze %dma_start3A_121 : memref<1x80xi32, #tpu.memory_space<vmem>> -> memref<80xi32, #tpu.memory_space<vmem>>
        %dma_start3A_123 = arith.constant 0 : i32
        %dma_start3A_124 = arith.constant 0 : i32
        %dma_start3A_125 = tpu.memref_slice %arg2[%dma_start3A_123, %dma_start3A_124] : memref<20480x128xf32, #tpu.memory_space<hbm>> -> memref<20480x128xf32, #tpu.memory_space<hbm>>
        tpu.enqueue_indirect_dma source(%dma_start3A_125 : memref<20480x128xf32, #tpu.memory_space<hbm>>) target(%arg10 : memref<80x128xf32, #tpu.memory_space<vmem>>) offsets(%dma_start3A_122 : memref<80xi32, #tpu.memory_space<vmem>>) semaphore(%arg14 : memref<!tpu.dma_semaphore, #tpu.memory_space<semaphore_mem>>)
        %dma_wait3A_126 = arith.constant 0 : i32
        %dma_wait3A_127 = tpu.memref_slice %arg7[%add3A_103, %dma_wait3A_126] : memref<25x80xi32, #tpu.memory_space<vmem>> -> memref<1x80xi32, #tpu.memory_space<vmem>>
        %dma_wait3A_128 = tpu.memref_squeeze %dma_wait3A_127 : memref<1x80xi32, #tpu.memory_space<vmem>> -> memref<80xi32, #tpu.memory_space<vmem>>
        %dma_wait3A_129 = arith.constant 0 : i32
        %dma_wait3A_130 = arith.constant 0 : i32
        %dma_wait3A_131 = tpu.memref_slice %arg2[%dma_wait3A_129, %dma_wait3A_130] : memref<20480x128xf32, #tpu.memory_space<hbm>> -> memref<20480x128xf32, #tpu.memory_space<hbm>>
        tpu.wait_indirect_dma semaphore(%arg15 : memref<!tpu.dma_semaphore, #tpu.memory_space<semaphore_mem>>) src(%dma_wait3A_131 : memref<20480x128xf32, #tpu.memory_space<hbm>>) dst(%arg11 : memref<80x128xf32, #tpu.memory_space<vmem>>)
        %dma_start3A_132 = arith.constant 0 : i32
        %dma_start3A_133 = tpu.memref_slice %arg8[%add3A_103, %dma_start3A_132] : memref<25x80xi32, #tpu.memory_space<vmem>> -> memref<1x80xi32, #tpu.memory_space<vmem>>
        %dma_start3A_134 = tpu.memref_squeeze %dma_start3A_133 : memref<1x80xi32, #tpu.memory_space<vmem>> -> memref<80xi32, #tpu.memory_space<vmem>>
        %dma_start3A_135 = arith.constant 0 : i32
        %dma_start3A_136 = arith.constant 0 : i32
        %dma_start3A_137 = tpu.memref_slice %arg12[%dma_start3A_135, %dma_start3A_136] : memref<10240x128xf32, #tpu.memory_space<vmem_shared>> -> memref<10240x128xf32, #tpu.memory_space<vmem_shared>>
        tpu.enqueue_indirect_dma source(%arg11 : memref<80x128xf32, #tpu.memory_space<vmem>>) target(%dma_start3A_137 : memref<10240x128xf32, #tpu.memory_space<vmem_shared>>) offsets(%dma_start3A_134 : memref<80xi32, #tpu.memory_space<vmem>>) semaphore(%arg18 : memref<!tpu.dma_semaphore, #tpu.memory_space<semaphore_mem>>) {add = true}
        %add3A_138 = arith.constant 3 : i32
        %add3A_139 = arith.addi %mul3A_70, %add3A_138 : i32
        %sub3A_140 = arith.constant 1 : i32
        %sub3A_141 = arith.subi %add3A_139, %sub3A_140 : i32
        %dma_wait3A_142 = arith.constant 0 : i32
        %dma_wait3A_143 = tpu.memref_slice %arg8[%sub3A_141, %dma_wait3A_142] : memref<25x80xi32, #tpu.memory_space<vmem>> -> memref<1x80xi32, #tpu.memory_space<vmem>>
        %dma_wait3A_144 = tpu.memref_squeeze %dma_wait3A_143 : memref<1x80xi32, #tpu.memory_space<vmem>> -> memref<80xi32, #tpu.memory_space<vmem>>
        %dma_wait3A_145 = arith.constant 0 : i32
        %dma_wait3A_146 = arith.constant 0 : i32
        %dma_wait3A_147 = tpu.memref_slice %arg12[%dma_wait3A_145, %dma_wait3A_146] : memref<10240x128xf32, #tpu.memory_space<vmem_shared>> -> memref<10240x128xf32, #tpu.memory_space<vmem_shared>>
        tpu.wait_indirect_dma semaphore(%arg18 : memref<!tpu.dma_semaphore, #tpu.memory_space<semaphore_mem>>) src(%arg11 : memref<80x128xf32, #tpu.memory_space<vmem>>) dst(%dma_wait3A_147 : memref<10240x128xf32, #tpu.memory_space<vmem_shared>>)
        %add3A_148 = arith.constant 2 : i32
        %add3A_149 = arith.addi %add3A_139, %add3A_148 : i32
        %ge3A_150 = arith.constant 25 : i32
        %ge3A_151 = arith.cmpi sge, %add3A_149, %ge3A_150 : i32
        %add3A_152 = arith.constant 2 : i32
        %add3A_153 = arith.addi %add3A_139, %add3A_152 : i32
        %jit3A_154 = arith.constant 0 : i32
        %select_n3A_155 = arith.select %ge3A_151, %jit3A_154, %add3A_153 : i32
        %dma_start3A_156 = arith.constant 0 : i32
        %dma_start3A_157 = tpu.memref_slice %arg7[%select_n3A_155, %dma_start3A_156] : memref<25x80xi32, #tpu.memory_space<vmem>> -> memref<1x80xi32, #tpu.memory_space<vmem>>
        %dma_start3A_158 = tpu.memref_squeeze %dma_start3A_157 : memref<1x80xi32, #tpu.memory_space<vmem>> -> memref<80xi32, #tpu.memory_space<vmem>>
        %dma_start3A_159 = arith.constant 0 : i32
        %dma_start3A_160 = arith.constant 0 : i32
        %dma_start3A_161 = tpu.memref_slice %arg2[%dma_start3A_159, %dma_start3A_160] : memref<20480x128xf32, #tpu.memory_space<hbm>> -> memref<20480x128xf32, #tpu.memory_space<hbm>>
        tpu.enqueue_indirect_dma source(%dma_start3A_161 : memref<20480x128xf32, #tpu.memory_space<hbm>>) target(%arg11 : memref<80x128xf32, #tpu.memory_space<vmem>>) offsets(%dma_start3A_158 : memref<80xi32, #tpu.memory_space<vmem>>) semaphore(%arg15 : memref<!tpu.dma_semaphore, #tpu.memory_space<semaphore_mem>>)
        %dma_wait3A_162 = arith.constant 0 : i32
        %dma_wait3A_163 = tpu.memref_slice %arg7[%add3A_139, %dma_wait3A_162] : memref<25x80xi32, #tpu.memory_space<vmem>> -> memref<1x80xi32, #tpu.memory_space<vmem>>
        %dma_wait3A_164 = tpu.memref_squeeze %dma_wait3A_163 : memref<1x80xi32, #tpu.memory_space<vmem>> -> memref<80xi32, #tpu.memory_space<vmem>>
        %dma_wait3A_165 = arith.constant 0 : i32
        %dma_wait3A_166 = arith.constant 0 : i32
        %dma_wait3A_167 = tpu.memref_slice %arg2[%dma_wait3A_165, %dma_wait3A_166] : memref<20480x128xf32, #tpu.memory_space<hbm>> -> memref<20480x128xf32, #tpu.memory_space<hbm>>
        tpu.wait_indirect_dma semaphore(%arg13 : memref<!tpu.dma_semaphore, #tpu.memory_space<semaphore_mem>>) src(%dma_wait3A_167 : memref<20480x128xf32, #tpu.memory_space<hbm>>) dst(%arg9 : memref<80x128xf32, #tpu.memory_space<vmem>>)
        %dma_start3A_168 = arith.constant 0 : i32
        %dma_start3A_169 = tpu.memref_slice %arg8[%add3A_139, %dma_start3A_168] : memref<25x80xi32, #tpu.memory_space<vmem>> -> memref<1x80xi32, #tpu.memory_space<vmem>>
        %dma_start3A_170 = tpu.memref_squeeze %dma_start3A_169 : memref<1x80xi32, #tpu.memory_space<vmem>> -> memref<80xi32, #tpu.memory_space<vmem>>
        %dma_start3A_171 = arith.constant 0 : i32
        %dma_start3A_172 = arith.constant 0 : i32
        %dma_start3A_173 = tpu.memref_slice %arg12[%dma_start3A_171, %dma_start3A_172] : memref<10240x128xf32, #tpu.memory_space<vmem_shared>> -> memref<10240x128xf32, #tpu.memory_space<vmem_shared>>
        tpu.enqueue_indirect_dma source(%arg9 : memref<80x128xf32, #tpu.memory_space<vmem>>) target(%dma_start3A_173 : memref<10240x128xf32, #tpu.memory_space<vmem_shared>>) offsets(%dma_start3A_170 : memref<80xi32, #tpu.memory_space<vmem>>) semaphore(%arg16 : memref<!tpu.dma_semaphore, #tpu.memory_space<semaphore_mem>>) {add = true}
      }
      %scan3A_46 = arith.constant 8 : i32
      %dma_wait3A_47 = arith.constant 24 : i32
      %dma_wait3A_48 = arith.constant 0 : i32
      %dma_wait3A_49 = tpu.memref_slice %arg8[%dma_wait3A_47, %dma_wait3A_48] : memref<25x80xi32, #tpu.memory_space<vmem>> -> memref<1x80xi32, #tpu.memory_space<vmem>>
      %dma_wait3A_50 = tpu.memref_squeeze %dma_wait3A_49 : memref<1x80xi32, #tpu.memory_space<vmem>> -> memref<80xi32, #tpu.memory_space<vmem>>
      %dma_wait3A_51 = arith.constant 0 : i32
      %dma_wait3A_52 = arith.constant 0 : i32
      %dma_wait3A_53 = tpu.memref_slice %arg12[%dma_wait3A_51, %dma_wait3A_52] : memref<10240x128xf32, #tpu.memory_space<vmem_shared>> -> memref<10240x128xf32, #tpu.memory_space<vmem_shared>>
      tpu.wait_indirect_dma semaphore(%arg16 : memref<!tpu.dma_semaphore, #tpu.memory_space<semaphore_mem>>) src(%arg9 : memref<80x128xf32, #tpu.memory_space<vmem>>) dst(%dma_wait3A_53 : memref<10240x128xf32, #tpu.memory_space<vmem_shared>>)
      %dma_wait3A_54 = arith.constant 0 : i32
      %dma_wait3A_55 = arith.constant 0 : i32
      %dma_wait3A_56 = tpu.memref_slice %arg7[%dma_wait3A_54, %dma_wait3A_55] : memref<25x80xi32, #tpu.memory_space<vmem>> -> memref<1x80xi32, #tpu.memory_space<vmem>>
      %dma_wait3A_57 = tpu.memref_squeeze %dma_wait3A_56 : memref<1x80xi32, #tpu.memory_space<vmem>> -> memref<80xi32, #tpu.memory_space<vmem>>
      %dma_wait3A_58 = arith.constant 0 : i32
      %dma_wait3A_59 = arith.constant 0 : i32
      %dma_wait3A_60 = tpu.memref_slice %arg2[%dma_wait3A_58, %dma_wait3A_59] : memref<20480x128xf32, #tpu.memory_space<hbm>> -> memref<20480x128xf32, #tpu.memory_space<hbm>>
      tpu.wait_indirect_dma semaphore(%arg14 : memref<!tpu.dma_semaphore, #tpu.memory_space<semaphore_mem>>) src(%dma_wait3A_60 : memref<20480x128xf32, #tpu.memory_space<hbm>>) dst(%arg10 : memref<80x128xf32, #tpu.memory_space<vmem>>)
      %dma_wait3A_61 = arith.constant 0 : i32
      %dma_wait3A_62 = arith.constant 0 : i32
      %dma_wait3A_63 = tpu.memref_slice %arg7[%dma_wait3A_61, %dma_wait3A_62] : memref<25x80xi32, #tpu.memory_space<vmem>> -> memref<1x80xi32, #tpu.memory_space<vmem>>
      %dma_wait3A_64 = tpu.memref_squeeze %dma_wait3A_63 : memref<1x80xi32, #tpu.memory_space<vmem>> -> memref<80xi32, #tpu.memory_space<vmem>>
      %dma_wait3A_65 = arith.constant 0 : i32
      %dma_wait3A_66 = arith.constant 0 : i32
      %dma_wait3A_67 = tpu.memref_slice %arg2[%dma_wait3A_65, %dma_wait3A_66] : memref<20480x128xf32, #tpu.memory_space<hbm>> -> memref<20480x128xf32, #tpu.memory_space<hbm>>
      tpu.wait_indirect_dma semaphore(%arg15 : memref<!tpu.dma_semaphore, #tpu.memory_space<semaphore_mem>>) src(%dma_wait3A_67 : memref<20480x128xf32, #tpu.memory_space<hbm>>) dst(%arg11 : memref<80x128xf32, #tpu.memory_space<vmem>>)
    }
    %scan3A_5 = arith.constant 10 : i32
    %barrier3A_6 = arith.constant 0 : index
    tpu.barrier barrier_id(%barrier3A_6)
    "tpu.region"() ({
      %run_scoped3A = tpu.sem_alloc : memref<!tpu.dma_semaphore, #tpu.memory_space<semaphore_mem>>
      %dma_start3A = arith.constant 0 : i32
      %dma_start3A_7 = tpu.memref_slice %arg6[%arg0, %mul3A_0, %dma_start3A] : memref<2x10240x128xf32, #tpu.memory_space<hbm>> -> memref<1x640x128xf32, #tpu.memory_space<hbm>>
      %dma_start3A_8 = tpu.memref_squeeze %dma_start3A_7 : memref<1x640x128xf32, #tpu.memory_space<hbm>> -> memref<640x128xf32, #tpu.memory_space<hbm>>
      %dma_start3A_9 = arith.constant 0 : i32
      %dma_start3A_10 = tpu.memref_slice %arg12[%mul3A_0, %dma_start3A_9] : memref<10240x128xf32, #tpu.memory_space<vmem_shared>> -> memref<640x128xf32, #tpu.memory_space<vmem_shared>>
      tpu.enqueue_dma source(%dma_start3A_10 : memref<640x128xf32, #tpu.memory_space<vmem_shared>>) target(%dma_start3A_8 : memref<640x128xf32, #tpu.memory_space<hbm>>) target_semaphore(%run_scoped3A : memref<!tpu.dma_semaphore, #tpu.memory_space<semaphore_mem>>)
      %dma_wait3A = arith.constant 0 : i32
      %dma_wait3A_11 = tpu.memref_slice %arg6[%arg0, %mul3A_0, %dma_wait3A] : memref<2x10240x128xf32, #tpu.memory_space<hbm>> -> memref<1x640x128xf32, #tpu.memory_space<hbm>>
      %dma_wait3A_12 = tpu.memref_squeeze %dma_wait3A_11 : memref<1x640x128xf32, #tpu.memory_space<hbm>> -> memref<640x128xf32, #tpu.memory_space<hbm>>
      %dma_wait3A_13 = arith.constant 0 : i32
      %dma_wait3A_14 = tpu.memref_slice %arg12[%mul3A_0, %dma_wait3A_13] : memref<10240x128xf32, #tpu.memory_space<vmem_shared>> -> memref<640x128xf32, #tpu.memory_space<vmem_shared>>
      tpu.wait_dma2 semaphore(%run_scoped3A : memref<!tpu.dma_semaphore, #tpu.memory_space<semaphore_mem>>) src(%dma_wait3A_14 : memref<640x128xf32, #tpu.memory_space<vmem_shared>>) dst(%dma_wait3A_12 : memref<640x128xf32, #tpu.memory_space<hbm>>)
      tpu.yield
    }) : () -> ()
    return
  }
}

module attributes {stable_mosaic.version = 14 : i64} {
  func.func @_prep_body(%arg0: i32, %arg1: memref<2x640x128xf32, #tpu.memory_space<vmem>>, %arg2: memref<640x128xf32, #tpu.memory_space<vmem>>, %arg3: memref<640x128xf32, #tpu.memory_space<vmem>>, %arg4: memref<640x1xf32, #tpu.memory_space<vmem>>, %arg5: memref<640x1xf32, #tpu.memory_space<vmem>>) attributes {dimension_semantics = [#tpu.dimension_semantics<arbitrary>], iteration_bounds = array<i64: 16>, scalar_prefetch = 0 : i64, scratch_operands = 0 : i64, tpu.core_type = #tpu.core_type<tc>, window_params = [{transform_indices = @transform_0, window_bounds = array<i64: 2, 640, 128>}, {transform_indices = @transform_1, window_bounds = array<i64: 640, 128>}, {transform_indices = @transform_2, window_bounds = array<i64: 640, 128>}, {transform_indices = @transform_3, window_bounds = array<i64: 640, 1>}, {transform_indices = @transform_4, window_bounds = array<i64: 640, 1>}]} {
    %get3A = arith.constant 0 : index
    %get3A_0 = arith.constant 0 : index
    %get3A_1 = arith.constant 0 : index
    %get3A_2 = vector.load %arg1[%get3A, %get3A_0, %get3A_1] : memref<2x640x128xf32, #tpu.memory_space<vmem>>, vector<1x640x128xf32>
    %get3A_3 = vector.shape_cast %get3A_2 : vector<1x640x128xf32> to vector<640x128xf32>
    %get3A_4 = arith.constant 1 : index
    %get3A_5 = arith.constant 0 : index
    %get3A_6 = arith.constant 0 : index
    %get3A_7 = vector.load %arg1[%get3A_4, %get3A_5, %get3A_6] : memref<2x640x128xf32, #tpu.memory_space<vmem>>, vector<1x640x128xf32>
    %get3A_8 = vector.shape_cast %get3A_7 : vector<1x640x128xf32> to vector<640x128xf32>
    %add3A = arith.addf %get3A_3, %get3A_8 : vector<640x128xf32>
    %slice3A = vector.extract_strided_slice %add3A {offsets = [0, 0], sizes = [640, 1], strides = [1, 1]} : vector<640x128xf32> to vector<640x1xf32>
    %max3A = arith.constant 1.000000e+00 : f32
    %max3A_9 = vector.broadcast %max3A : f32 to vector<640x1xf32>
    %max3A_10 = arith.maximumf %slice3A, %max3A_9 : vector<640x1xf32>
    %rsqrt3A = math.rsqrt %max3A_10 : vector<640x1xf32>
    %slice3A_11 = vector.extract_strided_slice %add3A {offsets = [0, 1], sizes = [640, 1], strides = [1, 1]} : vector<640x128xf32> to vector<640x1xf32>
    %max3A_12 = arith.constant 1.000000e+00 : f32
    %max3A_13 = vector.broadcast %max3A_12 : f32 to vector<640x1xf32>
    %max3A_14 = arith.maximumf %slice3A_11, %max3A_13 : vector<640x1xf32>
    %rsqrt3A_15 = math.rsqrt %max3A_14 : vector<640x1xf32>
    %get3A_16 = arith.constant 0 : index
    %get3A_17 = arith.constant 0 : index
    %get3A_18 = vector.load %arg2[%get3A_16, %get3A_17] : memref<640x128xf32, #tpu.memory_space<vmem>>, vector<640x128xf32>
    %mul3A = vector.broadcast %rsqrt3A : vector<640x1xf32> to vector<640x128xf32>
    %mul3A_19 = arith.mulf %get3A_18, %mul3A : vector<640x128xf32>
    %swap3A = arith.constant 0 : index
    %swap3A_20 = arith.constant 0 : index
    %swap3A_21 = vector.load %arg3[%swap3A, %swap3A_20] : memref<640x128xf32, #tpu.memory_space<vmem>>, vector<640x128xf32>
    tpu.vector_store %arg3[%swap3A, %swap3A_20], %mul3A_19 {strides = array<i32>} : memref<640x128xf32, #tpu.memory_space<vmem>>, vector<640x128xf32>,
    %swap3A_22 = arith.constant 0 : index
    %swap3A_23 = arith.constant 0 : index
    %swap3A_24 = vector.load %arg4[%swap3A_22, %swap3A_23] : memref<640x1xf32, #tpu.memory_space<vmem>>, vector<640x1xf32>
    tpu.vector_store %arg4[%swap3A_22, %swap3A_23], %rsqrt3A {strides = array<i32>} : memref<640x1xf32, #tpu.memory_space<vmem>>, vector<640x1xf32>,
    %swap3A_25 = arith.constant 0 : index
    %swap3A_26 = arith.constant 0 : index
    %swap3A_27 = vector.load %arg5[%swap3A_25, %swap3A_26] : memref<640x1xf32, #tpu.memory_space<vmem>>, vector<640x1xf32>
    tpu.vector_store %arg5[%swap3A_25, %swap3A_26], %rsqrt3A_15 {strides = array<i32>} : memref<640x1xf32, #tpu.memory_space<vmem>>, vector<640x1xf32>,
    return
  }
  func.func @transform_0(%arg0: i32) -> (i32, i32, i32) {
    %c0_i32 = arith.constant 0 : i32
    %c0_i32_0 = arith.constant 0 : i32
    %c0_i32_1 = arith.constant 0 : i32
    return %c0_i32, %arg0, %c0_i32_0 : i32, i32, i32
  }
  func.func @transform_1(%arg0: i32) -> (i32, i32) {
    %c0_i32 = arith.constant 0 : i32
    %c0_i32_0 = arith.constant 0 : i32
    return %arg0, %c0_i32 : i32, i32
  }
  func.func @transform_2(%arg0: i32) -> (i32, i32) {
    %c0_i32 = arith.constant 0 : i32
    %c0_i32_0 = arith.constant 0 : i32
    return %arg0, %c0_i32 : i32, i32
  }
  func.func @transform_3(%arg0: i32) -> (i32, i32) {
    %c0_i32 = arith.constant 0 : i32
    %c0_i32_0 = arith.constant 0 : i32
    return %arg0, %c0_i32 : i32, i32
  }
  func.func @transform_4(%arg0: i32) -> (i32, i32) {
    %c0_i32 = arith.constant 0 : i32
    %c0_i32_0 = arith.constant 0 : i32
    return %arg0, %c0_i32 : i32, i32
  }
}

module attributes {stable_mosaic.version = 14 : i64} {
  func.func @_l1_body(%arg0: i32, %arg1: memref<2x640x128xf32, #tpu.memory_space<vmem>>, %arg2: memref<640x1xf32, #tpu.memory_space<vmem>>, %arg3: memref<640x1xf32, #tpu.memory_space<vmem>>, %arg4: memref<128x256xf32, #tpu.memory_space<vmem>>, %arg5: memref<1x256xf32, #tpu.memory_space<vmem>>, %arg6: memref<2x640x128xf32, #tpu.memory_space<vmem>>) attributes {dimension_semantics = [#tpu.dimension_semantics<arbitrary>], iteration_bounds = array<i64: 16>, scalar_prefetch = 0 : i64, scratch_operands = 0 : i64, tpu.core_type = #tpu.core_type<tc>, window_params = [{transform_indices = @transform_0, window_bounds = array<i64: 2, 640, 128>}, {transform_indices = @transform_1, window_bounds = array<i64: 640, 1>}, {transform_indices = @transform_2, window_bounds = array<i64: 640, 1>}, {pipeline_mode = #tpu.pipeline_mode<synchronous>, transform_indices = @transform_3, window_bounds = array<i64: 128, 256>}, {pipeline_mode = #tpu.pipeline_mode<synchronous>, transform_indices = @transform_4, window_bounds = array<i64: 1, 256>}, {transform_indices = @transform_5, window_bounds = array<i64: 2, 640, 128>}]} {
    %get3A = arith.constant 0 : index
    %get3A_0 = arith.constant 0 : index
    %get3A_1 = arith.constant 0 : index
    %get3A_2 = vector.load %arg1[%get3A, %get3A_0, %get3A_1] : memref<2x640x128xf32, #tpu.memory_space<vmem>>, vector<1x640x128xf32>
    %get3A_3 = vector.shape_cast %get3A_2 : vector<1x640x128xf32> to vector<640x128xf32>
    %get3A_4 = arith.constant 1 : index
    %get3A_5 = arith.constant 0 : index
    %get3A_6 = arith.constant 0 : index
    %get3A_7 = vector.load %arg1[%get3A_4, %get3A_5, %get3A_6] : memref<2x640x128xf32, #tpu.memory_space<vmem>>, vector<1x640x128xf32>
    %get3A_8 = vector.shape_cast %get3A_7 : vector<1x640x128xf32> to vector<640x128xf32>
    %add3A = arith.addf %get3A_3, %get3A_8 : vector<640x128xf32>
    %get3A_9 = arith.constant 0 : index
    %get3A_10 = arith.constant 0 : index
    %get3A_11 = vector.load %arg2[%get3A_9, %get3A_10] : memref<640x1xf32, #tpu.memory_space<vmem>>, vector<640x1xf32>
    %mul3A = vector.broadcast %get3A_11 : vector<640x1xf32> to vector<640x128xf32>
    %mul3A_12 = arith.mulf %add3A, %mul3A : vector<640x128xf32>
    %get3A_13 = arith.constant 0 : index
    %get3A_14 = arith.constant 0 : index
    %get3A_15 = vector.load %arg4[%get3A_13, %get3A_14] : memref<128x256xf32, #tpu.memory_space<vmem>>, vector<128x256xf32>
    %dot_general3A = arith.constant dense<0.000000e+00> : vector<640x256xf32>
    %dot_general3A_16 = tpu.matmul %mul3A_12, %get3A_15, %dot_general3A {dimension_numbers = #tpu.dot_dimension_numbers<[1], [0], [0], [1], [0, 0, 1, 1], [], []>, transpose_lhs_hint = false} : vector<640x128xf32>, vector<128x256xf32>, vector<640x256xf32> -> vector<640x256xf32>
    %get3A_17 = arith.constant 0 : index
    %get3A_18 = arith.constant 0 : index
    %get3A_19 = vector.load %arg5[%get3A_17, %get3A_18] : memref<1x256xf32, #tpu.memory_space<vmem>>, vector<1x256xf32>
    %add3A_20 = vector.broadcast %get3A_19 : vector<1x256xf32> to vector<640x256xf32>
    %add3A_21 = arith.addf %dot_general3A_16, %add3A_20 : vector<640x256xf32>
    %max3A = arith.constant 0.000000e+00 : f32
    %max3A_22 = vector.broadcast %max3A : f32 to vector<640x256xf32>
    %max3A_23 = arith.maximumf %add3A_21, %max3A_22 : vector<640x256xf32>
    %get3A_24 = arith.constant 0 : index
    %get3A_25 = arith.constant 0 : index
    %get3A_26 = vector.load %arg3[%get3A_24, %get3A_25] : memref<640x1xf32, #tpu.memory_space<vmem>>, vector<640x1xf32>
    %mul3A_27 = vector.broadcast %get3A_26 : vector<640x1xf32> to vector<640x256xf32>
    %mul3A_28 = arith.mulf %max3A_23, %mul3A_27 : vector<640x256xf32>
    %slice3A = vector.extract_strided_slice %mul3A_28 {offsets = [0, 0], sizes = [640, 128], strides = [1, 1]} : vector<640x256xf32> to vector<640x128xf32>
    %swap3A = arith.constant 0 : index
    %swap3A_29 = arith.constant 0 : index
    %swap3A_30 = arith.constant 0 : index
    %swap3A_31 = vector.load %arg6[%swap3A, %swap3A_29, %swap3A_30] : memref<2x640x128xf32, #tpu.memory_space<vmem>>, vector<1x640x128xf32>
    %swap3A_32 = vector.shape_cast %swap3A_31 : vector<1x640x128xf32> to vector<640x128xf32>
    %swap3A_33 = vector.shape_cast %slice3A : vector<640x128xf32> to vector<1x640x128xf32>
    tpu.vector_store %arg6[%swap3A, %swap3A_29, %swap3A_30], %swap3A_33 {strides = array<i32>} : memref<2x640x128xf32, #tpu.memory_space<vmem>>, vector<1x640x128xf32>,
    %slice3A_34 = vector.extract_strided_slice %mul3A_28 {offsets = [0, 128], sizes = [640, 128], strides = [1, 1]} : vector<640x256xf32> to vector<640x128xf32>
    %swap3A_35 = arith.constant 1 : index
    %swap3A_36 = arith.constant 0 : index
    %swap3A_37 = arith.constant 0 : index
    %swap3A_38 = vector.load %arg6[%swap3A_35, %swap3A_36, %swap3A_37] : memref<2x640x128xf32, #tpu.memory_space<vmem>>, vector<1x640x128xf32>
    %swap3A_39 = vector.shape_cast %swap3A_38 : vector<1x640x128xf32> to vector<640x128xf32>
    %swap3A_40 = vector.shape_cast %slice3A_34 : vector<640x128xf32> to vector<1x640x128xf32>
    tpu.vector_store %arg6[%swap3A_35, %swap3A_36, %swap3A_37], %swap3A_40 {strides = array<i32>} : memref<2x640x128xf32, #tpu.memory_space<vmem>>, vector<1x640x128xf32>,
    return
  }
  func.func @transform_0(%arg0: i32) -> (i32, i32, i32) {
    %c0_i32 = arith.constant 0 : i32
    %c0_i32_0 = arith.constant 0 : i32
    %c0_i32_1 = arith.constant 0 : i32
    return %c0_i32, %arg0, %c0_i32_0 : i32, i32, i32
  }
  func.func @transform_1(%arg0: i32) -> (i32, i32) {
    %c0_i32 = arith.constant 0 : i32
    %c0_i32_0 = arith.constant 0 : i32
    return %arg0, %c0_i32 : i32, i32
  }
  func.func @transform_2(%arg0: i32) -> (i32, i32) {
    %c0_i32 = arith.constant 0 : i32
    %c0_i32_0 = arith.constant 0 : i32
    return %arg0, %c0_i32 : i32, i32
  }
  func.func @transform_3(%arg0: i32) -> (i32, i32) {
    %c0_i32 = arith.constant 0 : i32
    %c0_i32_0 = arith.constant 0 : i32
    %c0_i32_1 = arith.constant 0 : i32
    return %c0_i32, %c0_i32_0 : i32, i32
  }
  func.func @transform_4(%arg0: i32) -> (i32, i32) {
    %c0_i32 = arith.constant 0 : i32
    %c0_i32_0 = arith.constant 0 : i32
    %c0_i32_1 = arith.constant 0 : i32
    return %c0_i32, %c0_i32_0 : i32, i32
  }
  func.func @transform_5(%arg0: i32) -> (i32, i32, i32) {
    %c0_i32 = arith.constant 0 : i32
    %c0_i32_0 = arith.constant 0 : i32
    %c0_i32_1 = arith.constant 0 : i32
    return %c0_i32, %arg0, %c0_i32_0 : i32, i32, i32
  }
}

module attributes {stable_mosaic.version = 14 : i64} {
  func.func @_l2_body(%arg0: i32, %arg1: memref<2x640x128xf32, #tpu.memory_space<vmem>>, %arg2: memref<640x1xf32, #tpu.memory_space<vmem>>, %arg3: memref<256x256xf32, #tpu.memory_space<vmem>>, %arg4: memref<1x256xf32, #tpu.memory_space<vmem>>, %arg5: memref<256x128xf32, #tpu.memory_space<vmem>>, %arg6: memref<1x128xf32, #tpu.memory_space<vmem>>, %arg7: memref<1x128xf32, #tpu.memory_space<vmem>>, %arg8: memref<1x256xf32, #tpu.memory_space<vmem>>) attributes {dimension_semantics = [#tpu.dimension_semantics<arbitrary>], iteration_bounds = array<i64: 16>, scalar_prefetch = 0 : i64, scratch_operands = 1 : i64, tpu.core_type = #tpu.core_type<tc>, window_params = [{transform_indices = @transform_0, window_bounds = array<i64: 2, 640, 128>}, {transform_indices = @transform_1, window_bounds = array<i64: 640, 1>}, {pipeline_mode = #tpu.pipeline_mode<synchronous>, transform_indices = @transform_2, window_bounds = array<i64: 256, 256>}, {pipeline_mode = #tpu.pipeline_mode<synchronous>, transform_indices = @transform_3, window_bounds = array<i64: 1, 256>}, {pipeline_mode = #tpu.pipeline_mode<synchronous>, transform_indices = @transform_4, window_bounds = array<i64: 256, 128>}, {pipeline_mode = #tpu.pipeline_mode<synchronous>, transform_indices = @transform_5, window_bounds = array<i64: 1, 128>}, {pipeline_mode = #tpu.pipeline_mode<synchronous>, transform_indices = @transform_6, window_bounds = array<i64: 1, 128>}]} {
    %eq3A = arith.constant 0 : i32
    %eq3A_0 = arith.cmpi eq, %arg0, %eq3A : i32
    %convert_element_type3A = arith.extui %eq3A_0 : i1 to i32
    %cond3A = arith.constant 0 : i32
    %cond3A_1 = arith.cmpi ne, %convert_element_type3A, %cond3A : i32
    scf.if %cond3A_1 {
      %broadcast_in_dim3A_44 = arith.constant 0.000000e+00 : f32
      %broadcast_in_dim3A_45 = vector.broadcast %broadcast_in_dim3A_44 : f32 to vector<1x256xf32>
      %swap3A_46 = arith.constant 0 : index
      %swap3A_47 = arith.constant 0 : index
      %swap3A_48 = vector.load %arg8[%swap3A_46, %swap3A_47] : memref<1x256xf32, #tpu.memory_space<vmem>>, vector<1x256xf32>
      tpu.vector_store %arg8[%swap3A_46, %swap3A_47], %broadcast_in_dim3A_45 {strides = array<i32>} : memref<1x256xf32, #tpu.memory_space<vmem>>, vector<1x256xf32>,
    } else {
    }
    %get3A = arith.constant 0 : index
    %get3A_2 = arith.constant 0 : index
    %get3A_3 = arith.constant 0 : index
    %get3A_4 = vector.load %arg1[%get3A, %get3A_2, %get3A_3] : memref<2x640x128xf32, #tpu.memory_space<vmem>>, vector<1x640x128xf32>
    %get3A_5 = vector.shape_cast %get3A_4 : vector<1x640x128xf32> to vector<640x128xf32>
    %get3A_6 = arith.constant 1 : index
    %get3A_7 = arith.constant 0 : index
    %get3A_8 = arith.constant 0 : index
    %get3A_9 = vector.load %arg1[%get3A_6, %get3A_7, %get3A_8] : memref<2x640x128xf32, #tpu.memory_space<vmem>>, vector<1x640x128xf32>
    %get3A_10 = vector.shape_cast %get3A_9 : vector<1x640x128xf32> to vector<640x128xf32>
    %concatenate3A = tpu.concatenate %get3A_5, %get3A_10 in 1 : vector<640x128xf32>, vector<640x128xf32> -> vector<640x256xf32>
    %get3A_11 = arith.constant 0 : index
    %get3A_12 = arith.constant 0 : index
    %get3A_13 = vector.load %arg2[%get3A_11, %get3A_12] : memref<640x1xf32, #tpu.memory_space<vmem>>, vector<640x1xf32>
    %mul3A = vector.broadcast %get3A_13 : vector<640x1xf32> to vector<640x256xf32>
    %mul3A_14 = arith.mulf %concatenate3A, %mul3A : vector<640x256xf32>
    %get3A_15 = arith.constant 0 : index
    %get3A_16 = arith.constant 0 : index
    %get3A_17 = vector.load %arg3[%get3A_15, %get3A_16] : memref<256x256xf32, #tpu.memory_space<vmem>>, vector<256x256xf32>
    %dot_general3A = arith.constant dense<0.000000e+00> : vector<640x256xf32>
    %dot_general3A_18 = tpu.matmul %mul3A_14, %get3A_17, %dot_general3A {dimension_numbers = #tpu.dot_dimension_numbers<[1], [0], [0], [1], [0, 0, 1, 1], [], []>, transpose_lhs_hint = false} : vector<640x256xf32>, vector<256x256xf32>, vector<640x256xf32> -> vector<640x256xf32>
    %get3A_19 = arith.constant 0 : index
    %get3A_20 = arith.constant 0 : index
    %get3A_21 = vector.load %arg4[%get3A_19, %get3A_20] : memref<1x256xf32, #tpu.memory_space<vmem>>, vector<1x256xf32>
    %add3A = vector.broadcast %get3A_21 : vector<1x256xf32> to vector<640x256xf32>
    %add3A_22 = arith.addf %dot_general3A_18, %add3A : vector<640x256xf32>
    %max3A = arith.constant 0.000000e+00 : f32
    %max3A_23 = vector.broadcast %max3A : f32 to vector<640x256xf32>
    %max3A_24 = arith.maximumf %add3A_22, %max3A_23 : vector<640x256xf32>
    %iota3A = tpu.iota {dimensions = array<i32: 0>} : vector<640x256xi32>
    %mul3A_25 = arith.constant 640 : i32
    %mul3A_26 = arith.muli %arg0, %mul3A_25 : i32
    %add3A_27 = vector.broadcast %mul3A_26 : i32 to vector<640x256xi32>
    %add3A_28 = arith.addi %iota3A, %add3A_27 : vector<640x256xi32>
    %lt3A = arith.constant 10000 : i32
    %lt3A_29 = vector.broadcast %lt3A : i32 to vector<640x256xi32>
    %lt3A_30 = arith.cmpi slt, %add3A_28, %lt3A_29 : vector<640x256xi32>
    %jit3A = arith.constant 0.000000e+00 : f32
    %broadcast_in_dim3A = vector.broadcast %jit3A : f32 to vector<640x256xf32>
    %select_n3A = arith.select %lt3A_30, %max3A_24, %broadcast_in_dim3A : vector<640x256xi1>, vector<640x256xf32>
    %get3A_31 = arith.constant 0 : index
    %get3A_32 = arith.constant 0 : index
    %get3A_33 = vector.load %arg8[%get3A_31, %get3A_32] : memref<1x256xf32, #tpu.memory_space<vmem>>, vector<1x256xf32>
    %reduce_sum3A = arith.constant dense<0.000000e+00> : vector<256xf32>
    %reduce_sum3A_34 = vector.multi_reduction <add>, %select_n3A, %reduce_sum3A [0] : vector<640x256xf32> to vector<256xf32>
    %broadcast_in_dim3A_35 = vector.shape_cast %reduce_sum3A_34 : vector<256xf32> to vector<1x256xf32>
    %add3A_36 = arith.addf %get3A_33, %broadcast_in_dim3A_35 : vector<1x256xf32>
    %swap3A = arith.constant 0 : index
    %swap3A_37 = arith.constant 0 : index
    %swap3A_38 = vector.load %arg8[%swap3A, %swap3A_37] : memref<1x256xf32, #tpu.memory_space<vmem>>, vector<1x256xf32>
    tpu.vector_store %arg8[%swap3A, %swap3A_37], %add3A_36 {strides = array<i32>} : memref<1x256xf32, #tpu.memory_space<vmem>>, vector<1x256xf32>,
    %eq3A_39 = arith.constant 15 : i32
    %eq3A_40 = arith.cmpi eq, %arg0, %eq3A_39 : i32
    %convert_element_type3A_41 = arith.extui %eq3A_40 : i1 to i32
    %cond3A_42 = arith.constant 0 : i32
    %cond3A_43 = arith.cmpi ne, %convert_element_type3A_41, %cond3A_42 : i32
    scf.if %cond3A_43 {
      %get3A_44 = arith.constant 0 : index
      %get3A_45 = arith.constant 0 : index
      %get3A_46 = vector.load %arg8[%get3A_44, %get3A_45] : memref<1x256xf32, #tpu.memory_space<vmem>>, vector<1x256xf32>
      %mul3A_47 = arith.constant 9.99999974E-5 : f32
      %mul3A_48 = vector.broadcast %mul3A_47 : f32 to vector<1x256xf32>
      %mul3A_49 = arith.mulf %get3A_46, %mul3A_48 : vector<1x256xf32>
      %get3A_50 = arith.constant 0 : index
      %get3A_51 = arith.constant 0 : index
      %get3A_52 = vector.load %arg5[%get3A_50, %get3A_51] : memref<256x128xf32, #tpu.memory_space<vmem>>, vector<256x128xf32>
      %dot_general3A_53 = arith.constant dense<0.000000e+00> : vector<1x128xf32>
      %dot_general3A_54 = tpu.matmul %mul3A_49, %get3A_52, %dot_general3A_53 {dimension_numbers = #tpu.dot_dimension_numbers<[1], [0], [0], [1], [0, 0, 1, 1], [], []>, transpose_lhs_hint = false} : vector<1x256xf32>, vector<256x128xf32>, vector<1x128xf32> -> vector<1x128xf32>
      %get3A_55 = arith.constant 0 : index
      %get3A_56 = arith.constant 0 : index
      %get3A_57 = vector.load %arg6[%get3A_55, %get3A_56] : memref<1x128xf32, #tpu.memory_space<vmem>>, vector<1x128xf32>
      %add3A_58 = arith.addf %dot_general3A_54, %get3A_57 : vector<1x128xf32>
      %swap3A_59 = arith.constant 0 : index
      %swap3A_60 = arith.constant 0 : index
      %swap3A_61 = vector.load %arg7[%swap3A_59, %swap3A_60] : memref<1x128xf32, #tpu.memory_space<vmem>>, vector<1x128xf32>
      tpu.vector_store %arg7[%swap3A_59, %swap3A_60], %add3A_58 {strides = array<i32>} : memref<1x128xf32, #tpu.memory_space<vmem>>, vector<1x128xf32>,
    } else {
    }
    return
  }
  func.func @transform_0(%arg0: i32) -> (i32, i32, i32) {
    %c0_i32 = arith.constant 0 : i32
    %c0_i32_0 = arith.constant 0 : i32
    %c0_i32_1 = arith.constant 0 : i32
    return %c0_i32, %arg0, %c0_i32_0 : i32, i32, i32
  }
  func.func @transform_1(%arg0: i32) -> (i32, i32) {
    %c0_i32 = arith.constant 0 : i32
    %c0_i32_0 = arith.constant 0 : i32
    return %arg0, %c0_i32 : i32, i32
  }
  func.func @transform_2(%arg0: i32) -> (i32, i32) {
    %c0_i32 = arith.constant 0 : i32
    %c0_i32_0 = arith.constant 0 : i32
    %c0_i32_1 = arith.constant 0 : i32
    return %c0_i32, %c0_i32_0 : i32, i32
  }
  func.func @transform_3(%arg0: i32) -> (i32, i32) {
    %c0_i32 = arith.constant 0 : i32
    %c0_i32_0 = arith.constant 0 : i32
    %c0_i32_1 = arith.constant 0 : i32
    return %c0_i32, %c0_i32_0 : i32, i32
  }
  func.func @transform_4(%arg0: i32) -> (i32, i32) {
    %c0_i32 = arith.constant 0 : i32
    %c0_i32_0 = arith.constant 0 : i32
    %c0_i32_1 = arith.constant 0 : i32
    return %c0_i32, %c0_i32_0 : i32, i32
  }
  func.func @transform_5(%arg0: i32) -> (i32, i32) {
    %c0_i32 = arith.constant 0 : i32
    %c0_i32_0 = arith.constant 0 : i32
    %c0_i32_1 = arith.constant 0 : i32
    return %c0_i32, %c0_i32_0 : i32, i32
  }
  func.func @transform_6(%arg0: i32) -> (i32, i32) {
    %c0_i32 = arith.constant 0 : i32
    %c0_i32_0 = arith.constant 0 : i32
    %c0_i32_1 = arith.constant 0 : i32
    return %c0_i32, %c0_i32_0 : i32, i32
  }
}

</mosaic_0001>

<sc_bundles>
// kernel: kernel.11.cloned.1.call-start
scs
__scs_entry_jumppad:
0x0: {  	(pc) =	sbr.rel $0x88, $3  }
0x1: {  	(tag) =	ssettag $0x0;
	lr =	simm.s32 $0x1  }
0x2: {  	[smem:$0x3F99] =	sst lr;
	_ =	strace $0xD0000000  }
0x3: {  	_ = 	snop  }
0x4: {  	_ = 	snop  }
0x5: {  	_ = 	snop  }
0x6: {  	_ = 	snop  }
0x7: {  	_ = 	snop  }
__scs_overlays_trampoline_lowered:
0x8: {  	[smem:$0x3FA8] =	sst s0  }
0x9: {  	[smem:$0x3FA9] =	sst s1  }
0xa: {  	[smem:$0x3FAA] =	sst s2  }
0xb: {  	[smem:$0x3FAB] =	sst s3  }
0xc: {  	[smem:$0x3FAC] =	sst s4  }
0xd: {  	[smem:$0x3FAD] =	sst s5  }
0xe: {  	[smem:$0x3FAE] =	sst s6  }
0xf: {  	[smem:$0x3FAF] =	sst s7  }
0x10: {  	[smem:$0x3FB0] =	sst s8  }
0x11: {  	[smem:$0x3FB1] =	sst s9;
	s0 =	simm.s32 @!p0 $0x0  }
0x12: {  	s1 =	sld [smem:$0x3F97];
	s0 =	simm.s32 @p0 $0x1  }
0x13: {  	[smem:$0x3FB2] =	sst s0;
	s0 =	simm.s32 @!p1 $0x0  }
0x14: {  	s2 =	sld [smem:$0x3F96];
	s0 =	simm.s32 @p1 $0x1  }
0x15: {  	[smem:$0x3FB3] =	sst s0;
	s0 =	simm.s32 @!p2 $0x0  }
0x16: {  	s3 =	sld [smem:$0x3FDB];
	s0 =	simm.s32 @p2 $0x1  }
0x17: {  	s4 =	simm.s32 $0x1BF5;
	[smem:$0x3FB5] =	sst s0  }
0x18: {  	s0 =	sld [smem:$0x3F98];
	_ =	swait.ge [sflag:s4], $0x0  }
0x19: {  	s7 =	sld [smem:$0x3F99]  }
0x1a: {  	s8 =	sadd.s32 $0xFFFFE003, lr  }
0x1b: {  	s9 =	sadd.s32 $0xFFFFFEF7, lr;
	s5 =	simm.s32 $0xFFFFFFFF;
	p2 =	slt.u32 s8, $0xFFFFF086  }
0x1c: {  	p1 =	slt.u32 s9, $0xF7A;
	s5 =	simm.s32 @!p2 $0x0  }
0x1d: {  	s5 =	simm.s32 @p1 $0x1;
	p0 =	seq.s32 s7, s2  }
0x1e: {  	s7 =	smul.u32 @!p0 $0xF7A, s2;
	p2 =	seq.s32 @!p0 s5, $0x0  }
0x1f: {  	s9 =	smul.u32 $0xF7A, s1;
	s8 =	simm.s32 @!p0 $0x1BF5;
	p2 =	por !p2, p0  }
0x20: {  	[sflag:s8] =	ssyncset.s32 @!p0 $0xFFFFF086;
	s6 =	sadd.s32 @!p0 s3, s7;
	s7 =	simm.s32 @!p0 $0x108  }
0x21: {  	s3 =	sadd.s32 s3, s9;
	s6 =	sadd.s32 @!p0 $0x88, s6;
	s7 =	simm.s32 @p2 $0x1082  }
0x22: {  	[simem:s7], [sflag:s8] =	dma.local @!p0 [hbm:s6], $0xF7A  }
0x23: {  	s9 =	sor.u32 $0xD0000000, s2;
	s6 =	simm.s32 $0x108;
	_ =	swait.ge @!p0 [sflag:s8], $0x0  }
0x24: {  	s3 =	sadd.s32 $0x88, s3;
	s6 =	simm.s32 @!p1 $0x1082;
	[sflag:s4] =	ssyncset.s32 $0xFFFFF086  }
0x25: {  	[simem:s6], [sflag:s4] =	dma.local [hbm:s3], $0xF7A  }
0x26: {  	[smem:$0x3F99] =	sst s1;
	(tag) =	ssettag s2;
	_ =	strace s9  }
0x27: {  	s1 =	sld [smem:$0x3FA9]  }
0x28: {  	s2 =	sld [smem:$0x3FAA]  }
0x29: {  	s4 =	sld [smem:$0x3FAC]  }
0x2a: {  	p0 =	seq.s32 s5, $0x0;
	s5 =	sld [smem:$0x3FAD]  }
0x2b: {  	s6 =	sld [smem:$0x3FAE]  }
0x2c: {  	s7 =	sld [smem:$0x3FAF]  }
0x2d: {  	s3 =	simm.s32 $0x108;
	s8 =	sld [smem:$0x3FB0]  }
0x2e: {  	s3 =	simm.s32 @!p0 $0x1082;
	s9 =	sld [smem:$0x3FB1]  }
0x2f: {  	lr =	sadd.s32 s0, s3;
	s0 =	sld [smem:$0x3FA8]  }
0x30: {  	s3 =	sld [smem:$0x3FAB]  }
0x31: {  	[smem:$0x3FB4] =	sst s10  }
0x32: {  	s10 =	sld [smem:$0x3FB2];
	_ =	sdelay $0x3  }
0x33: {  	p0 =	seq.s32 s10, $0x1;
	s10 =	sld [smem:$0x3FB4];
	_ =	sdelay $0x3  }
0x34: {  	[smem:$0x3FB4] =	sst s10  }
0x35: {  	s10 =	sld [smem:$0x3FB3];
	_ =	sdelay $0x3  }
0x36: {  	p1 =	seq.s32 s10, $0x1;
	s10 =	sld [smem:$0x3FB4];
	_ =	sdelay $0x3  }
0x37: {  	[smem:$0x3FB4] =	sst s10  }
0x38: {  	s10 =	sld [smem:$0x3FB5]  }
0x39: {  	_ = 	snop;
	(pc) =	sbr.ind lr, $3  }
0x3a: {  	_ = 	snop  }
0x3b: {  	_ = 	snop  }
0x3c: {  	p2 =	seq.s32 s10, $0x1;
	s10 =	sld [smem:$0x3FB4]  }
0x3d: {  	_ =	shalt  }
0x3e: {  	_ =	shalt  }
0x3f: {  	_ =	shalt  }
0x40: {  	_ =	shalt  }
0x41: {  	_ =	shalt  }
0x42: {  	_ =	shalt  }
0x43: {  	_ =	shalt  }
0x44: {  	_ =	shalt  }
0x45: {  	_ =	shalt  }
0x46: {  	_ =	shalt  }
0x47: {  	_ =	shalt  }
0x48: {  	_ =	shalt  }
0x49: {  	_ =	shalt  }
0x4a: {  	_ =	shalt  }
0x4b: {  	_ =	shalt  }
0x4c: {  	_ =	shalt  }
0x4d: {  	_ =	shalt  }
0x4e: {  	_ =	shalt  }
0x4f: {  	_ =	shalt  }
0x50: {  	_ =	shalt  }
0x51: {  	_ =	shalt  }
0x52: {  	_ =	shalt  }
0x53: {  	_ =	shalt  }
0x54: {  	_ =	shalt  }
0x55: {  	_ =	shalt  }
0x56: {  	_ =	shalt  }
0x57: {  	_ =	shalt  }
0x58: {  	_ =	shalt  }
0x59: {  	_ =	shalt  }
0x5a: {  	_ =	shalt  }
0x5b: {  	_ =	shalt  }
0x5c: {  	_ =	shalt  }
0x5d: {  	_ =	shalt  }
0x5e: {  	_ =	shalt  }
0x5f: {  	_ =	shalt  }
0x60: {  	_ =	shalt  }
0x61: {  	_ =	shalt  }
0x62: {  	_ =	shalt  }
0x63: {  	_ =	shalt  }
0x64: {  	_ =	shalt  }
0x65: {  	_ =	shalt  }
0x66: {  	_ =	shalt  }
0x67: {  	_ =	shalt  }
0x68: {  	_ =	shalt  }
0x69: {  	_ =	shalt  }
0x6a: {  	_ =	shalt  }
0x6b: {  	_ =	shalt  }
0x6c: {  	_ =	shalt  }
0x6d: {  	_ =	shalt  }
0x6e: {  	_ =	shalt  }
0x6f: {  	_ =	shalt  }
0x70: {  	_ =	shalt  }
0x71: {  	_ =	shalt  }
0x72: {  	_ =	shalt  }
0x73: {  	_ =	shalt  }
0x74: {  	_ =	shalt  }
0x75: {  	_ =	shalt  }
0x76: {  	_ =	shalt  }
0x77: {  	_ =	shalt  }
0x78: {  	_ =	shalt  }
0x79: {  	_ =	shalt  }
0x7a: {  	_ =	shalt  }
0x7b: {  	_ =	shalt  }
0x7c: {  	_ =	shalt  }
0x7d: {  	_ =	shalt  }
0x7e: {  	_ =	shalt  }
0x7f: {  	_ =	shalt  }
0x80: {  	_ =	shalt  }
0x81: {  	_ =	shalt  }
0x82: {  	_ =	shalt  }
0x83: {  	_ =	shalt  }
0x84: {  	_ =	shalt  }
0x85: {  	_ =	shalt  }
0x86: {  	_ =	shalt  }
0x87: {  	_ =	shalt  }
.Lfunc_end0:
.L_simem_size_0:
called_computation.1_lowered:
.L_overlay_start_0:
0x88: {  	s2 =	sld [smem:$0x3FD9]  }
0x89: {  	s3 =	sld [smem:$0x3FFE];
	_ =	sdelay $0x1  }
0x8a: {  	s1 =	srdreg.scid  }
0x8b: {  	s0 =	sand.u32 $0x1, s1  }
0x8c: {  	s16 =	sshll.u32 s0, $0xA;
	s2 =	sadd.s32 s3, s2  }
0x8d: {  	s2 =	sadd.s32 s2, s16  }
0x8e: {  	[smem:$0x3FC0] =	sst s2  }
0x8f: {  	_ = 	snop  }
0x90: {  	(tm) =	ssettm $0x1  }
0x91: {  	s17 =	sld [smem:$0x3FFB];
	_ =	sdelay $0x3  }
0x92: {  	_ =	strace s17  }
0x93: {  	s2 =	sld [smem:$0x3FFC];
	_ =	sdelay $0x3  }
0x94: {  	_ =	strace s2  }
0x95: {  	s2 =	sld [smem:$0x3FFD];
	_ =	sdelay $0x3  }
0x96: {  	_ =	strace s2  }
0x97: {  	_ =	strace $0x8FFFFFFF  }
0x98: {  	s18 =	sld [smem:$0x3FDB];
	_ =	sdelay $0x1  }
0x99: {  	s19 =	simm.s32 $_scs_section_size  }
0x9a: {  	s4 =	simm.s32 $_size__tile_overlayer_lowered;
	s5 =	simm.s32 $_tile_overlayer_lowered  }
0x9b: {  	s22 =	simm.s32 $0x1BFF;
	s21 =	sshll.u32 s5, $0x1;
	s2 =	sadd.s32 s19, s18  }
0x9c: {  	s6 =	simm.s32 $0x0;
	s20 =	sshll.u32 s4, $0x1;
	s4 =	sadd.s32 s21, s2  }
0x9d: {  	[timem:s6], [sflag:s22] =	dma.local [hbm:s4], s20  }
0x9e: {  	_ =	swait.ge [sflag:s22], s20  }
0x9f: {  	s3 =	ssub.s32 $0x0, s20;
	[sflag:s22] =	ssyncset.done $0x0  }
0xa0: {  	[sflag:s22] =	ssyncadd.s32 s3;
	_ =	sdelay $0x1  }
0xa1: {  	s23 =	simm.s32 $0x1B8B  }
0xa2: {  	_ =	swait.ge [sflag:s23], $0x1  }
0xa3: {  	[sflag:s23] =	ssyncset.done $0x0  }
0xa4: {  	s25 =	simm.s32 $0x1B8E;
	s24 =	sld [smem:$0x3FFE];
	[sflag:s23] =	ssyncadd.s32 $0xFFFFFFFF  }
0xa5: {  	s26 =	simm.s32 $execute0_lowered;
	[smem:$0x3FD2] =	sst s25  }
0xa6: {  	s4 =	sshll.u32 s26, $0x1;
	_ =	strace $0x80000049;
	[dreg:$0x1] =	wrdreg $0xFFFFFFFF  }
0xa7: {  	s28 =	simm.s32 $_size_execute0_lowered;
	s2 =	sadd.s32 s2, s4;
	[dreg:$0x0] =	wrdreg $0x0  }
0xa8: {  	s4 =	sshll.u32 s28, $0x1;
	[dreg:$0x2] =	wrdreg s2  }
0xa9: {  	[dreg:$0x3] =	wrdreg s4  }
0xaa: {  	[dreg:$0x4] =	wrdreg $0xC0  }
0xab: {  	_ =	task [dreg:s6], $0x5FFFF  }
0xac: {  	[dreg:$0x1] =	wrdreg $0xFFFFFFFF  }
0xad: {  	[dreg:$0x0] =	wrdreg $0x60  }
0xae: {  	[dreg:$0x2] =	wrdreg s24  }
0xaf: {  	[dreg:$0x3] =	wrdreg $0x98000  }
0xb0: {  	[dreg:$0x4] =	wrdreg $0x9  }
0xb1: {  	_ =	task.clear_ibuf [dreg:s6], $0x5FFFF;
	_ =	strace $0x90000049  }
0xb2: {  	s29 =	simm.s32 $0x9;
	_ =	strace $0x8000004B  }
0xb3: {  	_ =	swait.ge [sflag:s29], $0x1  }
0xb4: {  	[sflag:s29] =	ssyncadd.s32 $0xFFFFFFFF  }
0xb5: {  	_ =	strace $0x9000004B  }
0xb6: {  	_ =	sfence  }
0xb7: {  	s30 =	sld [smem:$0x0];
	_ =	sdelay $0x2  }
0xb8: {  	s31 =	sshll.u32 s1, $0xD;
	s1 =	sshrl.u32 s1, $0x2  }
0xb9: {  	s3 =	sand.u32 $0x4000, s31;
	s1 =	sadd.s32 s1, s30  }
0xba: {  	s0 =	sor.u32 s3, s0;
	s1 =	sshll.u32 s1, $0x11  }
0xbb: {  	s0 =	sor.u32 s1, s0  }
0xbc: {  	s0 =	sadd.s32 $0x8F2B, s0  }
0xbd: {  	[sflag:s0] =	ssyncadd.remote.s32 $0x1  }
0xbe: {  	_ =	sfence.sel $0xFFFF  }
0xbf: {  	[dreg:$0x0] =	wrdreg $0xFFFFFFFF;
	(pc) =	sbr.abs _section_cstart, $3  }
0xc0: {  	[dreg:$0x1] =	wrdreg $0xFFFFFFFF  }
0xc1: {  	_ =	task.clear_ibuf [dreg:s6], $0x2FFFF;
	_ =	strace $0x9FFFFFFF  }
0xc2: {  	(tm) =	ssettm $0x7FFFFFFF  }
0xc3: {  	_ =	shalt  }
tec
execute0_lowered:
.L_overlay_start_1:
0x0: {  	(tag) =	ssettag $0x1  }
0x1: {  	s0 =	srdreg.scid;
	s8 =	stileid.u32  }
0x2: {  	s0 =	sand.u32 $0x1, s0;
	s3 =	smul.u32 $0x5000, s8  }
0x3: {  	s1 =	smul.u32 $0x50000, s0  }
0x4: {  	s5 =	rddreg [dreg:$0x0]  }
0x5: {  	s2 =	rddreg [dreg:$0x1];
	s1 =	sadd.s32 s3, s1;
	s3 =	simm.s32 $0x0  }
0x6: {  	s6 =	simm.s32 $0x100;
	[smem:$0x7FF] =	sst s3  }
0x7: {  	s7 =	simm.s32 $0x180;
	_ =	strace $0x8000004A;
	[dreg:$0x6] =	wrdreg s6  }
0x8: {  	s9 =	simm.s32 $0x1080;
	[dreg:$0x7] =	wrdreg s7  }
0x9: {  	s10 =	simm.s32 $0x200;
	[dreg:$0x8] =	wrdreg s9  }
0xa: {  	s11 =	simm.s32 $0x1100;
	[dreg:$0x9] =	wrdreg s10  }
0xb: {  	s12 =	simm.s32 $0x280;
	[dreg:$0xa] =	wrdreg s11  }
0xc: {  	s13 =	simm.s32 $0x1180;
	[dreg:$0xb] =	wrdreg s12  }
0xd: {  	s14 =	simm.s32 $0x300;
	[dreg:$0xc] =	wrdreg s13  }
0xe: {  	s15 =	simm.s32 $0x1200;
	s16 =	simm.s32 $0x380;
	[dreg:$0xd] =	wrdreg s14  }
0xf: {  	s17 =	simm.s32 $0x1280;
	s18 =	simm.s32 $0x400;
	[dreg:$0xe] =	wrdreg s15  }
0x10: {  	s19 =	simm.s32 $0x1300;
	s20 =	simm.s32 $0x480;
	[dreg:$0xf] =	wrdreg s16  }
0x11: {  	s22 =	simm.s32 $0x1380;
	s24 =	simm.s32 $0x500;
	[dreg:$0x10] =	wrdreg s17  }
0x12: {  	s25 =	simm.s32 $0x1400;
	s28 =	simm.s32 $0x1A00;
	[dreg:$0x11] =	wrdreg s18  }
0x13: {  	s29 =	simm.s32 $0xB80;
	s23 =	smul.u32 $0x50000, s8;
	[dreg:$0x12] =	wrdreg s19  }
0x14: {  	s30 =	simm.s32 $0x1A80;
	s31 =	simm.s32 $0xC00;
	[dreg:$0x13] =	wrdreg s20  }
0x15: {  	s26 =	sshrl.u32 s23, $0x2;
	s23 =	simm.s32 $0x900;
	[dreg:$0x14] =	wrdreg s22  }
0x16: {  	s1 =	sshrl.u32 s1, $0x3;
	s6 =	smul.u32 $0x140000, s0;
	[dreg:$0x15] =	wrdreg s24  }
0x17: {  	s1 =	sadd.s32 s1, s5;
	s7 =	smul.u32 $0x14000, s8;
	[dreg:$0x16] =	wrdreg s25  }
0x18: {  	s9 =	sadd.s32 $0x2A000, s5;
	s0 =	ssub.s32 $0x2, s0;
	[smem:$0x7F8] =	sst s23  }
0x19: {  	s10 =	sshll.u32 s8, $0x6;
	s11 =	simm.s32 $0x600;
	[smem:$0x7F0] =	sst s9  }
0x1a: {  	s12 =	simm.s32 $0x1500;
	s13 =	simm.s32 $0x680;
	[dreg:$0x19] =	wrdreg s11  }
0x1b: {  	s14 =	simm.s32 $0x1580;
	s15 =	simm.s32 $0x700;
	[dreg:$0x1a] =	wrdreg s12  }
0x1c: {  	s16 =	simm.s32 $0x1600;
	s17 =	simm.s32 $0x780;
	[dreg:$0x1b] =	wrdreg s13  }
0x1d: {  	s18 =	simm.s32 $0x1680;
	s19 =	simm.s32 $0x800;
	[dreg:$0x1c] =	wrdreg s14  }
0x1e: {  	s20 =	simm.s32 $0x1700;
	s22 =	simm.s32 $0x1780;
	[dreg:$0x1d] =	wrdreg s15  }
0x1f: {  	s24 =	simm.s32 $0x1800;
	s25 =	simm.s32 $0x980;
	[dreg:$0x1e] =	wrdreg s16  }
0x20: {  	s23 =	simm.s32 $0x1900;
	s4 =	sadd.s32 $0x15600, s1;
	[dreg:$0x1f] =	wrdreg s17  }
0x21: {  	s1 =	sadd.s32 $0x1600, s1;
	s21 =	sshrl.u32 s0, $0x1;
	[smem:$0x7F3] =	sst s18  }
0x22: {  	s9 =	simm.s32 $0x1480;
	s11 =	simm.s32 $0x1000;
	[smem:$0x7F4] =	sst s19  }
0x23: {  	s12 =	simm.s32 $0x50;
	s13 =	simm.s32 $0x2000;
	[smem:$0x7F5] =	sst s20  }
0x24: {  	s14 =	simm.s32 $0x4800;
	s15 =	simm.s32 $0x7000;
	[smem:$0x7F7] =	sst s22  }
0x25: {  	s16 =	simm.s32 $0x1;
	s17 =	simm.s32 $0x4;
	[smem:$0x7F9] =	sst s24  }
0x26: {  	s18 =	simm.s32 $0x2;
	s19 =	simm.s32 $0x5;
	[smem:$0x7FA] =	sst s25  }
0x27: {  	s20 =	simm.s32 $0x3;
	s22 =	simm.s32 $0xA00;
	[dreg:$0x3] =	wrdreg s4  }
0x28: {  	s24 =	simm.s32 $0xA80;
	s25 =	simm.s32 $0x1980;
	[dreg:$0x4] =	wrdreg s1  }
0x29: {  	s4 =	simm.s32 $0x80;
	s6 =	sadd.s32 s7, s6;
	s0 =	ssub.s32 s0, s21  }
0x2a: {  	s7 =	simm.s32 $0x580;
	[dreg:$0x18] =	wrdreg s9;
	s21 =	simm.s32 $0x880  }
0x2b: {  	s1 =	simm.s32 $0x1B00;
	s9 =	simm.s32 $0x0;
	[dreg:$0x5] =	wrdreg s4  }
0x2c: {  	s4 =	sadd.s32 $0x2C800, s5;
	s6 =	sshrl.u32 s6, $0x3;
	[dreg:$0x17] =	wrdreg s7  }
0x2d: {  	s7 =	sor.u32 $0x1C07, s10;
	s0 =	smax.u32 s0, $0x1;
	[smem:$0x7F6] =	sst s21  }
0x2e: {  	s10 =	simm.s32 $0x7;
	s5 =	sadd.s32 s6, s5;
	[smem:$0x7F2] =	sst s0  }
0x2f: {  	s6 =	sadd.s32 s26, s2;
	s26 =	simm.s32 $0x1880;
	[smem:$0x7FC] =	sst s7  }
0x30: {  	s21 =	simm.s32 $0x6;
	s5 =	sadd.s32 $0x54800, s5;
	[smem:$0x7FB] =	sst s26  }
0x31: {  	s0 =	simm.s32 $0x1B80;
	s8 =	sshrl.u32 s6, $0x3;
	[smem:$0x7F1] =	sst s5  }
0x32: {  	s26 =	simm.s32 $0xB00;
	s5 =	simm.s32 $0x1C00;
	[smem:$0x7FD] =	sst s8  }
.LBB2_1:
0x33: {  	s6 =	sld [smem:$0x7F0];
	_ =	sdelay $0x1  }
0x34: {  	[smem:$0x7EF] =	sst s9  }
0x35: {  	[spmem:s8], [sflag:s7] =	dma.local [hbm:s6], $0x2800  }
0x36: {  	_ =	swait.ge [sflag:s10], $0x2800  }
0x37: {  	[sflag:s10] =	ssyncset.done $0x0  }
0x38: {  	[sflag:s10] =	ssyncadd.s32 $0xFFFFD800  }
0x39: {  	[bflag:$0x0] =	sbarrier.arrive $0xFFFF  }
0x3a: {  	s7 =	rddreg [dreg:$0x4]  }
0x3b: {  	s6 =	sadd.s32 $0x0, s7  }
0x3c: {  	[tilespmem:s3], [sflag:$0x7] =	stream.linear.gather [hbm4b:s6+s3], $0xC80, $0x38;
	[tilespmem:$0x1D800] =	vst v63  }
0x3d: {  	_ =	swait.ge [sflag:s10], $0xC80  }
0x3e: {  	s8 =	rddreg [dreg:$0x3];
	[sflag:s10] =	ssyncset.done $0x0  }
0x3f: {  	[sflag:s10] =	ssyncadd.s32 $0xFFFFF380;
	s6 =	sadd.s32 $0x0, s8  }
0x40: {  	[tilespmem:s11], [sflag:$0x7] =	stream.linear.gather [hbm4b:s6+s3], $0xC80, $0x38;
	[tilespmem:$0x1D800] =	vst v63  }
0x41: {  	_ =	swait.ge [sflag:s10], $0xC80  }
0x42: {  	[sflag:s10] =	ssyncset.done $0x0  }
0x43: {  	[sflag:s10] =	ssyncadd.s32 $0xFFFFF380  }
0x44: {  	[tilespmem:s13], [sflag:$0x1] =	stream.indirect.gather [hbm4b:s4+s12], $0x80, s3, s12, $0xb8;
	[tilespmem:$0x1D800] =	vst v63  }
0x45: {  	s9 =	rddreg [dreg:$0x5]  }
0x46: {  	[tilespmem:s14], [sflag:$0x2] =	stream.indirect.gather [hbm4b:s4+s12], $0x80, s9, s12, $0xb8;
	[tilespmem:$0x1D800] =	vst v63  }
0x47: {  	s7 =	rddreg [dreg:$0x6]  }
0x48: {  	[tilespmem:s15], [sflag:$0x3] =	stream.indirect.gather [hbm4b:s4+s12], $0x80, s7, s12, $0xb8;
	[tilespmem:$0x1D800] =	vst v63  }
0x49: {  	_ =	swait.ge [sflag:s16], $0x2800  }
0x4a: {  	[sflag:s16] =	ssyncset.done $0x0  }
0x4b: {  	[sflag:s16] =	ssyncadd.s32 $0xFFFFD800  }
0x4c: {  	[spmem:s2] =	stream.indirect.scatter.add.f32 [tilespmem:s13], [sflag:$0x4], $0x80, s11, s12, $0xb8;
	[tilespmem:$0x1D800] =	vst v63  }
0x4d: {  	_ =	swait.ge [sflag:s17], $0x2800  }
0x4e: {  	[sflag:s17] =	ssyncset.done $0x0  }
0x4f: {  	s9 =	rddreg [dreg:$0x7];
	[sflag:s17] =	ssyncadd.s32 $0xFFFFD800  }
0x50: {  	[tilespmem:s13], [sflag:$0x1] =	stream.indirect.gather [hbm4b:s4+s12], $0x80, s9, s12, $0xb8;
	[tilespmem:$0x1D800] =	vst v63  }
0x51: {  	_ =	swait.ge [sflag:s18], $0x2800  }
0x52: {  	[sflag:s18] =	ssyncset.done $0x0  }
0x53: {  	s7 =	rddreg [dreg:$0x8];
	[sflag:s18] =	ssyncadd.s32 $0xFFFFD800  }
0x54: {  	[spmem:s2] =	stream.indirect.scatter.add.f32 [tilespmem:s14], [sflag:$0x5], $0x80, s7, s12, $0xb8;
	[tilespmem:$0x1D800] =	vst v63  }
0x55: {  	_ =	swait.ge [sflag:s19], $0x2800  }
0x56: {  	[sflag:s19] =	ssyncset.done $0x0  }
0x57: {  	s8 =	rddreg [dreg:$0x9];
	[sflag:s19] =	ssyncadd.s32 $0xFFFFD800  }
0x58: {  	[tilespmem:s14], [sflag:$0x2] =	stream.indirect.gather [hbm4b:s4+s12], $0x80, s8, s12, $0xb8;
	[tilespmem:$0x1D800] =	vst v63  }
0x59: {  	_ =	swait.ge [sflag:s20], $0x2800  }
0x5a: {  	[sflag:s20] =	ssyncset.done $0x0  }
0x5b: {  	s9 =	rddreg [dreg:$0xa];
	[sflag:s20] =	ssyncadd.s32 $0xFFFFD800  }
0x5c: {  	[spmem:s2] =	stream.indirect.scatter.add.f32 [tilespmem:s15], [sflag:$0x6], $0x80, s9, s12, $0xb8;
	[tilespmem:$0x1D800] =	vst v63  }
0x5d: {  	_ =	swait.ge [sflag:s21], $0x2800  }
0x5e: {  	[sflag:s21] =	ssyncset.done $0x0  }
0x5f: {  	s7 =	rddreg [dreg:$0xb];
	[sflag:s21] =	ssyncadd.s32 $0xFFFFD800  }
0x60: {  	[tilespmem:s15], [sflag:$0x3] =	stream.indirect.gather [hbm4b:s4+s12], $0x80, s7, s12, $0xb8;
	[tilespmem:$0x1D800] =	vst v63  }
0x61: {  	_ =	swait.ge [sflag:s16], $0x2800  }
0x62: {  	[sflag:s16] =	ssyncset.done $0x0  }
0x63: {  	s8 =	rddreg [dreg:$0xc];
	[sflag:s16] =	ssyncadd.s32 $0xFFFFD800  }
0x64: {  	[spmem:s2] =	stream.indirect.scatter.add.f32 [tilespmem:s13], [sflag:$0x4], $0x80, s8, s12, $0xb8;
	[tilespmem:$0x1D800] =	vst v63  }
0x65: {  	_ =	swait.ge [sflag:s17], $0x2800  }
0x66: {  	[sflag:s17] =	ssyncset.done $0x0  }
0x67: {  	s9 =	rddreg [dreg:$0xd];
	[sflag:s17] =	ssyncadd.s32 $0xFFFFD800  }
0x68: {  	[tilespmem:s13], [sflag:$0x1] =	stream.indirect.gather [hbm4b:s4+s12], $0x80, s9, s12, $0xb8;
	[tilespmem:$0x1D800] =	vst v63  }
0x69: {  	_ =	swait.ge [sflag:s18], $0x2800  }
0x6a: {  	[sflag:s18] =	ssyncset.done $0x0  }
0x6b: {  	s7 =	rddreg [dreg:$0xe];
	[sflag:s18] =	ssyncadd.s32 $0xFFFFD800  }
0x6c: {  	[spmem:s2] =	stream.indirect.scatter.add.f32 [tilespmem:s14], [sflag:$0x5], $0x80, s7, s12, $0xb8;
	[tilespmem:$0x1D800] =	vst v63  }
0x6d: {  	_ =	swait.ge [sflag:s19], $0x2800  }
0x6e: {  	[sflag:s19] =	ssyncset.done $0x0  }
0x6f: {  	s8 =	rddreg [dreg:$0xf];
	[sflag:s19] =	ssyncadd.s32 $0xFFFFD800  }
0x70: {  	[tilespmem:s14], [sflag:$0x2] =	stream.indirect.gather [hbm4b:s4+s12], $0x80, s8, s12, $0xb8;
	[tilespmem:$0x1D800] =	vst v63  }
0x71: {  	_ =	swait.ge [sflag:s20], $0x2800  }
0x72: {  	[sflag:s20] =	ssyncset.done $0x0  }
0x73: {  	s9 =	rddreg [dreg:$0x10];
	[sflag:s20] =	ssyncadd.s32 $0xFFFFD800  }
0x74: {  	[spmem:s2] =	stream.indirect.scatter.add.f32 [tilespmem:s15], [sflag:$0x6], $0x80, s9, s12, $0xb8;
	[tilespmem:$0x1D800] =	vst v63  }
0x75: {  	_ =	swait.ge [sflag:s21], $0x2800  }
0x76: {  	[sflag:s21] =	ssyncset.done $0x0  }
0x77: {  	s7 =	rddreg [dreg:$0x11];
	[sflag:s21] =	ssyncadd.s32 $0xFFFFD800  }
0x78: {  	[tilespmem:s15], [sflag:$0x3] =	stream.indirect.gather [hbm4b:s4+s12], $0x80, s7, s12, $0xb8;
	[tilespmem:$0x1D800] =	vst v63  }
0x79: {  	_ =	swait.ge [sflag:s16], $0x2800  }
0x7a: {  	[sflag:s16] =	ssyncset.done $0x0  }
0x7b: {  	s8 =	rddreg [dreg:$0x12];
	[sflag:s16] =	ssyncadd.s32 $0xFFFFD800  }
0x7c: {  	[spmem:s2] =	stream.indirect.scatter.add.f32 [tilespmem:s13], [sflag:$0x4], $0x80, s8, s12, $0xb8;
	[tilespmem:$0x1D800] =	vst v63  }
0x7d: {  	_ =	swait.ge [sflag:s17], $0x2800  }
0x7e: {  	[sflag:s17] =	ssyncset.done $0x0  }
0x7f: {  	s9 =	rddreg [dreg:$0x13];
	[sflag:s17] =	ssyncadd.s32 $0xFFFFD800  }
0x80: {  	[tilespmem:s13], [sflag:$0x1] =	stream.indirect.gather [hbm4b:s4+s12], $0x80, s9, s12, $0xb8;
	[tilespmem:$0x1D800] =	vst v63  }
0x81: {  	_ =	swait.ge [sflag:s18], $0x2800  }
0x82: {  	[sflag:s18] =	ssyncset.done $0x0  }
0x83: {  	s7 =	rddreg [dreg:$0x14];
	[sflag:s18] =	ssyncadd.s32 $0xFFFFD800  }
0x84: {  	[spmem:s2] =	stream.indirect.scatter.add.f32 [tilespmem:s14], [sflag:$0x5], $0x80, s7, s12, $0xb8;
	[tilespmem:$0x1D800] =	vst v63  }
0x85: {  	_ =	swait.ge [sflag:s19], $0x2800  }
0x86: {  	[sflag:s19] =	ssyncset.done $0x0  }
0x87: {  	s8 =	rddreg [dreg:$0x15];
	[sflag:s19] =	ssyncadd.s32 $0xFFFFD800  }
0x88: {  	[tilespmem:s14], [sflag:$0x2] =	stream.indirect.gather [hbm4b:s4+s12], $0x80, s8, s12, $0xb8;
	[tilespmem:$0x1D800] =	vst v63  }
0x89: {  	_ =	swait.ge [sflag:s20], $0x2800  }
0x8a: {  	[sflag:s20] =	ssyncset.done $0x0  }
0x8b: {  	s9 =	rddreg [dreg:$0x16];
	[sflag:s20] =	ssyncadd.s32 $0xFFFFD800  }
0x8c: {  	[spmem:s2] =	stream.indirect.scatter.add.f32 [tilespmem:s15], [sflag:$0x6], $0x80, s9, s12, $0xb8;
	[tilespmem:$0x1D800] =	vst v63  }
0x8d: {  	_ =	swait.ge [sflag:s21], $0x2800  }
0x8e: {  	[sflag:s21] =	ssyncset.done $0x0  }
0x8f: {  	s7 =	rddreg [dreg:$0x17];
	[sflag:s21] =	ssyncadd.s32 $0xFFFFD800  }
0x90: {  	[tilespmem:s15], [sflag:$0x3] =	stream.indirect.gather [hbm4b:s4+s12], $0x80, s7, s12, $0xb8;
	[tilespmem:$0x1D800] =	vst v63  }
0x91: {  	_ =	swait.ge [sflag:s16], $0x2800  }
0x92: {  	[sflag:s16] =	ssyncset.done $0x0  }
0x93: {  	s8 =	rddreg [dreg:$0x18];
	[sflag:s16] =	ssyncadd.s32 $0xFFFFD800  }
0x94: {  	[spmem:s2] =	stream.indirect.scatter.add.f32 [tilespmem:s13], [sflag:$0x4], $0x80, s8, s12, $0xb8;
	[tilespmem:$0x1D800] =	vst v63  }
0x95: {  	_ =	swait.ge [sflag:s17], $0x2800  }
0x96: {  	[sflag:s17] =	ssyncset.done $0x0  }
0x97: {  	s9 =	rddreg [dreg:$0x19];
	[sflag:s17] =	ssyncadd.s32 $0xFFFFD800  }
0x98: {  	[tilespmem:s13], [sflag:$0x1] =	stream.indirect.gather [hbm4b:s4+s12], $0x80, s9, s12, $0xb8;
	[tilespmem:$0x1D800] =	vst v63  }
0x99: {  	_ =	swait.ge [sflag:s18], $0x2800  }
0x9a: {  	[sflag:s18] =	ssyncset.done $0x0  }
0x9b: {  	s7 =	rddreg [dreg:$0x1a];
	[sflag:s18] =	ssyncadd.s32 $0xFFFFD800  }
0x9c: {  	[spmem:s2] =	stream.indirect.scatter.add.f32 [tilespmem:s14], [sflag:$0x5], $0x80, s7, s12, $0xb8;
	[tilespmem:$0x1D800] =	vst v63  }
0x9d: {  	_ =	swait.ge [sflag:s19], $0x2800  }
0x9e: {  	[sflag:s19] =	ssyncset.done $0x0  }
0x9f: {  	s8 =	rddreg [dreg:$0x1b];
	[sflag:s19] =	ssyncadd.s32 $0xFFFFD800  }
0xa0: {  	[tilespmem:s14], [sflag:$0x2] =	stream.indirect.gather [hbm4b:s4+s12], $0x80, s8, s12, $0xb8;
	[tilespmem:$0x1D800] =	vst v63  }
0xa1: {  	_ =	swait.ge [sflag:s20], $0x2800  }
0xa2: {  	[sflag:s20] =	ssyncset.done $0x0  }
0xa3: {  	s9 =	rddreg [dreg:$0x1c];
	[sflag:s20] =	ssyncadd.s32 $0xFFFFD800  }
0xa4: {  	[spmem:s2] =	stream.indirect.scatter.add.f32 [tilespmem:s15], [sflag:$0x6], $0x80, s9, s12, $0xb8;
	[tilespmem:$0x1D800] =	vst v63  }
0xa5: {  	_ =	swait.ge [sflag:s21], $0x2800  }
0xa6: {  	[sflag:s21] =	ssyncset.done $0x0  }
0xa7: {  	s7 =	rddreg [dreg:$0x1d];
	[sflag:s21] =	ssyncadd.s32 $0xFFFFD800  }
0xa8: {  	[tilespmem:s15], [sflag:$0x3] =	stream.indirect.gather [hbm4b:s4+s12], $0x80, s7, s12, $0xb8;
	[tilespmem:$0x1D800] =	vst v63  }
0xa9: {  	_ =	swait.ge [sflag:s16], $0x2800  }
0xaa: {  	[sflag:s16] =	ssyncset.done $0x0  }
0xab: {  	s8 =	rddreg [dreg:$0x1e];
	[sflag:s16] =	ssyncadd.s32 $0xFFFFD800  }
0xac: {  	[spmem:s2] =	stream.indirect.scatter.add.f32 [tilespmem:s13], [sflag:$0x4], $0x80, s8, s12, $0xb8;
	[tilespmem:$0x1D800] =	vst v63  }
0xad: {  	_ =	swait.ge [sflag:s17], $0x2800  }
0xae: {  	[sflag:s17] =	ssyncset.done $0x0  }
0xaf: {  	s9 =	rddreg [dreg:$0x1f];
	[sflag:s17] =	ssyncadd.s32 $0xFFFFD800  }
0xb0: {  	[tilespmem:s13], [sflag:$0x1] =	stream.indirect.gather [hbm4b:s4+s12], $0x80, s9, s12, $0xb8;
	[tilespmem:$0x1D800] =	vst v63  }
0xb1: {  	_ =	swait.ge [sflag:s18], $0x2800  }
0xb2: {  	s7 =	sld [smem:$0x7F3]  }
0xb3: {  	[sflag:s18] =	ssyncset.done $0x0  }
0xb4: {  	[sflag:s18] =	ssyncadd.s32 $0xFFFFD800  }
0xb5: {  	[spmem:s2] =	stream.indirect.scatter.add.f32 [tilespmem:s14], [sflag:$0x5], $0x80, s7, s12, $0xb8;
	[tilespmem:$0x1D800] =	vst v63  }
0xb6: {  	_ =	swait.ge [sflag:s19], $0x2800  }
0xb7: {  	s8 =	sld [smem:$0x7F4]  }
0xb8: {  	[sflag:s19] =	ssyncset.done $0x0  }
0xb9: {  	[sflag:s19] =	ssyncadd.s32 $0xFFFFD800  }
0xba: {  	[tilespmem:s14], [sflag:$0x2] =	stream.indirect.gather [hbm4b:s4+s12], $0x80, s8, s12, $0xb8;
	[tilespmem:$0x1D800] =	vst v63  }
0xbb: {  	_ =	swait.ge [sflag:s20], $0x2800  }
0xbc: {  	s9 =	sld [smem:$0x7F5]  }
0xbd: {  	[sflag:s20] =	ssyncset.done $0x0  }
0xbe: {  	[sflag:s20] =	ssyncadd.s32 $0xFFFFD800  }
0xbf: {  	[spmem:s2] =	stream.indirect.scatter.add.f32 [tilespmem:s15], [sflag:$0x6], $0x80, s9, s12, $0xb8;
	[tilespmem:$0x1D800] =	vst v63  }
0xc0: {  	_ =	swait.ge [sflag:s21], $0x2800  }
0xc1: {  	s7 =	sld [smem:$0x7F6]  }
0xc2: {  	[sflag:s21] =	ssyncset.done $0x0  }
0xc3: {  	[sflag:s21] =	ssyncadd.s32 $0xFFFFD800  }
0xc4: {  	[tilespmem:s15], [sflag:$0x3] =	stream.indirect.gather [hbm4b:s4+s12], $0x80, s7, s12, $0xb8;
	[tilespmem:$0x1D800] =	vst v63  }
0xc5: {  	_ =	swait.ge [sflag:s16], $0x2800  }
0xc6: {  	s8 =	sld [smem:$0x7F7]  }
0xc7: {  	[sflag:s16] =	ssyncset.done $0x0  }
0xc8: {  	[sflag:s16] =	ssyncadd.s32 $0xFFFFD800  }
0xc9: {  	[spmem:s2] =	stream.indirect.scatter.add.f32 [tilespmem:s13], [sflag:$0x4], $0x80, s8, s12, $0xb8;
	[tilespmem:$0x1D800] =	vst v63  }
0xca: {  	_ =	swait.ge [sflag:s17], $0x2800  }
0xcb: {  	s9 =	sld [smem:$0x7F8]  }
0xcc: {  	[sflag:s17] =	ssyncset.done $0x0  }
0xcd: {  	[sflag:s17] =	ssyncadd.s32 $0xFFFFD800  }
0xce: {  	[tilespmem:s13], [sflag:$0x1] =	stream.indirect.gather [hbm4b:s4+s12], $0x80, s9, s12, $0xb8;
	[tilespmem:$0x1D800] =	vst v63  }
0xcf: {  	_ =	swait.ge [sflag:s18], $0x2800  }
0xd0: {  	s7 =	sld [smem:$0x7F9]  }
0xd1: {  	[sflag:s18] =	ssyncset.done $0x0  }
0xd2: {  	[sflag:s18] =	ssyncadd.s32 $0xFFFFD800  }
0xd3: {  	[spmem:s2] =	stream.indirect.scatter.add.f32 [tilespmem:s14], [sflag:$0x5], $0x80, s7, s12, $0xb8;
	[tilespmem:$0x1D800] =	vst v63  }
0xd4: {  	_ =	swait.ge [sflag:s19], $0x2800  }
0xd5: {  	s8 =	sld [smem:$0x7FA]  }
0xd6: {  	[sflag:s19] =	ssyncset.done $0x0  }
0xd7: {  	[sflag:s19] =	ssyncadd.s32 $0xFFFFD800  }
0xd8: {  	[tilespmem:s14], [sflag:$0x2] =	stream.indirect.gather [hbm4b:s4+s12], $0x80, s8, s12, $0xb8;
	[tilespmem:$0x1D800] =	vst v63  }
0xd9: {  	_ =	swait.ge [sflag:s20], $0x2800  }
0xda: {  	s9 =	sld [smem:$0x7FB]  }
0xdb: {  	[sflag:s20] =	ssyncset.done $0x0  }
0xdc: {  	[sflag:s20] =	ssyncadd.s32 $0xFFFFD800  }
0xdd: {  	[spmem:s2] =	stream.indirect.scatter.add.f32 [tilespmem:s15], [sflag:$0x6], $0x80, s9, s12, $0xb8;
	[tilespmem:$0x1D800] =	vst v63  }
0xde: {  	_ =	swait.ge [sflag:s21], $0x2800  }
0xdf: {  	[sflag:s21] =	ssyncset.done $0x0  }
0xe0: {  	[sflag:s21] =	ssyncadd.s32 $0xFFFFD800  }
0xe1: {  	[tilespmem:s15], [sflag:$0x3] =	stream.indirect.gather [hbm4b:s4+s12], $0x80, s22, s12, $0xb8;
	[tilespmem:$0x1D800] =	vst v63  }
0xe2: {  	_ =	swait.ge [sflag:s16], $0x2800  }
0xe3: {  	[sflag:s16] =	ssyncset.done $0x0  }
0xe4: {  	[sflag:s16] =	ssyncadd.s32 $0xFFFFD800  }
0xe5: {  	[spmem:s2] =	stream.indirect.scatter.add.f32 [tilespmem:s13], [sflag:$0x4], $0x80, s23, s12, $0xb8;
	[tilespmem:$0x1D800] =	vst v63  }
0xe6: {  	_ =	swait.ge [sflag:s17], $0x2800  }
0xe7: {  	[sflag:s17] =	ssyncset.done $0x0  }
0xe8: {  	[sflag:s17] =	ssyncadd.s32 $0xFFFFD800  }
0xe9: {  	[tilespmem:s13], [sflag:$0x1] =	stream.indirect.gather [hbm4b:s4+s12], $0x80, s24, s12, $0xb8;
	[tilespmem:$0x1D800] =	vst v63  }
0xea: {  	_ =	swait.ge [sflag:s18], $0x2800  }
0xeb: {  	[sflag:s18] =	ssyncset.done $0x0  }
0xec: {  	[sflag:s18] =	ssyncadd.s32 $0xFFFFD800  }
0xed: {  	[spmem:s2] =	stream.indirect.scatter.add.f32 [tilespmem:s14], [sflag:$0x5], $0x80, s25, s12, $0xb8;
	[tilespmem:$0x1D800] =	vst v63  }
0xee: {  	_ =	swait.ge [sflag:s19], $0x2800  }
0xef: {  	[sflag:s19] =	ssyncset.done $0x0  }
0xf0: {  	[sflag:s19] =	ssyncadd.s32 $0xFFFFD800  }
0xf1: {  	[tilespmem:s14], [sflag:$0x2] =	stream.indirect.gather [hbm4b:s4+s12], $0x80, s26, s12, $0xb8;
	[tilespmem:$0x1D800] =	vst v63  }
0xf2: {  	_ =	swait.ge [sflag:s20], $0x2800  }
0xf3: {  	[sflag:s20] =	ssyncset.done $0x0  }
0xf4: {  	[sflag:s20] =	ssyncadd.s32 $0xFFFFD800  }
0xf5: {  	[spmem:s2] =	stream.indirect.scatter.add.f32 [tilespmem:s15], [sflag:$0x6], $0x80, s28, s12, $0xb8;
	[tilespmem:$0x1D800] =	vst v63  }
0xf6: {  	_ =	swait.ge [sflag:s21], $0x2800  }
0xf7: {  	[sflag:s21] =	ssyncset.done $0x0  }
0xf8: {  	[sflag:s21] =	ssyncadd.s32 $0xFFFFD800  }
0xf9: {  	[tilespmem:s15], [sflag:$0x3] =	stream.indirect.gather [hbm4b:s4+s12], $0x80, s29, s12, $0xb8;
	[tilespmem:$0x1D800] =	vst v63  }
0xfa: {  	_ =	swait.ge [sflag:s16], $0x2800  }
0xfb: {  	[sflag:s16] =	ssyncset.done $0x0  }
0xfc: {  	[sflag:s16] =	ssyncadd.s32 $0xFFFFD800  }
0xfd: {  	[spmem:s2] =	stream.indirect.scatter.add.f32 [tilespmem:s13], [sflag:$0x4], $0x80, s30, s12, $0xb8;
	[tilespmem:$0x1D800] =	vst v63  }
0xfe: {  	_ =	swait.ge [sflag:s17], $0x2800  }
0xff: {  	[sflag:s17] =	ssyncset.done $0x0  }
0x100: {  	[sflag:s17] =	ssyncadd.s32 $0xFFFFD800  }
0x101: {  	[tilespmem:s13], [sflag:$0x1] =	stream.indirect.gather [hbm4b:s4+s12], $0x80, s31, s12, $0xb8;
	[tilespmem:$0x1D800] =	vst v63  }
0x102: {  	_ =	swait.ge [sflag:s18], $0x2800  }
0x103: {  	[sflag:s18] =	ssyncset.done $0x0  }
0x104: {  	[sflag:s18] =	ssyncadd.s32 $0xFFFFD800  }
0x105: {  	[spmem:s2] =	stream.indirect.scatter.add.f32 [tilespmem:s14], [sflag:$0x5], $0x80, s1, s12, $0xb8;
	[tilespmem:$0x1D800] =	vst v63  }
0x106: {  	_ =	swait.ge [sflag:s19], $0x2800  }
0x107: {  	[sflag:s19] =	ssyncset.done $0x0  }
0x108: {  	[sflag:s19] =	ssyncadd.s32 $0xFFFFD800  }
0x109: {  	[tilespmem:s14], [sflag:$0x2] =	stream.indirect.gather [hbm4b:s4+s12], $0x80, s3, s12, $0xb8;
	[tilespmem:$0x1D800] =	vst v63  }
0x10a: {  	_ =	swait.ge [sflag:s20], $0x2800  }
0x10b: {  	[sflag:s20] =	ssyncset.done $0x0  }
0x10c: {  	[sflag:s20] =	ssyncadd.s32 $0xFFFFD800  }
0x10d: {  	[spmem:s2] =	stream.indirect.scatter.add.f32 [tilespmem:s15], [sflag:$0x6], $0x80, s0, s12, $0xb8;
	[tilespmem:$0x1D800] =	vst v63  }
0x10e: {  	_ =	swait.ge [sflag:s21], $0x2800  }
0x10f: {  	[sflag:s21] =	ssyncset.done $0x0  }
0x110: {  	[sflag:s21] =	ssyncadd.s32 $0xFFFFD800  }
0x111: {  	[tilespmem:s15], [sflag:$0x3] =	stream.indirect.gather [hbm4b:s4+s12], $0x80, s3, s12, $0xb8;
	[tilespmem:$0x1D800] =	vst v63  }
0x112: {  	_ =	swait.ge [sflag:s16], $0x2800  }
0x113: {  	[sflag:s16] =	ssyncset.done $0x0  }
0x114: {  	[sflag:s16] =	ssyncadd.s32 $0xFFFFD800  }
0x115: {  	[spmem:s2] =	stream.indirect.scatter.add.f32 [tilespmem:s13], [sflag:$0x4], $0x80, s5, s12, $0xb8;
	[tilespmem:$0x1D800] =	vst v63  }
0x116: {  	_ =	swait.ge [sflag:s17], $0x2800  }
0x117: {  	[sflag:s17] =	ssyncset.done $0x0  }
0x118: {  	[sflag:s17] =	ssyncadd.s32 $0xFFFFD800  }
0x119: {  	_ =	swait.ge [sflag:s18], $0x2800  }
0x11a: {  	[sflag:s18] =	ssyncset.done $0x0  }
0x11b: {  	[sflag:s18] =	ssyncadd.s32 $0xFFFFD800  }
0x11c: {  	s6 =	simm.s32 $0x400;
	_ =	swait.ge [sflag:s20], $0x2800  }
0x11d: {  	s8 =	simm.s32 $0x200;
	s9 =	rddreg [dreg:$0x4];
	[sflag:s20] =	ssyncset.done $0x0  }
.LBB2_2:
0x11e: {  	[sflag:s20] =	ssyncadd.s32 $0xFFFFD800;
	s9 =	sadd.s32 s8, s9  }
0x11f: {  	[tilespmem:s3], [sflag:$0x7] =	stream.linear.gather [hbm4b:s9+s3], $0xC80, $0x38;
	[tilespmem:$0x1D800] =	vst v63  }
0x120: {  	_ =	swait.ge [sflag:s10], $0xC80  }
0x121: {  	s9 =	rddreg [dreg:$0x3];
	[sflag:s10] =	ssyncset.done $0x0  }
0x122: {  	[sflag:s10] =	ssyncadd.s32 $0xFFFFF380;
	s9 =	sadd.s32 s8, s9  }
0x123: {  	[tilespmem:s11], [sflag:$0x7] =	stream.linear.gather [hbm4b:s9+s3], $0xC80, $0x38;
	[tilespmem:$0x1D800] =	vst v63  }
0x124: {  	_ =	swait.ge [sflag:s10], $0xC80  }
0x125: {  	[sflag:s10] =	ssyncset.done $0x0  }
0x126: {  	s7 =	smov.u32 s6;
	[sflag:s10] =	ssyncadd.s32 $0xFFFFF380  }
0x127: {  	[tilespmem:s13], [sflag:$0x1] =	stream.indirect.gather [hbm4b:s4+s12], $0x80, s3, s12, $0xb8;
	[tilespmem:$0x1D800] =	vst v63  }
0x128: {  	s8 =	smov.u32 s7;
	s7 =	rddreg [dreg:$0x5]  }
0x129: {  	[tilespmem:s14], [sflag:$0x2] =	stream.indirect.gather [hbm4b:s4+s12], $0x80, s7, s12, $0xb8;
	[tilespmem:$0x1D800] =	vst v63  }
0x12a: {  	s9 =	rddreg [dreg:$0x6]  }
0x12b: {  	[tilespmem:s15], [sflag:$0x3] =	stream.indirect.gather [hbm4b:s4+s12], $0x80, s9, s12, $0xb8;
	[tilespmem:$0x1D800] =	vst v63  }
0x12c: {  	_ =	swait.ge [sflag:s16], $0x2800  }
0x12d: {  	[sflag:s16] =	ssyncset.done $0x0  }
0x12e: {  	[sflag:s16] =	ssyncadd.s32 $0xFFFFD800  }
0x12f: {  	[spmem:s2] =	stream.indirect.scatter.add.f32 [tilespmem:s13], [sflag:$0x4], $0x80, s11, s12, $0xb8;
	[tilespmem:$0x1D800] =	vst v63  }
0x130: {  	_ =	swait.ge [sflag:s17], $0x2800  }
0x131: {  	[sflag:s17] =	ssyncset.done $0x0  }
0x132: {  	s9 =	rddreg [dreg:$0x7];
	[sflag:s17] =	ssyncadd.s32 $0xFFFFD800  }
0x133: {  	[tilespmem:s13], [sflag:$0x1] =	stream.indirect.gather [hbm4b:s4+s12], $0x80, s9, s12, $0xb8;
	[tilespmem:$0x1D800] =	vst v63  }
0x134: {  	_ =	swait.ge [sflag:s18], $0x2800  }
0x135: {  	[sflag:s18] =	ssyncset.done $0x0  }
0x136: {  	s9 =	rddreg [dreg:$0x8];
	[sflag:s18] =	ssyncadd.s32 $0xFFFFD800  }
0x137: {  	[spmem:s2] =	stream.indirect.scatter.add.f32 [tilespmem:s14], [sflag:$0x5], $0x80, s9, s12, $0xb8;
	[tilespmem:$0x1D800] =	vst v63  }
0x138: {  	_ =	swait.ge [sflag:s19], $0x2800  }
0x139: {  	[sflag:s19] =	ssyncset.done $0x0  }
0x13a: {  	s9 =	rddreg [dreg:$0x9];
	[sflag:s19] =	ssyncadd.s32 $0xFFFFD800  }
0x13b: {  	[tilespmem:s14], [sflag:$0x2] =	stream.indirect.gather [hbm4b:s4+s12], $0x80, s9, s12, $0xb8;
	[tilespmem:$0x1D800] =	vst v63  }
0x13c: {  	_ =	swait.ge [sflag:s20], $0x2800  }
0x13d: {  	[sflag:s20] =	ssyncset.done $0x0  }
0x13e: {  	s9 =	rddreg [dreg:$0xa];
	[sflag:s20] =	ssyncadd.s32 $0xFFFFD800  }
0x13f: {  	[spmem:s2] =	stream.indirect.scatter.add.f32 [tilespmem:s15], [sflag:$0x6], $0x80, s9, s12, $0xb8;
	[tilespmem:$0x1D800] =	vst v63  }
0x140: {  	_ =	swait.ge [sflag:s21], $0x2800  }
0x141: {  	[sflag:s21] =	ssyncset.done $0x0  }
0x142: {  	s9 =	rddreg [dreg:$0xb];
	[sflag:s21] =	ssyncadd.s32 $0xFFFFD800  }
0x143: {  	[tilespmem:s15], [sflag:$0x3] =	stream.indirect.gather [hbm4b:s4+s12], $0x80, s9, s12, $0xb8;
	[tilespmem:$0x1D800] =	vst v63  }
0x144: {  	_ =	swait.ge [sflag:s16], $0x2800  }
0x145: {  	[sflag:s16] =	ssyncset.done $0x0  }
0x146: {  	s9 =	rddreg [dreg:$0xc];
	[sflag:s16] =	ssyncadd.s32 $0xFFFFD800  }
0x147: {  	[spmem:s2] =	stream.indirect.scatter.add.f32 [tilespmem:s13], [sflag:$0x4], $0x80, s9, s12, $0xb8;
	[tilespmem:$0x1D800] =	vst v63  }
0x148: {  	_ =	swait.ge [sflag:s17], $0x2800  }
0x149: {  	[sflag:s17] =	ssyncset.done $0x0  }
0x14a: {  	s9 =	rddreg [dreg:$0xd];
	[sflag:s17] =	ssyncadd.s32 $0xFFFFD800  }
0x14b: {  	[tilespmem:s13], [sflag:$0x1] =	stream.indirect.gather [hbm4b:s4+s12], $0x80, s9, s12, $0xb8;
	[tilespmem:$0x1D800] =	vst v63  }
0x14c: {  	_ =	swait.ge [sflag:s18], $0x2800  }
0x14d: {  	[sflag:s18] =	ssyncset.done $0x0  }
0x14e: {  	s9 =	rddreg [dreg:$0xe];
	[sflag:s18] =	ssyncadd.s32 $0xFFFFD800  }
0x14f: {  	[spmem:s2] =	stream.indirect.scatter.add.f32 [tilespmem:s14], [sflag:$0x5], $0x80, s9, s12, $0xb8;
	[tilespmem:$0x1D800] =	vst v63  }
0x150: {  	_ =	swait.ge [sflag:s19], $0x2800  }
0x151: {  	[sflag:s19] =	ssyncset.done $0x0  }
0x152: {  	s9 =	rddreg [dreg:$0xf];
	[sflag:s19] =	ssyncadd.s32 $0xFFFFD800  }
0x153: {  	[tilespmem:s14], [sflag:$0x2] =	stream.indirect.gather [hbm4b:s4+s12], $0x80, s9, s12, $0xb8;
	[tilespmem:$0x1D800] =	vst v63  }
0x154: {  	_ =	swait.ge [sflag:s20], $0x2800  }
0x155: {  	[sflag:s20] =	ssyncset.done $0x0  }
0x156: {  	s9 =	rddreg [dreg:$0x10];
	[sflag:s20] =	ssyncadd.s32 $0xFFFFD800  }
0x157: {  	[spmem:s2] =	stream.indirect.scatter.add.f32 [tilespmem:s15], [sflag:$0x6], $0x80, s9, s12, $0xb8;
	[tilespmem:$0x1D800] =	vst v63  }
0x158: {  	_ =	swait.ge [sflag:s21], $0x2800  }
0x159: {  	[sflag:s21] =	ssyncset.done $0x0  }
0x15a: {  	s9 =	rddreg [dreg:$0x11];
	[sflag:s21] =	ssyncadd.s32 $0xFFFFD800  }
0x15b: {  	[tilespmem:s15], [sflag:$0x3] =	stream.indirect.gather [hbm4b:s4+s12], $0x80, s9, s12, $0xb8;
	[tilespmem:$0x1D800] =	vst v63  }
0x15c: {  	_ =	swait.ge [sflag:s16], $0x2800  }
0x15d: {  	[sflag:s16] =	ssyncset.done $0x0  }
0x15e: {  	s9 =	rddreg [dreg:$0x12];
	[sflag:s16] =	ssyncadd.s32 $0xFFFFD800  }
0x15f: {  	[spmem:s2] =	stream.indirect.scatter.add.f32 [tilespmem:s13], [sflag:$0x4], $0x80, s9, s12, $0xb8;
	[tilespmem:$0x1D800] =	vst v63  }
0x160: {  	_ =	swait.ge [sflag:s17], $0x2800  }
0x161: {  	[sflag:s17] =	ssyncset.done $0x0  }
0x162: {  	s9 =	rddreg [dreg:$0x13];
	[sflag:s17] =	ssyncadd.s32 $0xFFFFD800  }
0x163: {  	[tilespmem:s13], [sflag:$0x1] =	stream.indirect.gather [hbm4b:s4+s12], $0x80, s9, s12, $0xb8;
	[tilespmem:$0x1D800] =	vst v63  }
0x164: {  	_ =	swait.ge [sflag:s18], $0x2800  }
0x165: {  	[sflag:s18] =	ssyncset.done $0x0  }
0x166: {  	s9 =	rddreg [dreg:$0x14];
	[sflag:s18] =	ssyncadd.s32 $0xFFFFD800  }
0x167: {  	[spmem:s2] =	stream.indirect.scatter.add.f32 [tilespmem:s14], [sflag:$0x5], $0x80, s9, s12, $0xb8;
	[tilespmem:$0x1D800] =	vst v63  }
0x168: {  	_ =	swait.ge [sflag:s19], $0x2800  }
0x169: {  	[sflag:s19] =	ssyncset.done $0x0  }
0x16a: {  	s9 =	rddreg [dreg:$0x15];
	[sflag:s19] =	ssyncadd.s32 $0xFFFFD800  }
0x16b: {  	[tilespmem:s14], [sflag:$0x2] =	stream.indirect.gather [hbm4b:s4+s12], $0x80, s9, s12, $0xb8;
	[tilespmem:$0x1D800] =	vst v63  }
0x16c: {  	_ =	swait.ge [sflag:s20], $0x2800  }
0x16d: {  	[sflag:s20] =	ssyncset.done $0x0  }
0x16e: {  	s9 =	rddreg [dreg:$0x16];
	[sflag:s20] =	ssyncadd.s32 $0xFFFFD800  }
0x16f: {  	[spmem:s2] =	stream.indirect.scatter.add.f32 [tilespmem:s15], [sflag:$0x6], $0x80, s9, s12, $0xb8;
	[tilespmem:$0x1D800] =	vst v63  }
0x170: {  	_ =	swait.ge [sflag:s21], $0x2800  }
0x171: {  	[sflag:s21] =	ssyncset.done $0x0  }
0x172: {  	s9 =	rddreg [dreg:$0x17];
	[sflag:s21] =	ssyncadd.s32 $0xFFFFD800  }
0x173: {  	[tilespmem:s15], [sflag:$0x3] =	stream.indirect.gather [hbm4b:s4+s12], $0x80, s9, s12, $0xb8;
	[tilespmem:$0x1D800] =	vst v63  }
0x174: {  	_ =	swait.ge [sflag:s16], $0x2800  }
0x175: {  	[sflag:s16] =	ssyncset.done $0x0  }
0x176: {  	s9 =	rddreg [dreg:$0x18];
	[sflag:s16] =	ssyncadd.s32 $0xFFFFD800  }
0x177: {  	[spmem:s2] =	stream.indirect.scatter.add.f32 [tilespmem:s13], [sflag:$0x4], $0x80, s9, s12, $0xb8;
	[tilespmem:$0x1D800] =	vst v63  }
0x178: {  	_ =	swait.ge [sflag:s17], $0x2800  }
0x179: {  	[sflag:s17] =	ssyncset.done $0x0  }
0x17a: {  	s9 =	rddreg [dreg:$0x19];
	[sflag:s17] =	ssyncadd.s32 $0xFFFFD800  }
0x17b: {  	[tilespmem:s13], [sflag:$0x1] =	stream.indirect.gather [hbm4b:s4+s12], $0x80, s9, s12, $0xb8;
	[tilespmem:$0x1D800] =	vst v63  }
0x17c: {  	_ =	swait.ge [sflag:s18], $0x2800  }
0x17d: {  	[sflag:s18] =	ssyncset.done $0x0  }
0x17e: {  	s9 =	rddreg [dreg:$0x1a];
	[sflag:s18] =	ssyncadd.s32 $0xFFFFD800  }
0x17f: {  	[spmem:s2] =	stream.indirect.scatter.add.f32 [tilespmem:s14], [sflag:$0x5], $0x80, s9, s12, $0xb8;
	[tilespmem:$0x1D800] =	vst v63  }
0x180: {  	_ =	swait.ge [sflag:s19], $0x2800  }
0x181: {  	[sflag:s19] =	ssyncset.done $0x0  }
0x182: {  	s9 =	rddreg [dreg:$0x1b];
	[sflag:s19] =	ssyncadd.s32 $0xFFFFD800  }
0x183: {  	[tilespmem:s14], [sflag:$0x2] =	stream.indirect.gather [hbm4b:s4+s12], $0x80, s9, s12, $0xb8;
	[tilespmem:$0x1D800] =	vst v63  }
0x184: {  	_ =	swait.ge [sflag:s20], $0x2800  }
0x185: {  	[sflag:s20] =	ssyncset.done $0x0  }
0x186: {  	s9 =	rddreg [dreg:$0x1c];
	[sflag:s20] =	ssyncadd.s32 $0xFFFFD800  }
0x187: {  	[spmem:s2] =	stream.indirect.scatter.add.f32 [tilespmem:s15], [sflag:$0x6], $0x80, s9, s12, $0xb8;
	[tilespmem:$0x1D800] =	vst v63  }
0x188: {  	_ =	swait.ge [sflag:s21], $0x2800  }
0x189: {  	[sflag:s21] =	ssyncset.done $0x0  }
0x18a: {  	s9 =	rddreg [dreg:$0x1d];
	[sflag:s21] =	ssyncadd.s32 $0xFFFFD800  }
0x18b: {  	[tilespmem:s15], [sflag:$0x3] =	stream.indirect.gather [hbm4b:s4+s12], $0x80, s9, s12, $0xb8;
	[tilespmem:$0x1D800] =	vst v63  }
0x18c: {  	_ =	swait.ge [sflag:s16], $0x2800  }
0x18d: {  	[sflag:s16] =	ssyncset.done $0x0  }
0x18e: {  	s9 =	rddreg [dreg:$0x1e];
	[sflag:s16] =	ssyncadd.s32 $0xFFFFD800  }
0x18f: {  	[spmem:s2] =	stream.indirect.scatter.add.f32 [tilespmem:s13], [sflag:$0x4], $0x80, s9, s12, $0xb8;
	[tilespmem:$0x1D800] =	vst v63  }
0x190: {  	_ =	swait.ge [sflag:s17], $0x2800  }
0x191: {  	[sflag:s17] =	ssyncset.done $0x0  }
0x192: {  	s9 =	rddreg [dreg:$0x1f];
	[sflag:s17] =	ssyncadd.s32 $0xFFFFD800  }
0x193: {  	[tilespmem:s13], [sflag:$0x1] =	stream.indirect.gather [hbm4b:s4+s12], $0x80, s9, s12, $0xb8;
	[tilespmem:$0x1D800] =	vst v63  }
0x194: {  	_ =	swait.ge [sflag:s18], $0x2800  }
0x195: {  	s9 =	sld [smem:$0x7F3]  }
0x196: {  	[sflag:s18] =	ssyncset.done $0x0  }
0x197: {  	[sflag:s18] =	ssyncadd.s32 $0xFFFFD800  }
0x198: {  	[spmem:s2] =	stream.indirect.scatter.add.f32 [tilespmem:s14], [sflag:$0x5], $0x80, s9, s12, $0xb8;
	[tilespmem:$0x1D800] =	vst v63  }
0x199: {  	_ =	swait.ge [sflag:s19], $0x2800  }
0x19a: {  	s9 =	sld [smem:$0x7F4]  }
0x19b: {  	[sflag:s19] =	ssyncset.done $0x0  }
0x19c: {  	[sflag:s19] =	ssyncadd.s32 $0xFFFFD800  }
0x19d: {  	[tilespmem:s14], [sflag:$0x2] =	stream.indirect.gather [hbm4b:s4+s12], $0x80, s9, s12, $0xb8;
	[tilespmem:$0x1D800] =	vst v63  }
0x19e: {  	_ =	swait.ge [sflag:s20], $0x2800  }
0x19f: {  	s9 =	sld [smem:$0x7F5]  }
0x1a0: {  	[sflag:s20] =	ssyncset.done $0x0  }
0x1a1: {  	[sflag:s20] =	ssyncadd.s32 $0xFFFFD800  }
0x1a2: {  	[spmem:s2] =	stream.indirect.scatter.add.f32 [tilespmem:s15], [sflag:$0x6], $0x80, s9, s12, $0xb8;
	[tilespmem:$0x1D800] =	vst v63  }
0x1a3: {  	_ =	swait.ge [sflag:s21], $0x2800  }
0x1a4: {  	s9 =	sld [smem:$0x7F6]  }
0x1a5: {  	[sflag:s21] =	ssyncset.done $0x0  }
0x1a6: {  	[sflag:s21] =	ssyncadd.s32 $0xFFFFD800  }
0x1a7: {  	[tilespmem:s15], [sflag:$0x3] =	stream.indirect.gather [hbm4b:s4+s12], $0x80, s9, s12, $0xb8;
	[tilespmem:$0x1D800] =	vst v63  }
0x1a8: {  	_ =	swait.ge [sflag:s16], $0x2800  }
0x1a9: {  	s9 =	sld [smem:$0x7F7]  }
0x1aa: {  	[sflag:s16] =	ssyncset.done $0x0  }
0x1ab: {  	[sflag:s16] =	ssyncadd.s32 $0xFFFFD800  }
0x1ac: {  	[spmem:s2] =	stream.indirect.scatter.add.f32 [tilespmem:s13], [sflag:$0x4], $0x80, s9, s12, $0xb8;
	[tilespmem:$0x1D800] =	vst v63  }
0x1ad: {  	_ =	swait.ge [sflag:s17], $0x2800  }
0x1ae: {  	s9 =	sld [smem:$0x7F8]  }
0x1af: {  	[sflag:s17] =	ssyncset.done $0x0  }
0x1b0: {  	[sflag:s17] =	ssyncadd.s32 $0xFFFFD800  }
0x1b1: {  	[tilespmem:s13], [sflag:$0x1] =	stream.indirect.gather [hbm4b:s4+s12], $0x80, s9, s12, $0xb8;
	[tilespmem:$0x1D800] =	vst v63  }
0x1b2: {  	_ =	swait.ge [sflag:s18], $0x2800  }
0x1b3: {  	s9 =	sld [smem:$0x7F9]  }
0x1b4: {  	[sflag:s18] =	ssyncset.done $0x0  }
0x1b5: {  	[sflag:s18] =	ssyncadd.s32 $0xFFFFD800  }
0x1b6: {  	[spmem:s2] =	stream.indirect.scatter.add.f32 [tilespmem:s14], [sflag:$0x5], $0x80, s9, s12, $0xb8;
	[tilespmem:$0x1D800] =	vst v63  }
0x1b7: {  	_ =	swait.ge [sflag:s19], $0x2800  }
0x1b8: {  	s9 =	sld [smem:$0x7FA]  }
0x1b9: {  	[sflag:s19] =	ssyncset.done $0x0  }
0x1ba: {  	[sflag:s19] =	ssyncadd.s32 $0xFFFFD800  }
0x1bb: {  	[tilespmem:s14], [sflag:$0x2] =	stream.indirect.gather [hbm4b:s4+s12], $0x80, s9, s12, $0xb8;
	[tilespmem:$0x1D800] =	vst v63  }
0x1bc: {  	_ =	swait.ge [sflag:s20], $0x2800  }
0x1bd: {  	s9 =	sld [smem:$0x7FB]  }
0x1be: {  	[sflag:s20] =	ssyncset.done $0x0  }
0x1bf: {  	[sflag:s20] =	ssyncadd.s32 $0xFFFFD800  }
0x1c0: {  	[spmem:s2] =	stream.indirect.scatter.add.f32 [tilespmem:s15], [sflag:$0x6], $0x80, s9, s12, $0xb8;
	[tilespmem:$0x1D800] =	vst v63  }
0x1c1: {  	_ =	swait.ge [sflag:s21], $0x2800  }
0x1c2: {  	[sflag:s21] =	ssyncset.done $0x0  }
0x1c3: {  	[sflag:s21] =	ssyncadd.s32 $0xFFFFD800  }
0x1c4: {  	[tilespmem:s15], [sflag:$0x3] =	stream.indirect.gather [hbm4b:s4+s12], $0x80, s22, s12, $0xb8;
	[tilespmem:$0x1D800] =	vst v63  }
0x1c5: {  	_ =	swait.ge [sflag:s16], $0x2800  }
0x1c6: {  	[sflag:s16] =	ssyncset.done $0x0  }
0x1c7: {  	[sflag:s16] =	ssyncadd.s32 $0xFFFFD800  }
0x1c8: {  	[spmem:s2] =	stream.indirect.scatter.add.f32 [tilespmem:s13], [sflag:$0x4], $0x80, s23, s12, $0xb8;
	[tilespmem:$0x1D800] =	vst v63  }
0x1c9: {  	_ =	swait.ge [sflag:s17], $0x2800  }
0x1ca: {  	[sflag:s17] =	ssyncset.done $0x0  }
0x1cb: {  	[sflag:s17] =	ssyncadd.s32 $0xFFFFD800  }
0x1cc: {  	[tilespmem:s13], [sflag:$0x1] =	stream.indirect.gather [hbm4b:s4+s12], $0x80, s24, s12, $0xb8;
	[tilespmem:$0x1D800] =	vst v63  }
0x1cd: {  	_ =	swait.ge [sflag:s18], $0x2800  }
0x1ce: {  	[sflag:s18] =	ssyncset.done $0x0  }
0x1cf: {  	[sflag:s18] =	ssyncadd.s32 $0xFFFFD800  }
0x1d0: {  	[spmem:s2] =	stream.indirect.scatter.add.f32 [tilespmem:s14], [sflag:$0x5], $0x80, s25, s12, $0xb8;
	[tilespmem:$0x1D800] =	vst v63  }
0x1d1: {  	_ =	swait.ge [sflag:s19], $0x2800  }
0x1d2: {  	[sflag:s19] =	ssyncset.done $0x0  }
0x1d3: {  	[sflag:s19] =	ssyncadd.s32 $0xFFFFD800  }
0x1d4: {  	[tilespmem:s14], [sflag:$0x2] =	stream.indirect.gather [hbm4b:s4+s12], $0x80, s26, s12, $0xb8;
	[tilespmem:$0x1D800] =	vst v63  }
0x1d5: {  	_ =	swait.ge [sflag:s20], $0x2800  }
0x1d6: {  	[sflag:s20] =	ssyncset.done $0x0  }
0x1d7: {  	[sflag:s20] =	ssyncadd.s32 $0xFFFFD800  }
0x1d8: {  	[spmem:s2] =	stream.indirect.scatter.add.f32 [tilespmem:s15], [sflag:$0x6], $0x80, s28, s12, $0xb8;
	[tilespmem:$0x1D800] =	vst v63  }
0x1d9: {  	_ =	swait.ge [sflag:s21], $0x2800  }
0x1da: {  	[sflag:s21] =	ssyncset.done $0x0  }
0x1db: {  	[sflag:s21] =	ssyncadd.s32 $0xFFFFD800  }
0x1dc: {  	[tilespmem:s15], [sflag:$0x3] =	stream.indirect.gather [hbm4b:s4+s12], $0x80, s29, s12, $0xb8;
	[tilespmem:$0x1D800] =	vst v63  }
0x1dd: {  	_ =	swait.ge [sflag:s16], $0x2800  }
0x1de: {  	[sflag:s16] =	ssyncset.done $0x0  }
0x1df: {  	[sflag:s16] =	ssyncadd.s32 $0xFFFFD800  }
0x1e0: {  	[spmem:s2] =	stream.indirect.scatter.add.f32 [tilespmem:s13], [sflag:$0x4], $0x80, s30, s12, $0xb8;
	[tilespmem:$0x1D800] =	vst v63  }
0x1e1: {  	_ =	swait.ge [sflag:s17], $0x2800  }
0x1e2: {  	[sflag:s17] =	ssyncset.done $0x0  }
0x1e3: {  	[sflag:s17] =	ssyncadd.s32 $0xFFFFD800  }
0x1e4: {  	[tilespmem:s13], [sflag:$0x1] =	stream.indirect.gather [hbm4b:s4+s12], $0x80, s31, s12, $0xb8;
	[tilespmem:$0x1D800] =	vst v63  }
0x1e5: {  	_ =	swait.ge [sflag:s18], $0x2800  }
0x1e6: {  	[sflag:s18] =	ssyncset.done $0x0  }
0x1e7: {  	[sflag:s18] =	ssyncadd.s32 $0xFFFFD800  }
0x1e8: {  	[spmem:s2] =	stream.indirect.scatter.add.f32 [tilespmem:s14], [sflag:$0x5], $0x80, s1, s12, $0xb8;
	[tilespmem:$0x1D800] =	vst v63  }
0x1e9: {  	_ =	swait.ge [sflag:s19], $0x2800  }
0x1ea: {  	[sflag:s19] =	ssyncset.done $0x0  }
0x1eb: {  	[sflag:s19] =	ssyncadd.s32 $0xFFFFD800  }
0x1ec: {  	[tilespmem:s14], [sflag:$0x2] =	stream.indirect.gather [hbm4b:s4+s12], $0x80, s3, s12, $0xb8;
	[tilespmem:$0x1D800] =	vst v63  }
0x1ed: {  	_ =	swait.ge [sflag:s20], $0x2800  }
0x1ee: {  	[sflag:s20] =	ssyncset.done $0x0  }
0x1ef: {  	[sflag:s20] =	ssyncadd.s32 $0xFFFFD800  }
0x1f0: {  	[spmem:s2] =	stream.indirect.scatter.add.f32 [tilespmem:s15], [sflag:$0x6], $0x80, s0, s12, $0xb8;
	[tilespmem:$0x1D800] =	vst v63  }
0x1f1: {  	_ =	swait.ge [sflag:s21], $0x2800  }
0x1f2: {  	[sflag:s21] =	ssyncset.done $0x0  }
0x1f3: {  	[sflag:s21] =	ssyncadd.s32 $0xFFFFD800  }
0x1f4: {  	[tilespmem:s15], [sflag:$0x3] =	stream.indirect.gather [hbm4b:s4+s12], $0x80, s3, s12, $0xb8;
	[tilespmem:$0x1D800] =	vst v63  }
0x1f5: {  	_ =	swait.ge [sflag:s16], $0x2800  }
0x1f6: {  	[sflag:s16] =	ssyncset.done $0x0  }
0x1f7: {  	[sflag:s16] =	ssyncadd.s32 $0xFFFFD800  }
0x1f8: {  	[spmem:s2] =	stream.indirect.scatter.add.f32 [tilespmem:s13], [sflag:$0x4], $0x80, s5, s12, $0xb8;
	[tilespmem:$0x1D800] =	vst v63  }
0x1f9: {  	_ =	swait.ge [sflag:s17], $0x2800  }
0x1fa: {  	[sflag:s17] =	ssyncset.done $0x0  }
0x1fb: {  	p0 =	sne.s32 s6, $0x800;
	[sflag:s17] =	ssyncadd.s32 $0xFFFFD800  }
.Ltmp0:
0x1fc: {  	_ =	swait.ge [sflag:s18], $0x2800;
	(pc) =	sbr.rel @p0 .LBB2_2-.Ltmp0, $4  }
0x1fd: {  	[sflag:s18] =	ssyncset.done $0x0  }
0x1fe: {  	[sflag:s18] =	ssyncadd.s32 $0xFFFFD800  }
0x1ff: {  	_ =	swait.ge [sflag:s20], $0x2800  }
0x200: {  	s6 =	sadd.s32 $0x200, s6;
	s9 =	rddreg [dreg:$0x4];
	[sflag:s20] =	ssyncset.done $0x0  }
0x201: {  	[sflag:s20] =	ssyncadd.s32 $0xFFFFD800;
	s6 =	sadd.s32 s8, s9  }
0x202: {  	[tilespmem:s3], [sflag:$0x7] =	stream.linear.gather [hbm4b:s6+s3], $0xC80, $0x38;
	[tilespmem:$0x1D800] =	vst v63  }
0x203: {  	_ =	swait.ge [sflag:s10], $0xC80  }
0x204: {  	s7 =	rddreg [dreg:$0x3];
	[sflag:s10] =	ssyncset.done $0x0  }
0x205: {  	[sflag:s10] =	ssyncadd.s32 $0xFFFFF380;
	s6 =	sadd.s32 s8, s7  }
0x206: {  	[tilespmem:s11], [sflag:$0x7] =	stream.linear.gather [hbm4b:s6+s3], $0xC80, $0x38;
	[tilespmem:$0x1D800] =	vst v63  }
0x207: {  	_ =	swait.ge [sflag:s10], $0xC80  }
0x208: {  	[sflag:s10] =	ssyncset.done $0x0  }
0x209: {  	[sflag:s10] =	ssyncadd.s32 $0xFFFFF380  }
0x20a: {  	[tilespmem:s13], [sflag:$0x1] =	stream.indirect.gather [hbm4b:s4+s12], $0x80, s3, s12, $0xb8;
	[tilespmem:$0x1D800] =	vst v63  }
0x20b: {  	s9 =	rddreg [dreg:$0x5]  }
0x20c: {  	[tilespmem:s14], [sflag:$0x2] =	stream.indirect.gather [hbm4b:s4+s12], $0x80, s9, s12, $0xb8;
	[tilespmem:$0x1D800] =	vst v63  }
0x20d: {  	s7 =	rddreg [dreg:$0x6]  }
0x20e: {  	[tilespmem:s15], [sflag:$0x3] =	stream.indirect.gather [hbm4b:s4+s12], $0x80, s7, s12, $0xb8;
	[tilespmem:$0x1D800] =	vst v63  }
0x20f: {  	_ =	swait.ge [sflag:s16], $0x2800  }
0x210: {  	[sflag:s16] =	ssyncset.done $0x0  }
0x211: {  	[sflag:s16] =	ssyncadd.s32 $0xFFFFD800  }
0x212: {  	[spmem:s2] =	stream.indirect.scatter.add.f32 [tilespmem:s13], [sflag:$0x4], $0x80, s11, s12, $0xb8;
	[tilespmem:$0x1D800] =	vst v63  }
0x213: {  	_ =	swait.ge [sflag:s17], $0x2800  }
0x214: {  	[sflag:s17] =	ssyncset.done $0x0  }
0x215: {  	s8 =	rddreg [dreg:$0x7];
	[sflag:s17] =	ssyncadd.s32 $0xFFFFD800  }
0x216: {  	[tilespmem:s13], [sflag:$0x1] =	stream.indirect.gather [hbm4b:s4+s12], $0x80, s8, s12, $0xb8;
	[tilespmem:$0x1D800] =	vst v63  }
0x217: {  	_ =	swait.ge [sflag:s18], $0x2800  }
0x218: {  	[sflag:s18] =	ssyncset.done $0x0  }
0x219: {  	s9 =	rddreg [dreg:$0x8];
	[sflag:s18] =	ssyncadd.s32 $0xFFFFD800  }
0x21a: {  	[spmem:s2] =	stream.indirect.scatter.add.f32 [tilespmem:s14], [sflag:$0x5], $0x80, s9, s12, $0xb8;
	[tilespmem:$0x1D800] =	vst v63  }
0x21b: {  	_ =	swait.ge [sflag:s19], $0x2800  }
0x21c: {  	[sflag:s19] =	ssyncset.done $0x0  }
0x21d: {  	s7 =	rddreg [dreg:$0x9];
	[sflag:s19] =	ssyncadd.s32 $0xFFFFD800  }
0x21e: {  	[tilespmem:s14], [sflag:$0x2] =	stream.indirect.gather [hbm4b:s4+s12], $0x80, s7, s12, $0xb8;
	[tilespmem:$0x1D800] =	vst v63  }
0x21f: {  	_ =	swait.ge [sflag:s20], $0x2800  }
0x220: {  	[sflag:s20] =	ssyncset.done $0x0  }
0x221: {  	s8 =	rddreg [dreg:$0xa];
	[sflag:s20] =	ssyncadd.s32 $0xFFFFD800  }
0x222: {  	[spmem:s2] =	stream.indirect.scatter.add.f32 [tilespmem:s15], [sflag:$0x6], $0x80, s8, s12, $0xb8;
	[tilespmem:$0x1D800] =	vst v63  }
0x223: {  	_ =	swait.ge [sflag:s21], $0x2800  }
0x224: {  	[sflag:s21] =	ssyncset.done $0x0  }
0x225: {  	s9 =	rddreg [dreg:$0xb];
	[sflag:s21] =	ssyncadd.s32 $0xFFFFD800  }
0x226: {  	[tilespmem:s15], [sflag:$0x3] =	stream.indirect.gather [hbm4b:s4+s12], $0x80, s9, s12, $0xb8;
	[tilespmem:$0x1D800] =	vst v63  }
0x227: {  	_ =	swait.ge [sflag:s16], $0x2800  }
0x228: {  	[sflag:s16] =	ssyncset.done $0x0  }
0x229: {  	s7 =	rddreg [dreg:$0xc];
	[sflag:s16] =	ssyncadd.s32 $0xFFFFD800  }
0x22a: {  	[spmem:s2] =	stream.indirect.scatter.add.f32 [tilespmem:s13], [sflag:$0x4], $0x80, s7, s12, $0xb8;
	[tilespmem:$0x1D800] =	vst v63  }
0x22b: {  	_ =	swait.ge [sflag:s17], $0x2800  }
0x22c: {  	[sflag:s17] =	ssyncset.done $0x0  }
0x22d: {  	s8 =	rddreg [dreg:$0xd];
	[sflag:s17] =	ssyncadd.s32 $0xFFFFD800  }
0x22e: {  	[tilespmem:s13], [sflag:$0x1] =	stream.indirect.gather [hbm4b:s4+s12], $0x80, s8, s12, $0xb8;
	[tilespmem:$0x1D800] =	vst v63  }
0x22f: {  	_ =	swait.ge [sflag:s18], $0x2800  }
0x230: {  	[sflag:s18] =	ssyncset.done $0x0  }
0x231: {  	s9 =	rddreg [dreg:$0xe];
	[sflag:s18] =	ssyncadd.s32 $0xFFFFD800  }
0x232: {  	[spmem:s2] =	stream.indirect.scatter.add.f32 [tilespmem:s14], [sflag:$0x5], $0x80, s9, s12, $0xb8;
	[tilespmem:$0x1D800] =	vst v63  }
0x233: {  	_ =	swait.ge [sflag:s19], $0x2800  }
0x234: {  	[sflag:s19] =	ssyncset.done $0x0  }
0x235: {  	s7 =	rddreg [dreg:$0xf];
	[sflag:s19] =	ssyncadd.s32 $0xFFFFD800  }
0x236: {  	[tilespmem:s14], [sflag:$0x2] =	stream.indirect.gather [hbm4b:s4+s12], $0x80, s7, s12, $0xb8;
	[tilespmem:$0x1D800] =	vst v63  }
0x237: {  	_ =	swait.ge [sflag:s20], $0x2800  }
0x238: {  	[sflag:s20] =	ssyncset.done $0x0  }
0x239: {  	s8 =	rddreg [dreg:$0x10];
	[sflag:s20] =	ssyncadd.s32 $0xFFFFD800  }
0x23a: {  	[spmem:s2] =	stream.indirect.scatter.add.f32 [tilespmem:s15], [sflag:$0x6], $0x80, s8, s12, $0xb8;
	[tilespmem:$0x1D800] =	vst v63  }
0x23b: {  	_ =	swait.ge [sflag:s21], $0x2800  }
0x23c: {  	[sflag:s21] =	ssyncset.done $0x0  }
0x23d: {  	s9 =	rddreg [dreg:$0x11];
	[sflag:s21] =	ssyncadd.s32 $0xFFFFD800  }
0x23e: {  	[tilespmem:s15], [sflag:$0x3] =	stream.indirect.gather [hbm4b:s4+s12], $0x80, s9, s12, $0xb8;
	[tilespmem:$0x1D800] =	vst v63  }
0x23f: {  	_ =	swait.ge [sflag:s16], $0x2800  }
0x240: {  	[sflag:s16] =	ssyncset.done $0x0  }
0x241: {  	s7 =	rddreg [dreg:$0x12];
	[sflag:s16] =	ssyncadd.s32 $0xFFFFD800  }
0x242: {  	[spmem:s2] =	stream.indirect.scatter.add.f32 [tilespmem:s13], [sflag:$0x4], $0x80, s7, s12, $0xb8;
	[tilespmem:$0x1D800] =	vst v63  }
0x243: {  	_ =	swait.ge [sflag:s17], $0x2800  }
0x244: {  	[sflag:s17] =	ssyncset.done $0x0  }
0x245: {  	s8 =	rddreg [dreg:$0x13];
	[sflag:s17] =	ssyncadd.s32 $0xFFFFD800  }
0x246: {  	[tilespmem:s13], [sflag:$0x1] =	stream.indirect.gather [hbm4b:s4+s12], $0x80, s8, s12, $0xb8;
	[tilespmem:$0x1D800] =	vst v63  }
0x247: {  	_ =	swait.ge [sflag:s18], $0x2800  }
0x248: {  	[sflag:s18] =	ssyncset.done $0x0  }
0x249: {  	s9 =	rddreg [dreg:$0x14];
	[sflag:s18] =	ssyncadd.s32 $0xFFFFD800  }
0x24a: {  	[spmem:s2] =	stream.indirect.scatter.add.f32 [tilespmem:s14], [sflag:$0x5], $0x80, s9, s12, $0xb8;
	[tilespmem:$0x1D800] =	vst v63  }
0x24b: {  	_ =	swait.ge [sflag:s19], $0x2800  }
0x24c: {  	[sflag:s19] =	ssyncset.done $0x0  }
0x24d: {  	s7 =	rddreg [dreg:$0x15];
	[sflag:s19] =	ssyncadd.s32 $0xFFFFD800  }
0x24e: {  	[tilespmem:s14], [sflag:$0x2] =	stream.indirect.gather [hbm4b:s4+s12], $0x80, s7, s12, $0xb8;
	[tilespmem:$0x1D800] =	vst v63  }
0x24f: {  	_ =	swait.ge [sflag:s20], $0x2800  }
0x250: {  	[sflag:s20] =	ssyncset.done $0x0  }
0x251: {  	s8 =	rddreg [dreg:$0x16];
	[sflag:s20] =	ssyncadd.s32 $0xFFFFD800  }
0x252: {  	[spmem:s2] =	stream.indirect.scatter.add.f32 [tilespmem:s15], [sflag:$0x6], $0x80, s8, s12, $0xb8;
	[tilespmem:$0x1D800] =	vst v63  }
0x253: {  	_ =	swait.ge [sflag:s21], $0x2800  }
0x254: {  	[sflag:s21] =	ssyncset.done $0x0  }
0x255: {  	s9 =	rddreg [dreg:$0x17];
	[sflag:s21] =	ssyncadd.s32 $0xFFFFD800  }
0x256: {  	[tilespmem:s15], [sflag:$0x3] =	stream.indirect.gather [hbm4b:s4+s12], $0x80, s9, s12, $0xb8;
	[tilespmem:$0x1D800] =	vst v63  }
0x257: {  	_ =	swait.ge [sflag:s16], $0x2800  }
0x258: {  	[sflag:s16] =	ssyncset.done $0x0  }
0x259: {  	s7 =	rddreg [dreg:$0x18];
	[sflag:s16] =	ssyncadd.s32 $0xFFFFD800  }
0x25a: {  	[spmem:s2] =	stream.indirect.scatter.add.f32 [tilespmem:s13], [sflag:$0x4], $0x80, s7, s12, $0xb8;
	[tilespmem:$0x1D800] =	vst v63  }
0x25b: {  	_ =	swait.ge [sflag:s17], $0x2800  }
0x25c: {  	[sflag:s17] =	ssyncset.done $0x0  }
0x25d: {  	s8 =	rddreg [dreg:$0x19];
	[sflag:s17] =	ssyncadd.s32 $0xFFFFD800  }
0x25e: {  	[tilespmem:s13], [sflag:$0x1] =	stream.indirect.gather [hbm4b:s4+s12], $0x80, s8, s12, $0xb8;
	[tilespmem:$0x1D800] =	vst v63  }
0x25f: {  	_ =	swait.ge [sflag:s18], $0x2800  }
0x260: {  	[sflag:s18] =	ssyncset.done $0x0  }
0x261: {  	s9 =	rddreg [dreg:$0x1a];
	[sflag:s18] =	ssyncadd.s32 $0xFFFFD800  }
0x262: {  	[spmem:s2] =	stream.indirect.scatter.add.f32 [tilespmem:s14], [sflag:$0x5], $0x80, s9, s12, $0xb8;
	[tilespmem:$0x1D800] =	vst v63  }
0x263: {  	_ =	swait.ge [sflag:s19], $0x2800  }
0x264: {  	[sflag:s19] =	ssyncset.done $0x0  }
0x265: {  	s7 =	rddreg [dreg:$0x1b];
	[sflag:s19] =	ssyncadd.s32 $0xFFFFD800  }
0x266: {  	[tilespmem:s14], [sflag:$0x2] =	stream.indirect.gather [hbm4b:s4+s12], $0x80, s7, s12, $0xb8;
	[tilespmem:$0x1D800] =	vst v63  }
0x267: {  	_ =	swait.ge [sflag:s20], $0x2800  }
0x268: {  	[sflag:s20] =	ssyncset.done $0x0  }
0x269: {  	s8 =	rddreg [dreg:$0x1c];
	[sflag:s20] =	ssyncadd.s32 $0xFFFFD800  }
0x26a: {  	[spmem:s2] =	stream.indirect.scatter.add.f32 [tilespmem:s15], [sflag:$0x6], $0x80, s8, s12, $0xb8;
	[tilespmem:$0x1D800] =	vst v63  }
0x26b: {  	_ =	swait.ge [sflag:s21], $0x2800  }
0x26c: {  	[sflag:s21] =	ssyncset.done $0x0  }
0x26d: {  	s9 =	rddreg [dreg:$0x1d];
	[sflag:s21] =	ssyncadd.s32 $0xFFFFD800  }
0x26e: {  	[tilespmem:s15], [sflag:$0x3] =	stream.indirect.gather [hbm4b:s4+s12], $0x80, s9, s12, $0xb8;
	[tilespmem:$0x1D800] =	vst v63  }
0x26f: {  	_ =	swait.ge [sflag:s16], $0x2800  }
0x270: {  	[sflag:s16] =	ssyncset.done $0x0  }
0x271: {  	s7 =	rddreg [dreg:$0x1e];
	[sflag:s16] =	ssyncadd.s32 $0xFFFFD800  }
0x272: {  	[spmem:s2] =	stream.indirect.scatter.add.f32 [tilespmem:s13], [sflag:$0x4], $0x80, s7, s12, $0xb8;
	[tilespmem:$0x1D800] =	vst v63  }
0x273: {  	_ =	swait.ge [sflag:s17], $0x2800  }
0x274: {  	[sflag:s17] =	ssyncset.done $0x0  }
0x275: {  	s8 =	rddreg [dreg:$0x1f];
	[sflag:s17] =	ssyncadd.s32 $0xFFFFD800  }
0x276: {  	[tilespmem:s13], [sflag:$0x1] =	stream.indirect.gather [hbm4b:s4+s12], $0x80, s8, s12, $0xb8;
	[tilespmem:$0x1D800] =	vst v63  }
0x277: {  	_ =	swait.ge [sflag:s18], $0x2800  }
0x278: {  	s9 =	sld [smem:$0x7F3]  }
0x279: {  	[sflag:s18] =	ssyncset.done $0x0  }
0x27a: {  	[sflag:s18] =	ssyncadd.s32 $0xFFFFD800  }
0x27b: {  	[spmem:s2] =	stream.indirect.scatter.add.f32 [tilespmem:s14], [sflag:$0x5], $0x80, s9, s12, $0xb8;
	[tilespmem:$0x1D800] =	vst v63  }
0x27c: {  	_ =	swait.ge [sflag:s19], $0x2800  }
0x27d: {  	s7 =	sld [smem:$0x7F4]  }
0x27e: {  	[sflag:s19] =	ssyncset.done $0x0  }
0x27f: {  	[sflag:s19] =	ssyncadd.s32 $0xFFFFD800  }
0x280: {  	[tilespmem:s14], [sflag:$0x2] =	stream.indirect.gather [hbm4b:s4+s12], $0x80, s7, s12, $0xb8;
	[tilespmem:$0x1D800] =	vst v63  }
0x281: {  	_ =	swait.ge [sflag:s20], $0x2800  }
0x282: {  	s8 =	sld [smem:$0x7F5]  }
0x283: {  	[sflag:s20] =	ssyncset.done $0x0  }
0x284: {  	[sflag:s20] =	ssyncadd.s32 $0xFFFFD800  }
0x285: {  	[spmem:s2] =	stream.indirect.scatter.add.f32 [tilespmem:s15], [sflag:$0x6], $0x80, s8, s12, $0xb8;
	[tilespmem:$0x1D800] =	vst v63  }
0x286: {  	_ =	swait.ge [sflag:s21], $0x2800  }
0x287: {  	s9 =	sld [smem:$0x7F6]  }
0x288: {  	[sflag:s21] =	ssyncset.done $0x0  }
0x289: {  	[sflag:s21] =	ssyncadd.s32 $0xFFFFD800  }
0x28a: {  	[tilespmem:s15], [sflag:$0x3] =	stream.indirect.gather [hbm4b:s4+s12], $0x80, s9, s12, $0xb8;
	[tilespmem:$0x1D800] =	vst v63  }
0x28b: {  	_ =	swait.ge [sflag:s16], $0x2800  }
0x28c: {  	s7 =	sld [smem:$0x7F7]  }
0x28d: {  	[sflag:s16] =	ssyncset.done $0x0  }
0x28e: {  	[sflag:s16] =	ssyncadd.s32 $0xFFFFD800  }
0x28f: {  	[spmem:s2] =	stream.indirect.scatter.add.f32 [tilespmem:s13], [sflag:$0x4], $0x80, s7, s12, $0xb8;
	[tilespmem:$0x1D800] =	vst v63  }
0x290: {  	_ =	swait.ge [sflag:s17], $0x2800  }
0x291: {  	s8 =	sld [smem:$0x7F8]  }
0x292: {  	[sflag:s17] =	ssyncset.done $0x0  }
0x293: {  	[sflag:s17] =	ssyncadd.s32 $0xFFFFD800  }
0x294: {  	[tilespmem:s13], [sflag:$0x1] =	stream.indirect.gather [hbm4b:s4+s12], $0x80, s8, s12, $0xb8;
	[tilespmem:$0x1D800] =	vst v63  }
0x295: {  	_ =	swait.ge [sflag:s18], $0x2800  }
0x296: {  	s9 =	sld [smem:$0x7F9]  }
0x297: {  	[sflag:s18] =	ssyncset.done $0x0  }
0x298: {  	[sflag:s18] =	ssyncadd.s32 $0xFFFFD800  }
0x299: {  	[spmem:s2] =	stream.indirect.scatter.add.f32 [tilespmem:s14], [sflag:$0x5], $0x80, s9, s12, $0xb8;
	[tilespmem:$0x1D800] =	vst v63  }
0x29a: {  	_ =	swait.ge [sflag:s19], $0x2800  }
0x29b: {  	s7 =	sld [smem:$0x7FA]  }
0x29c: {  	[sflag:s19] =	ssyncset.done $0x0  }
0x29d: {  	[sflag:s19] =	ssyncadd.s32 $0xFFFFD800  }
0x29e: {  	[tilespmem:s14], [sflag:$0x2] =	stream.indirect.gather [hbm4b:s4+s12], $0x80, s7, s12, $0xb8;
	[tilespmem:$0x1D800] =	vst v63  }
0x29f: {  	_ =	swait.ge [sflag:s20], $0x2800  }
0x2a0: {  	s8 =	sld [smem:$0x7FB]  }
0x2a1: {  	[sflag:s20] =	ssyncset.done $0x0  }
0x2a2: {  	[sflag:s20] =	ssyncadd.s32 $0xFFFFD800  }
0x2a3: {  	[spmem:s2] =	stream.indirect.scatter.add.f32 [tilespmem:s15], [sflag:$0x6], $0x80, s8, s12, $0xb8;
	[tilespmem:$0x1D800] =	vst v63  }
0x2a4: {  	_ =	swait.ge [sflag:s21], $0x2800  }
0x2a5: {  	[sflag:s21] =	ssyncset.done $0x0  }
0x2a6: {  	[sflag:s21] =	ssyncadd.s32 $0xFFFFD800  }
0x2a7: {  	[tilespmem:s15], [sflag:$0x3] =	stream.indirect.gather [hbm4b:s4+s12], $0x80, s22, s12, $0xb8;
	[tilespmem:$0x1D800] =	vst v63  }
0x2a8: {  	_ =	swait.ge [sflag:s16], $0x2800  }
0x2a9: {  	[sflag:s16] =	ssyncset.done $0x0  }
0x2aa: {  	[sflag:s16] =	ssyncadd.s32 $0xFFFFD800  }
0x2ab: {  	[spmem:s2] =	stream.indirect.scatter.add.f32 [tilespmem:s13], [sflag:$0x4], $0x80, s23, s12, $0xb8;
	[tilespmem:$0x1D800] =	vst v63  }
0x2ac: {  	_ =	swait.ge [sflag:s17], $0x2800  }
0x2ad: {  	[sflag:s17] =	ssyncset.done $0x0  }
0x2ae: {  	[sflag:s17] =	ssyncadd.s32 $0xFFFFD800  }
0x2af: {  	[tilespmem:s13], [sflag:$0x1] =	stream.indirect.gather [hbm4b:s4+s12], $0x80, s24, s12, $0xb8;
	[tilespmem:$0x1D800] =	vst v63  }
0x2b0: {  	_ =	swait.ge [sflag:s18], $0x2800  }
0x2b1: {  	[sflag:s18] =	ssyncset.done $0x0  }
0x2b2: {  	[sflag:s18] =	ssyncadd.s32 $0xFFFFD800  }
0x2b3: {  	[spmem:s2] =	stream.indirect.scatter.add.f32 [tilespmem:s14], [sflag:$0x5], $0x80, s25, s12, $0xb8;
	[tilespmem:$0x1D800] =	vst v63  }
0x2b4: {  	_ =	swait.ge [sflag:s19], $0x2800  }
0x2b5: {  	[sflag:s19] =	ssyncset.done $0x0  }
0x2b6: {  	[sflag:s19] =	ssyncadd.s32 $0xFFFFD800  }
0x2b7: {  	[tilespmem:s14], [sflag:$0x2] =	stream.indirect.gather [hbm4b:s4+s12], $0x80, s26, s12, $0xb8;
	[tilespmem:$0x1D800] =	vst v63  }
0x2b8: {  	_ =	swait.ge [sflag:s20], $0x2800  }
0x2b9: {  	[sflag:s20] =	ssyncset.done $0x0  }
0x2ba: {  	[sflag:s20] =	ssyncadd.s32 $0xFFFFD800  }
0x2bb: {  	[spmem:s2] =	stream.indirect.scatter.add.f32 [tilespmem:s15], [sflag:$0x6], $0x80, s28, s12, $0xb8;
	[tilespmem:$0x1D800] =	vst v63  }
0x2bc: {  	_ =	swait.ge [sflag:s21], $0x2800  }
0x2bd: {  	[sflag:s21] =	ssyncset.done $0x0  }
0x2be: {  	[sflag:s21] =	ssyncadd.s32 $0xFFFFD800  }
0x2bf: {  	[tilespmem:s15], [sflag:$0x3] =	stream.indirect.gather [hbm4b:s4+s12], $0x80, s29, s12, $0xb8;
	[tilespmem:$0x1D800] =	vst v63  }
0x2c0: {  	_ =	swait.ge [sflag:s16], $0x2800  }
0x2c1: {  	[sflag:s16] =	ssyncset.done $0x0  }
0x2c2: {  	[sflag:s16] =	ssyncadd.s32 $0xFFFFD800  }
0x2c3: {  	[spmem:s2] =	stream.indirect.scatter.add.f32 [tilespmem:s13], [sflag:$0x4], $0x80, s30, s12, $0xb8;
	[tilespmem:$0x1D800] =	vst v63  }
0x2c4: {  	_ =	swait.ge [sflag:s17], $0x2800  }
0x2c5: {  	[sflag:s17] =	ssyncset.done $0x0  }
0x2c6: {  	[sflag:s17] =	ssyncadd.s32 $0xFFFFD800  }
0x2c7: {  	[tilespmem:s13], [sflag:$0x1] =	stream.indirect.gather [hbm4b:s4+s12], $0x80, s31, s12, $0xb8;
	[tilespmem:$0x1D800] =	vst v63  }
0x2c8: {  	_ =	swait.ge [sflag:s18], $0x2800  }
0x2c9: {  	[sflag:s18] =	ssyncset.done $0x0  }
0x2ca: {  	[sflag:s18] =	ssyncadd.s32 $0xFFFFD800  }
0x2cb: {  	[spmem:s2] =	stream.indirect.scatter.add.f32 [tilespmem:s14], [sflag:$0x5], $0x80, s1, s12, $0xb8;
	[tilespmem:$0x1D800] =	vst v63  }
0x2cc: {  	_ =	swait.ge [sflag:s19], $0x2800  }
0x2cd: {  	[sflag:s19] =	ssyncset.done $0x0  }
0x2ce: {  	[sflag:s19] =	ssyncadd.s32 $0xFFFFD800  }
0x2cf: {  	[tilespmem:s14], [sflag:$0x2] =	stream.indirect.gather [hbm4b:s4+s12], $0x80, s3, s12, $0xb8;
	[tilespmem:$0x1D800] =	vst v63  }
0x2d0: {  	_ =	swait.ge [sflag:s20], $0x2800  }
0x2d1: {  	[sflag:s20] =	ssyncset.done $0x0  }
0x2d2: {  	[sflag:s20] =	ssyncadd.s32 $0xFFFFD800  }
0x2d3: {  	[spmem:s2] =	stream.indirect.scatter.add.f32 [tilespmem:s15], [sflag:$0x6], $0x80, s0, s12, $0xb8;
	[tilespmem:$0x1D800] =	vst v63  }
0x2d4: {  	_ =	swait.ge [sflag:s21], $0x2800  }
0x2d5: {  	[sflag:s21] =	ssyncset.done $0x0  }
0x2d6: {  	[sflag:s21] =	ssyncadd.s32 $0xFFFFD800  }
0x2d7: {  	[tilespmem:s15], [sflag:$0x3] =	stream.indirect.gather [hbm4b:s4+s12], $0x80, s3, s12, $0xb8;
	[tilespmem:$0x1D800] =	vst v63  }
0x2d8: {  	_ =	swait.ge [sflag:s16], $0x2800  }
0x2d9: {  	[sflag:s16] =	ssyncset.done $0x0  }
0x2da: {  	[sflag:s16] =	ssyncadd.s32 $0xFFFFD800  }
0x2db: {  	[spmem:s2] =	stream.indirect.scatter.add.f32 [tilespmem:s13], [sflag:$0x4], $0x80, s5, s12, $0xb8;
	[tilespmem:$0x1D800] =	vst v63  }
0x2dc: {  	_ =	swait.ge [sflag:s17], $0x2800  }
0x2dd: {  	[sflag:s17] =	ssyncset.done $0x0  }
0x2de: {  	[sflag:s17] =	ssyncadd.s32 $0xFFFFD800  }
0x2df: {  	_ =	swait.ge [sflag:s18], $0x2800  }
0x2e0: {  	[sflag:s18] =	ssyncset.done $0x0  }
0x2e1: {  	[sflag:s18] =	ssyncadd.s32 $0xFFFFD800  }
0x2e2: {  	_ =	swait.ge [sflag:s20], $0x2800  }
0x2e3: {  	[sflag:s20] =	ssyncset.done $0x0  }
0x2e4: {  	[sflag:s20] =	ssyncadd.s32 $0xFFFFD800  }
0x2e5: {  	[bflag:$0x0] =	sbarrier.arrive $0xFFFF  }
0x2e6: {  	s7 =	sld [smem:$0x7FC]  }
0x2e7: {  	s9 =	sld [smem:$0x7F1]  }
0x2e8: {  	s8 =	sld [smem:$0x7FD];
	_ =	sdelay $0x2  }
0x2e9: {  	[hbm:s9], [sflag:s7] =	dma.local [spmem:s8], $0x2800  }
0x2ea: {  	_ =	swait.ge [sflag:s10], $0x2800  }
0x2eb: {  	s6 =	sld [smem:$0x7EF];
	_ =	sdelay $0x2  }
0x2ec: {  	s9 =	sadd.s32 $0x1, s6;
	s6 =	sld [smem:$0x7F2];
	_ =	sdelay $0x2  }
0x2ed: {  	p0 =	sne.s32 s9, s6  }
.Ltmp1:
0x2ee: {  	_ = 	snop;
	(pc) =	sbr.rel @p0 .LBB2_1-.Ltmp1, $3  }
0x2ef: {  	_ =	sdelay $0x1  }
0x2f0: {  	[sflag:s10] =	ssyncset.done $0x0  }
0x2f1: {  	[sflag:s10] =	ssyncadd.s32 $0xFFFFD800  }
0x2f2: {  	_ =	sfence.sel $0x180000  }
0x2f3: {  	[bflag:$0x0] =	sbarrier.arrive $0xFFFF  }
0x2f4: {  	_ =	strace $0x9000004A  }
0x2f5: {  	s0 =	stileid.u32;
	[bflag:$0x2] =	sbarrier.arrive $0xFFFF  }
0x2f6: {  	p0 =	sne.s32 s0, $0x0;
	s0 =	rddreg [dreg:$0x2]  }
0x2f7: {  	s0 =	sadd.s32 @!p0 $0x100000, s0  }
0x2f8: {  	[sflag:s0] =	ssyncadd.tile.s32 @!p0 $0x1;
	_ =	shalt  }
.Lfunc_end2:
_tile_overlayer_lowered:
.L_overlay_start_2:
0x2f9: {  	(tag) =	ssettag $0x2  }
0x2fa: {  	s0 =	rddreg [dreg:$0x0];
	s2 =	stileid.u32  }
0x2fb: {  	s1 =	rddreg [dreg:$0x1];
	p0 =	sne.s32 s2, $0x0  }
0x2fc: {  	s3 =	rddreg [dreg:$0x2];
	[bflag:$0x3] =	sbarrier.arrive $0xFFFF;
	s2 =	simm.s32 @!p0 $0x1C07  }
0x2fd: {  	[timem:s3], [sflag:s2] =	dma.local @!p0 [hbm:s0], s1  }
0x2fe: {  	s0 =	simm.s32 @!p0 $0x7  }
0x2ff: {  	_ =	swait.ge @!p0 [sflag:s0], s1  }
0x300: {  	s1 =	ssub.s32 @!p0 $0x0, s1;
	[sflag:s0] =	ssyncset.done @!p0 $0x0  }
0x301: {  	[sflag:s0] =	ssyncadd.s32 @!p0 s1  }
0x302: {  	[bflag:$0x3] =	sbarrier.arrive $0xFFFF  }
0x303: {  	_ =	shalt  }

// kernel: kernel.14.cloned.1.call-start
scs
__scs_entry_jumppad:
0x0: {  	(pc) =	sbr.rel $0x88, $3  }
0x1: {  	(tag) =	ssettag $0x0;
	lr =	simm.s32 $0x1  }
0x2: {  	[smem:$0x3F99] =	sst lr;
	_ =	strace $0xD0000000  }
0x3: {  	_ = 	snop  }
0x4: {  	_ = 	snop  }
0x5: {  	_ = 	snop  }
0x6: {  	_ = 	snop  }
0x7: {  	_ = 	snop  }
__scs_overlays_trampoline_lowered:
0x8: {  	[smem:$0x3FA8] =	sst s0  }
0x9: {  	[smem:$0x3FA9] =	sst s1  }
0xa: {  	[smem:$0x3FAA] =	sst s2  }
0xb: {  	[smem:$0x3FAB] =	sst s3  }
0xc: {  	[smem:$0x3FAC] =	sst s4  }
0xd: {  	[smem:$0x3FAD] =	sst s5  }
0xe: {  	[smem:$0x3FAE] =	sst s6  }
0xf: {  	[smem:$0x3FAF] =	sst s7  }
0x10: {  	[smem:$0x3FB0] =	sst s8  }
0x11: {  	[smem:$0x3FB1] =	sst s9;
	s0 =	simm.s32 @!p0 $0x0  }
0x12: {  	s1 =	sld [smem:$0x3F97];
	s0 =	simm.s32 @p0 $0x1  }
0x13: {  	[smem:$0x3FB2] =	sst s0;
	s0 =	simm.s32 @!p1 $0x0  }
0x14: {  	s2 =	sld [smem:$0x3F96];
	s0 =	simm.s32 @p1 $0x1  }
0x15: {  	[smem:$0x3FB3] =	sst s0;
	s0 =	simm.s32 @!p2 $0x0  }
0x16: {  	s3 =	sld [smem:$0x3FDB];
	s0 =	simm.s32 @p2 $0x1  }
0x17: {  	s4 =	simm.s32 $0x1BF5;
	[smem:$0x3FB5] =	sst s0  }
0x18: {  	s0 =	sld [smem:$0x3F98];
	_ =	swait.ge [sflag:s4], $0x0  }
0x19: {  	s7 =	sld [smem:$0x3F99]  }
0x1a: {  	s8 =	sadd.s32 $0xFFFFE003, lr  }
0x1b: {  	s9 =	sadd.s32 $0xFFFFFEF7, lr;
	s5 =	simm.s32 $0xFFFFFFFF;
	p2 =	slt.u32 s8, $0xFFFFF086  }
0x1c: {  	p1 =	slt.u32 s9, $0xF7A;
	s5 =	simm.s32 @!p2 $0x0  }
0x1d: {  	s5 =	simm.s32 @p1 $0x1;
	p0 =	seq.s32 s7, s2  }
0x1e: {  	s7 =	smul.u32 @!p0 $0xF7A, s2;
	p2 =	seq.s32 @!p0 s5, $0x0  }
0x1f: {  	s9 =	smul.u32 $0xF7A, s1;
	s8 =	simm.s32 @!p0 $0x1BF5;
	p2 =	por !p2, p0  }
0x20: {  	[sflag:s8] =	ssyncset.s32 @!p0 $0xFFFFF086;
	s6 =	sadd.s32 @!p0 s3, s7;
	s7 =	simm.s32 @!p0 $0x108  }
0x21: {  	s3 =	sadd.s32 s3, s9;
	s6 =	sadd.s32 @!p0 $0x88, s6;
	s7 =	simm.s32 @p2 $0x1082  }
0x22: {  	[simem:s7], [sflag:s8] =	dma.local @!p0 [hbm:s6], $0xF7A  }
0x23: {  	s9 =	sor.u32 $0xD0000000, s2;
	s6 =	simm.s32 $0x108;
	_ =	swait.ge @!p0 [sflag:s8], $0x0  }
0x24: {  	s3 =	sadd.s32 $0x88, s3;
	s6 =	simm.s32 @!p1 $0x1082;
	[sflag:s4] =	ssyncset.s32 $0xFFFFF086  }
0x25: {  	[simem:s6], [sflag:s4] =	dma.local [hbm:s3], $0xF7A  }
0x26: {  	[smem:$0x3F99] =	sst s1;
	(tag) =	ssettag s2;
	_ =	strace s9  }
0x27: {  	s1 =	sld [smem:$0x3FA9]  }
0x28: {  	s2 =	sld [smem:$0x3FAA]  }
0x29: {  	s4 =	sld [smem:$0x3FAC]  }
0x2a: {  	p0 =	seq.s32 s5, $0x0;
	s5 =	sld [smem:$0x3FAD]  }
0x2b: {  	s6 =	sld [smem:$0x3FAE]  }
0x2c: {  	s7 =	sld [smem:$0x3FAF]  }
0x2d: {  	s3 =	simm.s32 $0x108;
	s8 =	sld [smem:$0x3FB0]  }
0x2e: {  	s3 =	simm.s32 @!p0 $0x1082;
	s9 =	sld [smem:$0x3FB1]  }
0x2f: {  	lr =	sadd.s32 s0, s3;
	s0 =	sld [smem:$0x3FA8]  }
0x30: {  	s3 =	sld [smem:$0x3FAB]  }
0x31: {  	[smem:$0x3FB4] =	sst s10  }
0x32: {  	s10 =	sld [smem:$0x3FB2];
	_ =	sdelay $0x3  }
0x33: {  	p0 =	seq.s32 s10, $0x1;
	s10 =	sld [smem:$0x3FB4];
	_ =	sdelay $0x3  }
0x34: {  	[smem:$0x3FB4] =	sst s10  }
0x35: {  	s10 =	sld [smem:$0x3FB3];
	_ =	sdelay $0x3  }
0x36: {  	p1 =	seq.s32 s10, $0x1;
	s10 =	sld [smem:$0x3FB4];
	_ =	sdelay $0x3  }
0x37: {  	[smem:$0x3FB4] =	sst s10  }
0x38: {  	s10 =	sld [smem:$0x3FB5]  }
0x39: {  	_ = 	snop;
	(pc) =	sbr.ind lr, $3  }
0x3a: {  	_ = 	snop  }
0x3b: {  	_ = 	snop  }
0x3c: {  	p2 =	seq.s32 s10, $0x1;
	s10 =	sld [smem:$0x3FB4]  }
0x3d: {  	_ =	shalt  }
0x3e: {  	_ =	shalt  }
0x3f: {  	_ =	shalt  }
0x40: {  	_ =	shalt  }
0x41: {  	_ =	shalt  }
0x42: {  	_ =	shalt  }
0x43: {  	_ =	shalt  }
0x44: {  	_ =	shalt  }
0x45: {  	_ =	shalt  }
0x46: {  	_ =	shalt  }
0x47: {  	_ =	shalt  }
0x48: {  	_ =	shalt  }
0x49: {  	_ =	shalt  }
0x4a: {  	_ =	shalt  }
0x4b: {  	_ =	shalt  }
0x4c: {  	_ =	shalt  }
0x4d: {  	_ =	shalt  }
0x4e: {  	_ =	shalt  }
0x4f: {  	_ =	shalt  }
0x50: {  	_ =	shalt  }
0x51: {  	_ =	shalt  }
0x52: {  	_ =	shalt  }
0x53: {  	_ =	shalt  }
0x54: {  	_ =	shalt  }
0x55: {  	_ =	shalt  }
0x56: {  	_ =	shalt  }
0x57: {  	_ =	shalt  }
0x58: {  	_ =	shalt  }
0x59: {  	_ =	shalt  }
0x5a: {  	_ =	shalt  }
0x5b: {  	_ =	shalt  }
0x5c: {  	_ =	shalt  }
0x5d: {  	_ =	shalt  }
0x5e: {  	_ =	shalt  }
0x5f: {  	_ =	shalt  }
0x60: {  	_ =	shalt  }
0x61: {  	_ =	shalt  }
0x62: {  	_ =	shalt  }
0x63: {  	_ =	shalt  }
0x64: {  	_ =	shalt  }
0x65: {  	_ =	shalt  }
0x66: {  	_ =	shalt  }
0x67: {  	_ =	shalt  }
0x68: {  	_ =	shalt  }
0x69: {  	_ =	shalt  }
0x6a: {  	_ =	shalt  }
0x6b: {  	_ =	shalt  }
0x6c: {  	_ =	shalt  }
0x6d: {  	_ =	shalt  }
0x6e: {  	_ =	shalt  }
0x6f: {  	_ =	shalt  }
0x70: {  	_ =	shalt  }
0x71: {  	_ =	shalt  }
0x72: {  	_ =	shalt  }
0x73: {  	_ =	shalt  }
0x74: {  	_ =	shalt  }
0x75: {  	_ =	shalt  }
0x76: {  	_ =	shalt  }
0x77: {  	_ =	shalt  }
0x78: {  	_ =	shalt  }
0x79: {  	_ =	shalt  }
0x7a: {  	_ =	shalt  }
0x7b: {  	_ =	shalt  }
0x7c: {  	_ =	shalt  }
0x7d: {  	_ =	shalt  }
0x7e: {  	_ =	shalt  }
0x7f: {  	_ =	shalt  }
0x80: {  	_ =	shalt  }
0x81: {  	_ =	shalt  }
0x82: {  	_ =	shalt  }
0x83: {  	_ =	shalt  }
0x84: {  	_ =	shalt  }
0x85: {  	_ =	shalt  }
0x86: {  	_ =	shalt  }
0x87: {  	_ =	shalt  }
.Lfunc_end0:
.L_simem_size_0:
called_computation.2_lowered:
.L_overlay_start_0:
0x88: {  	s2 =	sld [smem:$0x3FD9]  }
0x89: {  	s3 =	sld [smem:$0x3FFE];
	_ =	sdelay $0x1  }
0x8a: {  	s1 =	srdreg.scid  }
0x8b: {  	s0 =	sand.u32 $0x1, s1  }
0x8c: {  	s16 =	sshll.u32 s0, $0xA;
	s2 =	sadd.s32 s3, s2  }
0x8d: {  	s2 =	sadd.s32 s2, s16  }
0x8e: {  	[smem:$0x3FC0] =	sst s2  }
0x8f: {  	_ = 	snop  }
0x90: {  	(tm) =	ssettm $0x1  }
0x91: {  	s17 =	sld [smem:$0x3FFB];
	_ =	sdelay $0x3  }
0x92: {  	_ =	strace s17  }
0x93: {  	s2 =	sld [smem:$0x3FFC];
	_ =	sdelay $0x3  }
0x94: {  	_ =	strace s2  }
0x95: {  	s2 =	sld [smem:$0x3FFD];
	_ =	sdelay $0x3  }
0x96: {  	_ =	strace s2  }
0x97: {  	_ =	strace $0x8FFFFFFF  }
0x98: {  	s18 =	sld [smem:$0x3FDB];
	_ =	sdelay $0x1  }
0x99: {  	s19 =	simm.s32 $_scs_section_size  }
0x9a: {  	s4 =	simm.s32 $_size__tile_overlayer_lowered;
	s5 =	simm.s32 $_tile_overlayer_lowered  }
0x9b: {  	s22 =	simm.s32 $0x1BFF;
	s21 =	sshll.u32 s5, $0x1;
	s2 =	sadd.s32 s19, s18  }
0x9c: {  	s6 =	simm.s32 $0x0;
	s20 =	sshll.u32 s4, $0x1;
	s4 =	sadd.s32 s21, s2  }
0x9d: {  	[timem:s6], [sflag:s22] =	dma.local [hbm:s4], s20  }
0x9e: {  	_ =	swait.ge [sflag:s22], s20  }
0x9f: {  	s3 =	ssub.s32 $0x0, s20;
	[sflag:s22] =	ssyncset.done $0x0  }
0xa0: {  	[sflag:s22] =	ssyncadd.s32 s3;
	_ =	sdelay $0x1  }
0xa1: {  	s23 =	simm.s32 $0x1B8B  }
0xa2: {  	_ =	swait.ge [sflag:s23], $0x1  }
0xa3: {  	[sflag:s23] =	ssyncset.done $0x0  }
0xa4: {  	s25 =	simm.s32 $0x1B8E;
	s24 =	sld [smem:$0x3FFE];
	[sflag:s23] =	ssyncadd.s32 $0xFFFFFFFF  }
0xa5: {  	s26 =	simm.s32 $execute0_lowered;
	[smem:$0x3FD2] =	sst s25  }
0xa6: {  	s4 =	sshll.u32 s26, $0x1;
	_ =	strace $0x8000004C;
	[dreg:$0x1] =	wrdreg $0xFFFFFFFF  }
0xa7: {  	s28 =	simm.s32 $_size_execute0_lowered;
	s2 =	sadd.s32 s2, s4;
	[dreg:$0x0] =	wrdreg $0x0  }
0xa8: {  	s4 =	sshll.u32 s28, $0x1;
	[dreg:$0x2] =	wrdreg s2  }
0xa9: {  	[dreg:$0x3] =	wrdreg s4  }
0xaa: {  	[dreg:$0x4] =	wrdreg $0xC0  }
0xab: {  	_ =	task [dreg:s6], $0x5FFFF  }
0xac: {  	[dreg:$0x1] =	wrdreg $0xFFFFFFFF  }
0xad: {  	[dreg:$0x0] =	wrdreg $0x60  }
0xae: {  	[dreg:$0x2] =	wrdreg s24  }
0xaf: {  	[dreg:$0x3] =	wrdreg $0x98000  }
0xb0: {  	[dreg:$0x4] =	wrdreg $0x9  }
0xb1: {  	_ =	task.clear_ibuf [dreg:s6], $0x5FFFF;
	_ =	strace $0x9000004C  }
0xb2: {  	s29 =	simm.s32 $0x9;
	_ =	strace $0x8000004E  }
0xb3: {  	_ =	swait.ge [sflag:s29], $0x1  }
0xb4: {  	[sflag:s29] =	ssyncadd.s32 $0xFFFFFFFF  }
0xb5: {  	_ =	strace $0x9000004E  }
0xb6: {  	_ =	sfence  }
0xb7: {  	s30 =	sld [smem:$0x0];
	_ =	sdelay $0x2  }
0xb8: {  	s31 =	sshll.u32 s1, $0xD;
	s1 =	sshrl.u32 s1, $0x2  }
0xb9: {  	s3 =	sand.u32 $0x4000, s31;
	s1 =	sadd.s32 s1, s30  }
0xba: {  	s0 =	sor.u32 s3, s0;
	s1 =	sshll.u32 s1, $0x11  }
0xbb: {  	s0 =	sor.u32 s1, s0  }
0xbc: {  	s0 =	sadd.s32 $0x8F2B, s0  }
0xbd: {  	[sflag:s0] =	ssyncadd.remote.s32 $0x1  }
0xbe: {  	_ =	sfence.sel $0xFFFF  }
0xbf: {  	[dreg:$0x0] =	wrdreg $0xFFFFFFFF;
	(pc) =	sbr.abs _section_cstart, $3  }
0xc0: {  	[dreg:$0x1] =	wrdreg $0xFFFFFFFF  }
0xc1: {  	_ =	task.clear_ibuf [dreg:s6], $0x2FFFF;
	_ =	strace $0x9FFFFFFF  }
0xc2: {  	(tm) =	ssettm $0x7FFFFFFF  }
0xc3: {  	_ =	shalt  }
tec
execute0_lowered:
.L_overlay_start_1:
0x0: {  	(tag) =	ssettag $0x1  }
0x1: {  	s0 =	srdreg.scid;
	s8 =	stileid.u32  }
0x2: {  	s0 =	sand.u32 $0x1, s0;
	s3 =	smul.u32 $0xA000, s8  }
0x3: {  	s1 =	smul.u32 $0xA0000, s0  }
0x4: {  	s5 =	rddreg [dreg:$0x0]  }
0x5: {  	s2 =	rddreg [dreg:$0x1];
	s1 =	sadd.s32 s3, s1;
	s3 =	simm.s32 $0x0  }
0x6: {  	s6 =	simm.s32 $0x100;
	[smem:$0x7FF] =	sst s3  }
0x7: {  	s7 =	simm.s32 $0x180;
	_ =	strace $0x8000004D;
	[dreg:$0x6] =	wrdreg s6  }
0x8: {  	s9 =	simm.s32 $0x1080;
	[dreg:$0x7] =	wrdreg s7  }
0x9: {  	s10 =	simm.s32 $0x200;
	[dreg:$0x8] =	wrdreg s9  }
0xa: {  	s11 =	simm.s32 $0x1100;
	[dreg:$0x9] =	wrdreg s10  }
0xb: {  	s12 =	simm.s32 $0x280;
	[dreg:$0xa] =	wrdreg s11  }
0xc: {  	s13 =	simm.s32 $0x1180;
	[dreg:$0xb] =	wrdreg s12  }
0xd: {  	s14 =	simm.s32 $0x300;
	[dreg:$0xc] =	wrdreg s13  }
0xe: {  	s15 =	simm.s32 $0x1200;
	s16 =	simm.s32 $0x380;
	[dreg:$0xd] =	wrdreg s14  }
0xf: {  	s17 =	simm.s32 $0x1280;
	s18 =	simm.s32 $0x400;
	[dreg:$0xe] =	wrdreg s15  }
0x10: {  	s19 =	simm.s32 $0x1300;
	s20 =	simm.s32 $0x480;
	[dreg:$0xf] =	wrdreg s16  }
0x11: {  	s22 =	simm.s32 $0x1380;
	s24 =	simm.s32 $0x500;
	[dreg:$0x10] =	wrdreg s17  }
0x12: {  	s25 =	simm.s32 $0x1400;
	s28 =	simm.s32 $0x1A00;
	[dreg:$0x11] =	wrdreg s18  }
0x13: {  	s29 =	simm.s32 $0xB80;
	s23 =	smul.u32 $0x50000, s8;
	[dreg:$0x12] =	wrdreg s19  }
0x14: {  	s30 =	simm.s32 $0x1A80;
	s31 =	simm.s32 $0xC00;
	[dreg:$0x13] =	wrdreg s20  }
0x15: {  	s26 =	sshrl.u32 s23, $0x2;
	s23 =	simm.s32 $0x900;
	[dreg:$0x14] =	wrdreg s22  }
0x16: {  	s1 =	sshrl.u32 s1, $0x3;
	s6 =	smul.u32 $0x140000, s0;
	[dreg:$0x15] =	wrdreg s24  }
0x17: {  	s1 =	sadd.s32 s1, s5;
	s7 =	smul.u32 $0x14000, s8;
	[dreg:$0x16] =	wrdreg s25  }
0x18: {  	s9 =	sadd.s32 $0x2A000, s5;
	s0 =	ssub.s32 $0x2, s0;
	[smem:$0x7F8] =	sst s23  }
0x19: {  	s10 =	sshll.u32 s8, $0x6;
	s11 =	simm.s32 $0x600;
	[smem:$0x7F0] =	sst s9  }
0x1a: {  	s12 =	simm.s32 $0x1500;
	s13 =	simm.s32 $0x680;
	[dreg:$0x19] =	wrdreg s11  }
0x1b: {  	s14 =	simm.s32 $0x1580;
	s15 =	simm.s32 $0x700;
	[dreg:$0x1a] =	wrdreg s12  }
0x1c: {  	s16 =	simm.s32 $0x1600;
	s17 =	simm.s32 $0x780;
	[dreg:$0x1b] =	wrdreg s13  }
0x1d: {  	s18 =	simm.s32 $0x1680;
	s19 =	simm.s32 $0x800;
	[dreg:$0x1c] =	wrdreg s14  }
0x1e: {  	s20 =	simm.s32 $0x1700;
	s22 =	simm.s32 $0x1780;
	[dreg:$0x1d] =	wrdreg s15  }
0x1f: {  	s24 =	simm.s32 $0x1800;
	s25 =	simm.s32 $0x980;
	[dreg:$0x1e] =	wrdreg s16  }
0x20: {  	s23 =	simm.s32 $0x1900;
	s4 =	sadd.s32 $0x7C800, s1;
	[dreg:$0x1f] =	wrdreg s17  }
0x21: {  	s1 =	sadd.s32 $0xA4800, s1;
	s21 =	sshrl.u32 s0, $0x1;
	[smem:$0x7F3] =	sst s18  }
0x22: {  	s9 =	simm.s32 $0x1480;
	s11 =	simm.s32 $0x1000;
	[smem:$0x7F4] =	sst s19  }
0x23: {  	s12 =	simm.s32 $0x50;
	s13 =	simm.s32 $0x2000;
	[smem:$0x7F5] =	sst s20  }
0x24: {  	s14 =	simm.s32 $0x4800;
	s15 =	simm.s32 $0x7000;
	[smem:$0x7F7] =	sst s22  }
0x25: {  	s16 =	simm.s32 $0x1;
	s17 =	simm.s32 $0x4;
	[smem:$0x7F9] =	sst s24  }
0x26: {  	s18 =	simm.s32 $0x2;
	s19 =	simm.s32 $0x5;
	[smem:$0x7FA] =	sst s25  }
0x27: {  	s20 =	simm.s32 $0x3;
	s22 =	simm.s32 $0xA00;
	[dreg:$0x3] =	wrdreg s4  }
0x28: {  	s24 =	simm.s32 $0xA80;
	s25 =	simm.s32 $0x1980;
	[dreg:$0x4] =	wrdreg s1  }
0x29: {  	s4 =	simm.s32 $0x80;
	s6 =	sadd.s32 s7, s6;
	s0 =	ssub.s32 s0, s21  }
0x2a: {  	s7 =	simm.s32 $0x580;
	[dreg:$0x18] =	wrdreg s9;
	s21 =	simm.s32 $0x880  }
0x2b: {  	s1 =	simm.s32 $0x1B00;
	s9 =	simm.s32 $0x0;
	[dreg:$0x5] =	wrdreg s4  }
0x2c: {  	s4 =	sadd.s32 $0x2C800, s5;
	s6 =	sshrl.u32 s6, $0x3;
	[dreg:$0x17] =	wrdreg s7  }
0x2d: {  	s7 =	sor.u32 $0x1C07, s10;
	s0 =	smax.u32 s0, $0x1;
	[smem:$0x7F6] =	sst s21  }
0x2e: {  	s10 =	simm.s32 $0x7;
	s5 =	sadd.s32 s6, s5;
	[smem:$0x7F2] =	sst s0  }
0x2f: {  	s6 =	sadd.s32 s26, s2;
	s26 =	simm.s32 $0x1880;
	[smem:$0x7FC] =	sst s7  }
0x30: {  	s21 =	simm.s32 $0x6;
	s5 =	sadd.s32 $0xCC800, s5;
	[smem:$0x7FB] =	sst s26  }
0x31: {  	s0 =	simm.s32 $0x1B80;
	s8 =	sshrl.u32 s6, $0x3;
	[smem:$0x7F1] =	sst s5  }
0x32: {  	s26 =	simm.s32 $0xB00;
	s5 =	simm.s32 $0x1C00;
	[smem:$0x7FD] =	sst s8  }
.LBB2_1:
0x33: {  	s6 =	sld [smem:$0x7F0];
	_ =	sdelay $0x1  }
0x34: {  	[smem:$0x7EF] =	sst s9  }
0x35: {  	[spmem:s8], [sflag:s7] =	dma.local [hbm:s6], $0x2800  }
0x36: {  	_ =	swait.ge [sflag:s10], $0x2800  }
0x37: {  	[sflag:s10] =	ssyncset.done $0x0  }
0x38: {  	[sflag:s10] =	ssyncadd.s32 $0xFFFFD800  }
0x39: {  	[bflag:$0x0] =	sbarrier.arrive $0xFFFF  }
0x3a: {  	s7 =	rddreg [dreg:$0x4]  }
0x3b: {  	s6 =	sadd.s32 $0x0, s7  }
0x3c: {  	[tilespmem:s3], [sflag:$0x7] =	stream.linear.gather [hbm4b:s6+s3], $0xC80, $0x38;
	[tilespmem:$0x1D800] =	vst v63  }
0x3d: {  	_ =	swait.ge [sflag:s10], $0xC80  }
0x3e: {  	s8 =	rddreg [dreg:$0x3];
	[sflag:s10] =	ssyncset.done $0x0  }
0x3f: {  	[sflag:s10] =	ssyncadd.s32 $0xFFFFF380;
	s6 =	sadd.s32 $0x0, s8  }
0x40: {  	[tilespmem:s11], [sflag:$0x7] =	stream.linear.gather [hbm4b:s6+s3], $0xC80, $0x38;
	[tilespmem:$0x1D800] =	vst v63  }
0x41: {  	_ =	swait.ge [sflag:s10], $0xC80  }
0x42: {  	[sflag:s10] =	ssyncset.done $0x0  }
0x43: {  	[sflag:s10] =	ssyncadd.s32 $0xFFFFF380  }
0x44: {  	[tilespmem:s13], [sflag:$0x1] =	stream.indirect.gather [hbm4b:s4+s12], $0x80, s3, s12, $0xb8;
	[tilespmem:$0x1D800] =	vst v63  }
0x45: {  	s9 =	rddreg [dreg:$0x5]  }
0x46: {  	[tilespmem:s14], [sflag:$0x2] =	stream.indirect.gather [hbm4b:s4+s12], $0x80, s9, s12, $0xb8;
	[tilespmem:$0x1D800] =	vst v63  }
0x47: {  	s7 =	rddreg [dreg:$0x6]  }
0x48: {  	[tilespmem:s15], [sflag:$0x3] =	stream.indirect.gather [hbm4b:s4+s12], $0x80, s7, s12, $0xb8;
	[tilespmem:$0x1D800] =	vst v63  }
0x49: {  	_ =	swait.ge [sflag:s16], $0x2800  }
0x4a: {  	[sflag:s16] =	ssyncset.done $0x0  }
0x4b: {  	[sflag:s16] =	ssyncadd.s32 $0xFFFFD800  }
0x4c: {  	[spmem:s2] =	stream.indirect.scatter.add.f32 [tilespmem:s13], [sflag:$0x4], $0x80, s11, s12, $0xb8;
	[tilespmem:$0x1D800] =	vst v63  }
0x4d: {  	_ =	swait.ge [sflag:s17], $0x2800  }
0x4e: {  	[sflag:s17] =	ssyncset.done $0x0  }
0x4f: {  	s9 =	rddreg [dreg:$0x7];
	[sflag:s17] =	ssyncadd.s32 $0xFFFFD800  }
0x50: {  	[tilespmem:s13], [sflag:$0x1] =	stream.indirect.gather [hbm4b:s4+s12], $0x80, s9, s12, $0xb8;
	[tilespmem:$0x1D800] =	vst v63  }
0x51: {  	_ =	swait.ge [sflag:s18], $0x2800  }
0x52: {  	[sflag:s18] =	ssyncset.done $0x0  }
0x53: {  	s7 =	rddreg [dreg:$0x8];
	[sflag:s18] =	ssyncadd.s32 $0xFFFFD800  }
0x54: {  	[spmem:s2] =	stream.indirect.scatter.add.f32 [tilespmem:s14], [sflag:$0x5], $0x80, s7, s12, $0xb8;
	[tilespmem:$0x1D800] =	vst v63  }
0x55: {  	_ =	swait.ge [sflag:s19], $0x2800  }
0x56: {  	[sflag:s19] =	ssyncset.done $0x0  }
0x57: {  	s8 =	rddreg [dreg:$0x9];
	[sflag:s19] =	ssyncadd.s32 $0xFFFFD800  }
0x58: {  	[tilespmem:s14], [sflag:$0x2] =	stream.indirect.gather [hbm4b:s4+s12], $0x80, s8, s12, $0xb8;
	[tilespmem:$0x1D800] =	vst v63  }
0x59: {  	_ =	swait.ge [sflag:s20], $0x2800  }
0x5a: {  	[sflag:s20] =	ssyncset.done $0x0  }
0x5b: {  	s9 =	rddreg [dreg:$0xa];
	[sflag:s20] =	ssyncadd.s32 $0xFFFFD800  }
0x5c: {  	[spmem:s2] =	stream.indirect.scatter.add.f32 [tilespmem:s15], [sflag:$0x6], $0x80, s9, s12, $0xb8;
	[tilespmem:$0x1D800] =	vst v63  }
0x5d: {  	_ =	swait.ge [sflag:s21], $0x2800  }
0x5e: {  	[sflag:s21] =	ssyncset.done $0x0  }
0x5f: {  	s7 =	rddreg [dreg:$0xb];
	[sflag:s21] =	ssyncadd.s32 $0xFFFFD800  }
0x60: {  	[tilespmem:s15], [sflag:$0x3] =	stream.indirect.gather [hbm4b:s4+s12], $0x80, s7, s12, $0xb8;
	[tilespmem:$0x1D800] =	vst v63  }
0x61: {  	_ =	swait.ge [sflag:s16], $0x2800  }
0x62: {  	[sflag:s16] =	ssyncset.done $0x0  }
0x63: {  	s8 =	rddreg [dreg:$0xc];
	[sflag:s16] =	ssyncadd.s32 $0xFFFFD800  }
0x64: {  	[spmem:s2] =	stream.indirect.scatter.add.f32 [tilespmem:s13], [sflag:$0x4], $0x80, s8, s12, $0xb8;
	[tilespmem:$0x1D800] =	vst v63  }
0x65: {  	_ =	swait.ge [sflag:s17], $0x2800  }
0x66: {  	[sflag:s17] =	ssyncset.done $0x0  }
0x67: {  	s9 =	rddreg [dreg:$0xd];
	[sflag:s17] =	ssyncadd.s32 $0xFFFFD800  }
0x68: {  	[tilespmem:s13], [sflag:$0x1] =	stream.indirect.gather [hbm4b:s4+s12], $0x80, s9, s12, $0xb8;
	[tilespmem:$0x1D800] =	vst v63  }
0x69: {  	_ =	swait.ge [sflag:s18], $0x2800  }
0x6a: {  	[sflag:s18] =	ssyncset.done $0x0  }
0x6b: {  	s7 =	rddreg [dreg:$0xe];
	[sflag:s18] =	ssyncadd.s32 $0xFFFFD800  }
0x6c: {  	[spmem:s2] =	stream.indirect.scatter.add.f32 [tilespmem:s14], [sflag:$0x5], $0x80, s7, s12, $0xb8;
	[tilespmem:$0x1D800] =	vst v63  }
0x6d: {  	_ =	swait.ge [sflag:s19], $0x2800  }
0x6e: {  	[sflag:s19] =	ssyncset.done $0x0  }
0x6f: {  	s8 =	rddreg [dreg:$0xf];
	[sflag:s19] =	ssyncadd.s32 $0xFFFFD800  }
0x70: {  	[tilespmem:s14], [sflag:$0x2] =	stream.indirect.gather [hbm4b:s4+s12], $0x80, s8, s12, $0xb8;
	[tilespmem:$0x1D800] =	vst v63  }
0x71: {  	_ =	swait.ge [sflag:s20], $0x2800  }
0x72: {  	[sflag:s20] =	ssyncset.done $0x0  }
0x73: {  	s9 =	rddreg [dreg:$0x10];
	[sflag:s20] =	ssyncadd.s32 $0xFFFFD800  }
0x74: {  	[spmem:s2] =	stream.indirect.scatter.add.f32 [tilespmem:s15], [sflag:$0x6], $0x80, s9, s12, $0xb8;
	[tilespmem:$0x1D800] =	vst v63  }
0x75: {  	_ =	swait.ge [sflag:s21], $0x2800  }
0x76: {  	[sflag:s21] =	ssyncset.done $0x0  }
0x77: {  	s7 =	rddreg [dreg:$0x11];
	[sflag:s21] =	ssyncadd.s32 $0xFFFFD800  }
0x78: {  	[tilespmem:s15], [sflag:$0x3] =	stream.indirect.gather [hbm4b:s4+s12], $0x80, s7, s12, $0xb8;
	[tilespmem:$0x1D800] =	vst v63  }
0x79: {  	_ =	swait.ge [sflag:s16], $0x2800  }
0x7a: {  	[sflag:s16] =	ssyncset.done $0x0  }
0x7b: {  	s8 =	rddreg [dreg:$0x12];
	[sflag:s16] =	ssyncadd.s32 $0xFFFFD800  }
0x7c: {  	[spmem:s2] =	stream.indirect.scatter.add.f32 [tilespmem:s13], [sflag:$0x4], $0x80, s8, s12, $0xb8;
	[tilespmem:$0x1D800] =	vst v63  }
0x7d: {  	_ =	swait.ge [sflag:s17], $0x2800  }
0x7e: {  	[sflag:s17] =	ssyncset.done $0x0  }
0x7f: {  	s9 =	rddreg [dreg:$0x13];
	[sflag:s17] =	ssyncadd.s32 $0xFFFFD800  }
0x80: {  	[tilespmem:s13], [sflag:$0x1] =	stream.indirect.gather [hbm4b:s4+s12], $0x80, s9, s12, $0xb8;
	[tilespmem:$0x1D800] =	vst v63  }
0x81: {  	_ =	swait.ge [sflag:s18], $0x2800  }
0x82: {  	[sflag:s18] =	ssyncset.done $0x0  }
0x83: {  	s7 =	rddreg [dreg:$0x14];
	[sflag:s18] =	ssyncadd.s32 $0xFFFFD800  }
0x84: {  	[spmem:s2] =	stream.indirect.scatter.add.f32 [tilespmem:s14], [sflag:$0x5], $0x80, s7, s12, $0xb8;
	[tilespmem:$0x1D800] =	vst v63  }
0x85: {  	_ =	swait.ge [sflag:s19], $0x2800  }
0x86: {  	[sflag:s19] =	ssyncset.done $0x0  }
0x87: {  	s8 =	rddreg [dreg:$0x15];
	[sflag:s19] =	ssyncadd.s32 $0xFFFFD800  }
0x88: {  	[tilespmem:s14], [sflag:$0x2] =	stream.indirect.gather [hbm4b:s4+s12], $0x80, s8, s12, $0xb8;
	[tilespmem:$0x1D800] =	vst v63  }
0x89: {  	_ =	swait.ge [sflag:s20], $0x2800  }
0x8a: {  	[sflag:s20] =	ssyncset.done $0x0  }
0x8b: {  	s9 =	rddreg [dreg:$0x16];
	[sflag:s20] =	ssyncadd.s32 $0xFFFFD800  }
0x8c: {  	[spmem:s2] =	stream.indirect.scatter.add.f32 [tilespmem:s15], [sflag:$0x6], $0x80, s9, s12, $0xb8;
	[tilespmem:$0x1D800] =	vst v63  }
0x8d: {  	_ =	swait.ge [sflag:s21], $0x2800  }
0x8e: {  	[sflag:s21] =	ssyncset.done $0x0  }
0x8f: {  	s7 =	rddreg [dreg:$0x17];
	[sflag:s21] =	ssyncadd.s32 $0xFFFFD800  }
0x90: {  	[tilespmem:s15], [sflag:$0x3] =	stream.indirect.gather [hbm4b:s4+s12], $0x80, s7, s12, $0xb8;
	[tilespmem:$0x1D800] =	vst v63  }
0x91: {  	_ =	swait.ge [sflag:s16], $0x2800  }
0x92: {  	[sflag:s16] =	ssyncset.done $0x0  }
0x93: {  	s8 =	rddreg [dreg:$0x18];
	[sflag:s16] =	ssyncadd.s32 $0xFFFFD800  }
0x94: {  	[spmem:s2] =	stream.indirect.scatter.add.f32 [tilespmem:s13], [sflag:$0x4], $0x80, s8, s12, $0xb8;
	[tilespmem:$0x1D800] =	vst v63  }
0x95: {  	_ =	swait.ge [sflag:s17], $0x2800  }
0x96: {  	[sflag:s17] =	ssyncset.done $0x0  }
0x97: {  	s9 =	rddreg [dreg:$0x19];
	[sflag:s17] =	ssyncadd.s32 $0xFFFFD800  }
0x98: {  	[tilespmem:s13], [sflag:$0x1] =	stream.indirect.gather [hbm4b:s4+s12], $0x80, s9, s12, $0xb8;
	[tilespmem:$0x1D800] =	vst v63  }
0x99: {  	_ =	swait.ge [sflag:s18], $0x2800  }
0x9a: {  	[sflag:s18] =	ssyncset.done $0x0  }
0x9b: {  	s7 =	rddreg [dreg:$0x1a];
	[sflag:s18] =	ssyncadd.s32 $0xFFFFD800  }
0x9c: {  	[spmem:s2] =	stream.indirect.scatter.add.f32 [tilespmem:s14], [sflag:$0x5], $0x80, s7, s12, $0xb8;
	[tilespmem:$0x1D800] =	vst v63  }
0x9d: {  	_ =	swait.ge [sflag:s19], $0x2800  }
0x9e: {  	[sflag:s19] =	ssyncset.done $0x0  }
0x9f: {  	s8 =	rddreg [dreg:$0x1b];
	[sflag:s19] =	ssyncadd.s32 $0xFFFFD800  }
0xa0: {  	[tilespmem:s14], [sflag:$0x2] =	stream.indirect.gather [hbm4b:s4+s12], $0x80, s8, s12, $0xb8;
	[tilespmem:$0x1D800] =	vst v63  }
0xa1: {  	_ =	swait.ge [sflag:s20], $0x2800  }
0xa2: {  	[sflag:s20] =	ssyncset.done $0x0  }
0xa3: {  	s9 =	rddreg [dreg:$0x1c];
	[sflag:s20] =	ssyncadd.s32 $0xFFFFD800  }
0xa4: {  	[spmem:s2] =	stream.indirect.scatter.add.f32 [tilespmem:s15], [sflag:$0x6], $0x80, s9, s12, $0xb8;
	[tilespmem:$0x1D800] =	vst v63  }
0xa5: {  	_ =	swait.ge [sflag:s21], $0x2800  }
0xa6: {  	[sflag:s21] =	ssyncset.done $0x0  }
0xa7: {  	s7 =	rddreg [dreg:$0x1d];
	[sflag:s21] =	ssyncadd.s32 $0xFFFFD800  }
0xa8: {  	[tilespmem:s15], [sflag:$0x3] =	stream.indirect.gather [hbm4b:s4+s12], $0x80, s7, s12, $0xb8;
	[tilespmem:$0x1D800] =	vst v63  }
0xa9: {  	_ =	swait.ge [sflag:s16], $0x2800  }
0xaa: {  	[sflag:s16] =	ssyncset.done $0x0  }
0xab: {  	s8 =	rddreg [dreg:$0x1e];
	[sflag:s16] =	ssyncadd.s32 $0xFFFFD800  }
0xac: {  	[spmem:s2] =	stream.indirect.scatter.add.f32 [tilespmem:s13], [sflag:$0x4], $0x80, s8, s12, $0xb8;
	[tilespmem:$0x1D800] =	vst v63  }
0xad: {  	_ =	swait.ge [sflag:s17], $0x2800  }
0xae: {  	[sflag:s17] =	ssyncset.done $0x0  }
0xaf: {  	s9 =	rddreg [dreg:$0x1f];
	[sflag:s17] =	ssyncadd.s32 $0xFFFFD800  }
0xb0: {  	[tilespmem:s13], [sflag:$0x1] =	stream.indirect.gather [hbm4b:s4+s12], $0x80, s9, s12, $0xb8;
	[tilespmem:$0x1D800] =	vst v63  }
0xb1: {  	_ =	swait.ge [sflag:s18], $0x2800  }
0xb2: {  	s7 =	sld [smem:$0x7F3]  }
0xb3: {  	[sflag:s18] =	ssyncset.done $0x0  }
0xb4: {  	[sflag:s18] =	ssyncadd.s32 $0xFFFFD800  }
0xb5: {  	[spmem:s2] =	stream.indirect.scatter.add.f32 [tilespmem:s14], [sflag:$0x5], $0x80, s7, s12, $0xb8;
	[tilespmem:$0x1D800] =	vst v63  }
0xb6: {  	_ =	swait.ge [sflag:s19], $0x2800  }
0xb7: {  	s8 =	sld [smem:$0x7F4]  }
0xb8: {  	[sflag:s19] =	ssyncset.done $0x0  }
0xb9: {  	[sflag:s19] =	ssyncadd.s32 $0xFFFFD800  }
0xba: {  	[tilespmem:s14], [sflag:$0x2] =	stream.indirect.gather [hbm4b:s4+s12], $0x80, s8, s12, $0xb8;
	[tilespmem:$0x1D800] =	vst v63  }
0xbb: {  	_ =	swait.ge [sflag:s20], $0x2800  }
0xbc: {  	s9 =	sld [smem:$0x7F5]  }
0xbd: {  	[sflag:s20] =	ssyncset.done $0x0  }
0xbe: {  	[sflag:s20] =	ssyncadd.s32 $0xFFFFD800  }
0xbf: {  	[spmem:s2] =	stream.indirect.scatter.add.f32 [tilespmem:s15], [sflag:$0x6], $0x80, s9, s12, $0xb8;
	[tilespmem:$0x1D800] =	vst v63  }
0xc0: {  	_ =	swait.ge [sflag:s21], $0x2800  }
0xc1: {  	s7 =	sld [smem:$0x7F6]  }
0xc2: {  	[sflag:s21] =	ssyncset.done $0x0  }
0xc3: {  	[sflag:s21] =	ssyncadd.s32 $0xFFFFD800  }
0xc4: {  	[tilespmem:s15], [sflag:$0x3] =	stream.indirect.gather [hbm4b:s4+s12], $0x80, s7, s12, $0xb8;
	[tilespmem:$0x1D800] =	vst v63  }
0xc5: {  	_ =	swait.ge [sflag:s16], $0x2800  }
0xc6: {  	s8 =	sld [smem:$0x7F7]  }
0xc7: {  	[sflag:s16] =	ssyncset.done $0x0  }
0xc8: {  	[sflag:s16] =	ssyncadd.s32 $0xFFFFD800  }
0xc9: {  	[spmem:s2] =	stream.indirect.scatter.add.f32 [tilespmem:s13], [sflag:$0x4], $0x80, s8, s12, $0xb8;
	[tilespmem:$0x1D800] =	vst v63  }
0xca: {  	_ =	swait.ge [sflag:s17], $0x2800  }
0xcb: {  	s9 =	sld [smem:$0x7F8]  }
0xcc: {  	[sflag:s17] =	ssyncset.done $0x0  }
0xcd: {  	[sflag:s17] =	ssyncadd.s32 $0xFFFFD800  }
0xce: {  	[tilespmem:s13], [sflag:$0x1] =	stream.indirect.gather [hbm4b:s4+s12], $0x80, s9, s12, $0xb8;
	[tilespmem:$0x1D800] =	vst v63  }
0xcf: {  	_ =	swait.ge [sflag:s18], $0x2800  }
0xd0: {  	s7 =	sld [smem:$0x7F9]  }
0xd1: {  	[sflag:s18] =	ssyncset.done $0x0  }
0xd2: {  	[sflag:s18] =	ssyncadd.s32 $0xFFFFD800  }
0xd3: {  	[spmem:s2] =	stream.indirect.scatter.add.f32 [tilespmem:s14], [sflag:$0x5], $0x80, s7, s12, $0xb8;
	[tilespmem:$0x1D800] =	vst v63  }
0xd4: {  	_ =	swait.ge [sflag:s19], $0x2800  }
0xd5: {  	s8 =	sld [smem:$0x7FA]  }
0xd6: {  	[sflag:s19] =	ssyncset.done $0x0  }
0xd7: {  	[sflag:s19] =	ssyncadd.s32 $0xFFFFD800  }
0xd8: {  	[tilespmem:s14], [sflag:$0x2] =	stream.indirect.gather [hbm4b:s4+s12], $0x80, s8, s12, $0xb8;
	[tilespmem:$0x1D800] =	vst v63  }
0xd9: {  	_ =	swait.ge [sflag:s20], $0x2800  }
0xda: {  	s9 =	sld [smem:$0x7FB]  }
0xdb: {  	[sflag:s20] =	ssyncset.done $0x0  }
0xdc: {  	[sflag:s20] =	ssyncadd.s32 $0xFFFFD800  }
0xdd: {  	[spmem:s2] =	stream.indirect.scatter.add.f32 [tilespmem:s15], [sflag:$0x6], $0x80, s9, s12, $0xb8;
	[tilespmem:$0x1D800] =	vst v63  }
0xde: {  	_ =	swait.ge [sflag:s21], $0x2800  }
0xdf: {  	[sflag:s21] =	ssyncset.done $0x0  }
0xe0: {  	[sflag:s21] =	ssyncadd.s32 $0xFFFFD800  }
0xe1: {  	[tilespmem:s15], [sflag:$0x3] =	stream.indirect.gather [hbm4b:s4+s12], $0x80, s22, s12, $0xb8;
	[tilespmem:$0x1D800] =	vst v63  }
0xe2: {  	_ =	swait.ge [sflag:s16], $0x2800  }
0xe3: {  	[sflag:s16] =	ssyncset.done $0x0  }
0xe4: {  	[sflag:s16] =	ssyncadd.s32 $0xFFFFD800  }
0xe5: {  	[spmem:s2] =	stream.indirect.scatter.add.f32 [tilespmem:s13], [sflag:$0x4], $0x80, s23, s12, $0xb8;
	[tilespmem:$0x1D800] =	vst v63  }
0xe6: {  	_ =	swait.ge [sflag:s17], $0x2800  }
0xe7: {  	[sflag:s17] =	ssyncset.done $0x0  }
0xe8: {  	[sflag:s17] =	ssyncadd.s32 $0xFFFFD800  }
0xe9: {  	[tilespmem:s13], [sflag:$0x1] =	stream.indirect.gather [hbm4b:s4+s12], $0x80, s24, s12, $0xb8;
	[tilespmem:$0x1D800] =	vst v63  }
0xea: {  	_ =	swait.ge [sflag:s18], $0x2800  }
0xeb: {  	[sflag:s18] =	ssyncset.done $0x0  }
0xec: {  	[sflag:s18] =	ssyncadd.s32 $0xFFFFD800  }
0xed: {  	[spmem:s2] =	stream.indirect.scatter.add.f32 [tilespmem:s14], [sflag:$0x5], $0x80, s25, s12, $0xb8;
	[tilespmem:$0x1D800] =	vst v63  }
0xee: {  	_ =	swait.ge [sflag:s19], $0x2800  }
0xef: {  	[sflag:s19] =	ssyncset.done $0x0  }
0xf0: {  	[sflag:s19] =	ssyncadd.s32 $0xFFFFD800  }
0xf1: {  	[tilespmem:s14], [sflag:$0x2] =	stream.indirect.gather [hbm4b:s4+s12], $0x80, s26, s12, $0xb8;
	[tilespmem:$0x1D800] =	vst v63  }
0xf2: {  	_ =	swait.ge [sflag:s20], $0x2800  }
0xf3: {  	[sflag:s20] =	ssyncset.done $0x0  }
0xf4: {  	[sflag:s20] =	ssyncadd.s32 $0xFFFFD800  }
0xf5: {  	[spmem:s2] =	stream.indirect.scatter.add.f32 [tilespmem:s15], [sflag:$0x6], $0x80, s28, s12, $0xb8;
	[tilespmem:$0x1D800] =	vst v63  }
0xf6: {  	_ =	swait.ge [sflag:s21], $0x2800  }
0xf7: {  	[sflag:s21] =	ssyncset.done $0x0  }
0xf8: {  	[sflag:s21] =	ssyncadd.s32 $0xFFFFD800  }
0xf9: {  	[tilespmem:s15], [sflag:$0x3] =	stream.indirect.gather [hbm4b:s4+s12], $0x80, s29, s12, $0xb8;
	[tilespmem:$0x1D800] =	vst v63  }
0xfa: {  	_ =	swait.ge [sflag:s16], $0x2800  }
0xfb: {  	[sflag:s16] =	ssyncset.done $0x0  }
0xfc: {  	[sflag:s16] =	ssyncadd.s32 $0xFFFFD800  }
0xfd: {  	[spmem:s2] =	stream.indirect.scatter.add.f32 [tilespmem:s13], [sflag:$0x4], $0x80, s30, s12, $0xb8;
	[tilespmem:$0x1D800] =	vst v63  }
0xfe: {  	_ =	swait.ge [sflag:s17], $0x2800  }
0xff: {  	[sflag:s17] =	ssyncset.done $0x0  }
0x100: {  	[sflag:s17] =	ssyncadd.s32 $0xFFFFD800  }
0x101: {  	[tilespmem:s13], [sflag:$0x1] =	stream.indirect.gather [hbm4b:s4+s12], $0x80, s31, s12, $0xb8;
	[tilespmem:$0x1D800] =	vst v63  }
0x102: {  	_ =	swait.ge [sflag:s18], $0x2800  }
0x103: {  	[sflag:s18] =	ssyncset.done $0x0  }
0x104: {  	[sflag:s18] =	ssyncadd.s32 $0xFFFFD800  }
0x105: {  	[spmem:s2] =	stream.indirect.scatter.add.f32 [tilespmem:s14], [sflag:$0x5], $0x80, s1, s12, $0xb8;
	[tilespmem:$0x1D800] =	vst v63  }
0x106: {  	_ =	swait.ge [sflag:s19], $0x2800  }
0x107: {  	[sflag:s19] =	ssyncset.done $0x0  }
0x108: {  	[sflag:s19] =	ssyncadd.s32 $0xFFFFD800  }
0x109: {  	[tilespmem:s14], [sflag:$0x2] =	stream.indirect.gather [hbm4b:s4+s12], $0x80, s3, s12, $0xb8;
	[tilespmem:$0x1D800] =	vst v63  }
0x10a: {  	_ =	swait.ge [sflag:s20], $0x2800  }
0x10b: {  	[sflag:s20] =	ssyncset.done $0x0  }
0x10c: {  	[sflag:s20] =	ssyncadd.s32 $0xFFFFD800  }
0x10d: {  	[spmem:s2] =	stream.indirect.scatter.add.f32 [tilespmem:s15], [sflag:$0x6], $0x80, s0, s12, $0xb8;
	[tilespmem:$0x1D800] =	vst v63  }
0x10e: {  	_ =	swait.ge [sflag:s21], $0x2800  }
0x10f: {  	[sflag:s21] =	ssyncset.done $0x0  }
0x110: {  	[sflag:s21] =	ssyncadd.s32 $0xFFFFD800  }
0x111: {  	[tilespmem:s15], [sflag:$0x3] =	stream.indirect.gather [hbm4b:s4+s12], $0x80, s3, s12, $0xb8;
	[tilespmem:$0x1D800] =	vst v63  }
0x112: {  	_ =	swait.ge [sflag:s16], $0x2800  }
0x113: {  	[sflag:s16] =	ssyncset.done $0x0  }
0x114: {  	[sflag:s16] =	ssyncadd.s32 $0xFFFFD800  }
0x115: {  	[spmem:s2] =	stream.indirect.scatter.add.f32 [tilespmem:s13], [sflag:$0x4], $0x80, s5, s12, $0xb8;
	[tilespmem:$0x1D800] =	vst v63  }
0x116: {  	_ =	swait.ge [sflag:s17], $0x2800  }
0x117: {  	[sflag:s17] =	ssyncset.done $0x0  }
0x118: {  	[sflag:s17] =	ssyncadd.s32 $0xFFFFD800  }
0x119: {  	_ =	swait.ge [sflag:s18], $0x2800  }
0x11a: {  	[sflag:s18] =	ssyncset.done $0x0  }
0x11b: {  	[sflag:s18] =	ssyncadd.s32 $0xFFFFD800  }
0x11c: {  	s6 =	simm.s32 $0x400;
	_ =	swait.ge [sflag:s20], $0x2800  }
0x11d: {  	s8 =	simm.s32 $0x200;
	s9 =	rddreg [dreg:$0x4];
	[sflag:s20] =	ssyncset.done $0x0  }
.LBB2_2:
0x11e: {  	[sflag:s20] =	ssyncadd.s32 $0xFFFFD800;
	s9 =	sadd.s32 s8, s9  }
0x11f: {  	[tilespmem:s3], [sflag:$0x7] =	stream.linear.gather [hbm4b:s9+s3], $0xC80, $0x38;
	[tilespmem:$0x1D800] =	vst v63  }
0x120: {  	_ =	swait.ge [sflag:s10], $0xC80  }
0x121: {  	s9 =	rddreg [dreg:$0x3];
	[sflag:s10] =	ssyncset.done $0x0  }
0x122: {  	[sflag:s10] =	ssyncadd.s32 $0xFFFFF380;
	s9 =	sadd.s32 s8, s9  }
0x123: {  	[tilespmem:s11], [sflag:$0x7] =	stream.linear.gather [hbm4b:s9+s3], $0xC80, $0x38;
	[tilespmem:$0x1D800] =	vst v63  }
0x124: {  	_ =	swait.ge [sflag:s10], $0xC80  }
0x125: {  	[sflag:s10] =	ssyncset.done $0x0  }
0x126: {  	s7 =	smov.u32 s6;
	[sflag:s10] =	ssyncadd.s32 $0xFFFFF380  }
0x127: {  	[tilespmem:s13], [sflag:$0x1] =	stream.indirect.gather [hbm4b:s4+s12], $0x80, s3, s12, $0xb8;
	[tilespmem:$0x1D800] =	vst v63  }
0x128: {  	s8 =	smov.u32 s7;
	s7 =	rddreg [dreg:$0x5]  }
0x129: {  	[tilespmem:s14], [sflag:$0x2] =	stream.indirect.gather [hbm4b:s4+s12], $0x80, s7, s12, $0xb8;
	[tilespmem:$0x1D800] =	vst v63  }
0x12a: {  	s9 =	rddreg [dreg:$0x6]  }
0x12b: {  	[tilespmem:s15], [sflag:$0x3] =	stream.indirect.gather [hbm4b:s4+s12], $0x80, s9, s12, $0xb8;
	[tilespmem:$0x1D800] =	vst v63  }
0x12c: {  	_ =	swait.ge [sflag:s16], $0x2800  }
0x12d: {  	[sflag:s16] =	ssyncset.done $0x0  }
0x12e: {  	[sflag:s16] =	ssyncadd.s32 $0xFFFFD800  }
0x12f: {  	[spmem:s2] =	stream.indirect.scatter.add.f32 [tilespmem:s13], [sflag:$0x4], $0x80, s11, s12, $0xb8;
	[tilespmem:$0x1D800] =	vst v63  }
0x130: {  	_ =	swait.ge [sflag:s17], $0x2800  }
0x131: {  	[sflag:s17] =	ssyncset.done $0x0  }
0x132: {  	s9 =	rddreg [dreg:$0x7];
	[sflag:s17] =	ssyncadd.s32 $0xFFFFD800  }
0x133: {  	[tilespmem:s13], [sflag:$0x1] =	stream.indirect.gather [hbm4b:s4+s12], $0x80, s9, s12, $0xb8;
	[tilespmem:$0x1D800] =	vst v63  }
0x134: {  	_ =	swait.ge [sflag:s18], $0x2800  }
0x135: {  	[sflag:s18] =	ssyncset.done $0x0  }
0x136: {  	s9 =	rddreg [dreg:$0x8];
	[sflag:s18] =	ssyncadd.s32 $0xFFFFD800  }
0x137: {  	[spmem:s2] =	stream.indirect.scatter.add.f32 [tilespmem:s14], [sflag:$0x5], $0x80, s9, s12, $0xb8;
	[tilespmem:$0x1D800] =	vst v63  }
0x138: {  	_ =	swait.ge [sflag:s19], $0x2800  }
0x139: {  	[sflag:s19] =	ssyncset.done $0x0  }
0x13a: {  	s9 =	rddreg [dreg:$0x9];
	[sflag:s19] =	ssyncadd.s32 $0xFFFFD800  }
0x13b: {  	[tilespmem:s14], [sflag:$0x2] =	stream.indirect.gather [hbm4b:s4+s12], $0x80, s9, s12, $0xb8;
	[tilespmem:$0x1D800] =	vst v63  }
0x13c: {  	_ =	swait.ge [sflag:s20], $0x2800  }
0x13d: {  	[sflag:s20] =	ssyncset.done $0x0  }
0x13e: {  	s9 =	rddreg [dreg:$0xa];
	[sflag:s20] =	ssyncadd.s32 $0xFFFFD800  }
0x13f: {  	[spmem:s2] =	stream.indirect.scatter.add.f32 [tilespmem:s15], [sflag:$0x6], $0x80, s9, s12, $0xb8;
	[tilespmem:$0x1D800] =	vst v63  }
0x140: {  	_ =	swait.ge [sflag:s21], $0x2800  }
0x141: {  	[sflag:s21] =	ssyncset.done $0x0  }
0x142: {  	s9 =	rddreg [dreg:$0xb];
	[sflag:s21] =	ssyncadd.s32 $0xFFFFD800  }
0x143: {  	[tilespmem:s15], [sflag:$0x3] =	stream.indirect.gather [hbm4b:s4+s12], $0x80, s9, s12, $0xb8;
	[tilespmem:$0x1D800] =	vst v63  }
0x144: {  	_ =	swait.ge [sflag:s16], $0x2800  }
0x145: {  	[sflag:s16] =	ssyncset.done $0x0  }
0x146: {  	s9 =	rddreg [dreg:$0xc];
	[sflag:s16] =	ssyncadd.s32 $0xFFFFD800  }
0x147: {  	[spmem:s2] =	stream.indirect.scatter.add.f32 [tilespmem:s13], [sflag:$0x4], $0x80, s9, s12, $0xb8;
	[tilespmem:$0x1D800] =	vst v63  }
0x148: {  	_ =	swait.ge [sflag:s17], $0x2800  }
0x149: {  	[sflag:s17] =	ssyncset.done $0x0  }
0x14a: {  	s9 =	rddreg [dreg:$0xd];
	[sflag:s17] =	ssyncadd.s32 $0xFFFFD800  }
0x14b: {  	[tilespmem:s13], [sflag:$0x1] =	stream.indirect.gather [hbm4b:s4+s12], $0x80, s9, s12, $0xb8;
	[tilespmem:$0x1D800] =	vst v63  }
0x14c: {  	_ =	swait.ge [sflag:s18], $0x2800  }
0x14d: {  	[sflag:s18] =	ssyncset.done $0x0  }
0x14e: {  	s9 =	rddreg [dreg:$0xe];
	[sflag:s18] =	ssyncadd.s32 $0xFFFFD800  }
0x14f: {  	[spmem:s2] =	stream.indirect.scatter.add.f32 [tilespmem:s14], [sflag:$0x5], $0x80, s9, s12, $0xb8;
	[tilespmem:$0x1D800] =	vst v63  }
0x150: {  	_ =	swait.ge [sflag:s19], $0x2800  }
0x151: {  	[sflag:s19] =	ssyncset.done $0x0  }
0x152: {  	s9 =	rddreg [dreg:$0xf];
	[sflag:s19] =	ssyncadd.s32 $0xFFFFD800  }
0x153: {  	[tilespmem:s14], [sflag:$0x2] =	stream.indirect.gather [hbm4b:s4+s12], $0x80, s9, s12, $0xb8;
	[tilespmem:$0x1D800] =	vst v63  }
0x154: {  	_ =	swait.ge [sflag:s20], $0x2800  }
0x155: {  	[sflag:s20] =	ssyncset.done $0x0  }
0x156: {  	s9 =	rddreg [dreg:$0x10];
	[sflag:s20] =	ssyncadd.s32 $0xFFFFD800  }
0x157: {  	[spmem:s2] =	stream.indirect.scatter.add.f32 [tilespmem:s15], [sflag:$0x6], $0x80, s9, s12, $0xb8;
	[tilespmem:$0x1D800] =	vst v63  }
0x158: {  	_ =	swait.ge [sflag:s21], $0x2800  }
0x159: {  	[sflag:s21] =	ssyncset.done $0x0  }
0x15a: {  	s9 =	rddreg [dreg:$0x11];
	[sflag:s21] =	ssyncadd.s32 $0xFFFFD800  }
0x15b: {  	[tilespmem:s15], [sflag:$0x3] =	stream.indirect.gather [hbm4b:s4+s12], $0x80, s9, s12, $0xb8;
	[tilespmem:$0x1D800] =	vst v63  }
0x15c: {  	_ =	swait.ge [sflag:s16], $0x2800  }
0x15d: {  	[sflag:s16] =	ssyncset.done $0x0  }
0x15e: {  	s9 =	rddreg [dreg:$0x12];
	[sflag:s16] =	ssyncadd.s32 $0xFFFFD800  }
0x15f: {  	[spmem:s2] =	stream.indirect.scatter.add.f32 [tilespmem:s13], [sflag:$0x4], $0x80, s9, s12, $0xb8;
	[tilespmem:$0x1D800] =	vst v63  }
0x160: {  	_ =	swait.ge [sflag:s17], $0x2800  }
0x161: {  	[sflag:s17] =	ssyncset.done $0x0  }
0x162: {  	s9 =	rddreg [dreg:$0x13];
	[sflag:s17] =	ssyncadd.s32 $0xFFFFD800  }
0x163: {  	[tilespmem:s13], [sflag:$0x1] =	stream.indirect.gather [hbm4b:s4+s12], $0x80, s9, s12, $0xb8;
	[tilespmem:$0x1D800] =	vst v63  }
0x164: {  	_ =	swait.ge [sflag:s18], $0x2800  }
0x165: {  	[sflag:s18] =	ssyncset.done $0x0  }
0x166: {  	s9 =	rddreg [dreg:$0x14];
	[sflag:s18] =	ssyncadd.s32 $0xFFFFD800  }
0x167: {  	[spmem:s2] =	stream.indirect.scatter.add.f32 [tilespmem:s14], [sflag:$0x5], $0x80, s9, s12, $0xb8;
	[tilespmem:$0x1D800] =	vst v63  }
0x168: {  	_ =	swait.ge [sflag:s19], $0x2800  }
0x169: {  	[sflag:s19] =	ssyncset.done $0x0  }
0x16a: {  	s9 =	rddreg [dreg:$0x15];
	[sflag:s19] =	ssyncadd.s32 $0xFFFFD800  }
0x16b: {  	[tilespmem:s14], [sflag:$0x2] =	stream.indirect.gather [hbm4b:s4+s12], $0x80, s9, s12, $0xb8;
	[tilespmem:$0x1D800] =	vst v63  }
0x16c: {  	_ =	swait.ge [sflag:s20], $0x2800  }
0x16d: {  	[sflag:s20] =	ssyncset.done $0x0  }
0x16e: {  	s9 =	rddreg [dreg:$0x16];
	[sflag:s20] =	ssyncadd.s32 $0xFFFFD800  }
0x16f: {  	[spmem:s2] =	stream.indirect.scatter.add.f32 [tilespmem:s15], [sflag:$0x6], $0x80, s9, s12, $0xb8;
	[tilespmem:$0x1D800] =	vst v63  }
0x170: {  	_ =	swait.ge [sflag:s21], $0x2800  }
0x171: {  	[sflag:s21] =	ssyncset.done $0x0  }
0x172: {  	s9 =	rddreg [dreg:$0x17];
	[sflag:s21] =	ssyncadd.s32 $0xFFFFD800  }
0x173: {  	[tilespmem:s15], [sflag:$0x3] =	stream.indirect.gather [hbm4b:s4+s12], $0x80, s9, s12, $0xb8;
	[tilespmem:$0x1D800] =	vst v63  }
0x174: {  	_ =	swait.ge [sflag:s16], $0x2800  }
0x175: {  	[sflag:s16] =	ssyncset.done $0x0  }
0x176: {  	s9 =	rddreg [dreg:$0x18];
	[sflag:s16] =	ssyncadd.s32 $0xFFFFD800  }
0x177: {  	[spmem:s2] =	stream.indirect.scatter.add.f32 [tilespmem:s13], [sflag:$0x4], $0x80, s9, s12, $0xb8;
	[tilespmem:$0x1D800] =	vst v63  }
0x178: {  	_ =	swait.ge [sflag:s17], $0x2800  }
0x179: {  	[sflag:s17] =	ssyncset.done $0x0  }
0x17a: {  	s9 =	rddreg [dreg:$0x19];
	[sflag:s17] =	ssyncadd.s32 $0xFFFFD800  }
0x17b: {  	[tilespmem:s13], [sflag:$0x1] =	stream.indirect.gather [hbm4b:s4+s12], $0x80, s9, s12, $0xb8;
	[tilespmem:$0x1D800] =	vst v63  }
0x17c: {  	_ =	swait.ge [sflag:s18], $0x2800  }
0x17d: {  	[sflag:s18] =	ssyncset.done $0x0  }
0x17e: {  	s9 =	rddreg [dreg:$0x1a];
	[sflag:s18] =	ssyncadd.s32 $0xFFFFD800  }
0x17f: {  	[spmem:s2] =	stream.indirect.scatter.add.f32 [tilespmem:s14], [sflag:$0x5], $0x80, s9, s12, $0xb8;
	[tilespmem:$0x1D800] =	vst v63  }
0x180: {  	_ =	swait.ge [sflag:s19], $0x2800  }
0x181: {  	[sflag:s19] =	ssyncset.done $0x0  }
0x182: {  	s9 =	rddreg [dreg:$0x1b];
	[sflag:s19] =	ssyncadd.s32 $0xFFFFD800  }
0x183: {  	[tilespmem:s14], [sflag:$0x2] =	stream.indirect.gather [hbm4b:s4+s12], $0x80, s9, s12, $0xb8;
	[tilespmem:$0x1D800] =	vst v63  }
0x184: {  	_ =	swait.ge [sflag:s20], $0x2800  }
0x185: {  	[sflag:s20] =	ssyncset.done $0x0  }
0x186: {  	s9 =	rddreg [dreg:$0x1c];
	[sflag:s20] =	ssyncadd.s32 $0xFFFFD800  }
0x187: {  	[spmem:s2] =	stream.indirect.scatter.add.f32 [tilespmem:s15], [sflag:$0x6], $0x80, s9, s12, $0xb8;
	[tilespmem:$0x1D800] =	vst v63  }
0x188: {  	_ =	swait.ge [sflag:s21], $0x2800  }
0x189: {  	[sflag:s21] =	ssyncset.done $0x0  }
0x18a: {  	s9 =	rddreg [dreg:$0x1d];
	[sflag:s21] =	ssyncadd.s32 $0xFFFFD800  }
0x18b: {  	[tilespmem:s15], [sflag:$0x3] =	stream.indirect.gather [hbm4b:s4+s12], $0x80, s9, s12, $0xb8;
	[tilespmem:$0x1D800] =	vst v63  }
0x18c: {  	_ =	swait.ge [sflag:s16], $0x2800  }
0x18d: {  	[sflag:s16] =	ssyncset.done $0x0  }
0x18e: {  	s9 =	rddreg [dreg:$0x1e];
	[sflag:s16] =	ssyncadd.s32 $0xFFFFD800  }
0x18f: {  	[spmem:s2] =	stream.indirect.scatter.add.f32 [tilespmem:s13], [sflag:$0x4], $0x80, s9, s12, $0xb8;
	[tilespmem:$0x1D800] =	vst v63  }
0x190: {  	_ =	swait.ge [sflag:s17], $0x2800  }
0x191: {  	[sflag:s17] =	ssyncset.done $0x0  }
0x192: {  	s9 =	rddreg [dreg:$0x1f];
	[sflag:s17] =	ssyncadd.s32 $0xFFFFD800  }
0x193: {  	[tilespmem:s13], [sflag:$0x1] =	stream.indirect.gather [hbm4b:s4+s12], $0x80, s9, s12, $0xb8;
	[tilespmem:$0x1D800] =	vst v63  }
0x194: {  	_ =	swait.ge [sflag:s18], $0x2800  }
0x195: {  	s9 =	sld [smem:$0x7F3]  }
0x196: {  	[sflag:s18] =	ssyncset.done $0x0  }
0x197: {  	[sflag:s18] =	ssyncadd.s32 $0xFFFFD800  }
0x198: {  	[spmem:s2] =	stream.indirect.scatter.add.f32 [tilespmem:s14], [sflag:$0x5], $0x80, s9, s12, $0xb8;
	[tilespmem:$0x1D800] =	vst v63  }
0x199: {  	_ =	swait.ge [sflag:s19], $0x2800  }
0x19a: {  	s9 =	sld [smem:$0x7F4]  }
0x19b: {  	[sflag:s19] =	ssyncset.done $0x0  }
0x19c: {  	[sflag:s19] =	ssyncadd.s32 $0xFFFFD800  }
0x19d: {  	[tilespmem:s14], [sflag:$0x2] =	stream.indirect.gather [hbm4b:s4+s12], $0x80, s9, s12, $0xb8;
	[tilespmem:$0x1D800] =	vst v63  }
0x19e: {  	_ =	swait.ge [sflag:s20], $0x2800  }
0x19f: {  	s9 =	sld [smem:$0x7F5]  }
0x1a0: {  	[sflag:s20] =	ssyncset.done $0x0  }
0x1a1: {  	[sflag:s20] =	ssyncadd.s32 $0xFFFFD800  }
0x1a2: {  	[spmem:s2] =	stream.indirect.scatter.add.f32 [tilespmem:s15], [sflag:$0x6], $0x80, s9, s12, $0xb8;
	[tilespmem:$0x1D800] =	vst v63  }
0x1a3: {  	_ =	swait.ge [sflag:s21], $0x2800  }
0x1a4: {  	s9 =	sld [smem:$0x7F6]  }
0x1a5: {  	[sflag:s21] =	ssyncset.done $0x0  }
0x1a6: {  	[sflag:s21] =	ssyncadd.s32 $0xFFFFD800  }
0x1a7: {  	[tilespmem:s15], [sflag:$0x3] =	stream.indirect.gather [hbm4b:s4+s12], $0x80, s9, s12, $0xb8;
	[tilespmem:$0x1D800] =	vst v63  }
0x1a8: {  	_ =	swait.ge [sflag:s16], $0x2800  }
0x1a9: {  	s9 =	sld [smem:$0x7F7]  }
0x1aa: {  	[sflag:s16] =	ssyncset.done $0x0  }
0x1ab: {  	[sflag:s16] =	ssyncadd.s32 $0xFFFFD800  }
0x1ac: {  	[spmem:s2] =	stream.indirect.scatter.add.f32 [tilespmem:s13], [sflag:$0x4], $0x80, s9, s12, $0xb8;
	[tilespmem:$0x1D800] =	vst v63  }
0x1ad: {  	_ =	swait.ge [sflag:s17], $0x2800  }
0x1ae: {  	s9 =	sld [smem:$0x7F8]  }
0x1af: {  	[sflag:s17] =	ssyncset.done $0x0  }
0x1b0: {  	[sflag:s17] =	ssyncadd.s32 $0xFFFFD800  }
0x1b1: {  	[tilespmem:s13], [sflag:$0x1] =	stream.indirect.gather [hbm4b:s4+s12], $0x80, s9, s12, $0xb8;
	[tilespmem:$0x1D800] =	vst v63  }
0x1b2: {  	_ =	swait.ge [sflag:s18], $0x2800  }
0x1b3: {  	s9 =	sld [smem:$0x7F9]  }
0x1b4: {  	[sflag:s18] =	ssyncset.done $0x0  }
0x1b5: {  	[sflag:s18] =	ssyncadd.s32 $0xFFFFD800  }
0x1b6: {  	[spmem:s2] =	stream.indirect.scatter.add.f32 [tilespmem:s14], [sflag:$0x5], $0x80, s9, s12, $0xb8;
	[tilespmem:$0x1D800] =	vst v63  }
0x1b7: {  	_ =	swait.ge [sflag:s19], $0x2800  }
0x1b8: {  	s9 =	sld [smem:$0x7FA]  }
0x1b9: {  	[sflag:s19] =	ssyncset.done $0x0  }
0x1ba: {  	[sflag:s19] =	ssyncadd.s32 $0xFFFFD800  }
0x1bb: {  	[tilespmem:s14], [sflag:$0x2] =	stream.indirect.gather [hbm4b:s4+s12], $0x80, s9, s12, $0xb8;
	[tilespmem:$0x1D800] =	vst v63  }
0x1bc: {  	_ =	swait.ge [sflag:s20], $0x2800  }
0x1bd: {  	s9 =	sld [smem:$0x7FB]  }
0x1be: {  	[sflag:s20] =	ssyncset.done $0x0  }
0x1bf: {  	[sflag:s20] =	ssyncadd.s32 $0xFFFFD800  }
0x1c0: {  	[spmem:s2] =	stream.indirect.scatter.add.f32 [tilespmem:s15], [sflag:$0x6], $0x80, s9, s12, $0xb8;
	[tilespmem:$0x1D800] =	vst v63  }
0x1c1: {  	_ =	swait.ge [sflag:s21], $0x2800  }
0x1c2: {  	[sflag:s21] =	ssyncset.done $0x0  }
0x1c3: {  	[sflag:s21] =	ssyncadd.s32 $0xFFFFD800  }
0x1c4: {  	[tilespmem:s15], [sflag:$0x3] =	stream.indirect.gather [hbm4b:s4+s12], $0x80, s22, s12, $0xb8;
	[tilespmem:$0x1D800] =	vst v63  }
0x1c5: {  	_ =	swait.ge [sflag:s16], $0x2800  }
0x1c6: {  	[sflag:s16] =	ssyncset.done $0x0  }
0x1c7: {  	[sflag:s16] =	ssyncadd.s32 $0xFFFFD800  }
0x1c8: {  	[spmem:s2] =	stream.indirect.scatter.add.f32 [tilespmem:s13], [sflag:$0x4], $0x80, s23, s12, $0xb8;
	[tilespmem:$0x1D800] =	vst v63  }
0x1c9: {  	_ =	swait.ge [sflag:s17], $0x2800  }
0x1ca: {  	[sflag:s17] =	ssyncset.done $0x0  }
0x1cb: {  	[sflag:s17] =	ssyncadd.s32 $0xFFFFD800  }
0x1cc: {  	[tilespmem:s13], [sflag:$0x1] =	stream.indirect.gather [hbm4b:s4+s12], $0x80, s24, s12, $0xb8;
	[tilespmem:$0x1D800] =	vst v63  }
0x1cd: {  	_ =	swait.ge [sflag:s18], $0x2800  }
0x1ce: {  	[sflag:s18] =	ssyncset.done $0x0  }
0x1cf: {  	[sflag:s18] =	ssyncadd.s32 $0xFFFFD800  }
0x1d0: {  	[spmem:s2] =	stream.indirect.scatter.add.f32 [tilespmem:s14], [sflag:$0x5], $0x80, s25, s12, $0xb8;
	[tilespmem:$0x1D800] =	vst v63  }
0x1d1: {  	_ =	swait.ge [sflag:s19], $0x2800  }
0x1d2: {  	[sflag:s19] =	ssyncset.done $0x0  }
0x1d3: {  	[sflag:s19] =	ssyncadd.s32 $0xFFFFD800  }
0x1d4: {  	[tilespmem:s14], [sflag:$0x2] =	stream.indirect.gather [hbm4b:s4+s12], $0x80, s26, s12, $0xb8;
	[tilespmem:$0x1D800] =	vst v63  }
0x1d5: {  	_ =	swait.ge [sflag:s20], $0x2800  }
0x1d6: {  	[sflag:s20] =	ssyncset.done $0x0  }
0x1d7: {  	[sflag:s20] =	ssyncadd.s32 $0xFFFFD800  }
0x1d8: {  	[spmem:s2] =	stream.indirect.scatter.add.f32 [tilespmem:s15], [sflag:$0x6], $0x80, s28, s12, $0xb8;
	[tilespmem:$0x1D800] =	vst v63  }
0x1d9: {  	_ =	swait.ge [sflag:s21], $0x2800  }
0x1da: {  	[sflag:s21] =	ssyncset.done $0x0  }
0x1db: {  	[sflag:s21] =	ssyncadd.s32 $0xFFFFD800  }
0x1dc: {  	[tilespmem:s15], [sflag:$0x3] =	stream.indirect.gather [hbm4b:s4+s12], $0x80, s29, s12, $0xb8;
	[tilespmem:$0x1D800] =	vst v63  }
0x1dd: {  	_ =	swait.ge [sflag:s16], $0x2800  }
0x1de: {  	[sflag:s16] =	ssyncset.done $0x0  }
0x1df: {  	[sflag:s16] =	ssyncadd.s32 $0xFFFFD800  }
0x1e0: {  	[spmem:s2] =	stream.indirect.scatter.add.f32 [tilespmem:s13], [sflag:$0x4], $0x80, s30, s12, $0xb8;
	[tilespmem:$0x1D800] =	vst v63  }
0x1e1: {  	_ =	swait.ge [sflag:s17], $0x2800  }
0x1e2: {  	[sflag:s17] =	ssyncset.done $0x0  }
0x1e3: {  	[sflag:s17] =	ssyncadd.s32 $0xFFFFD800  }
0x1e4: {  	[tilespmem:s13], [sflag:$0x1] =	stream.indirect.gather [hbm4b:s4+s12], $0x80, s31, s12, $0xb8;
	[tilespmem:$0x1D800] =	vst v63  }
0x1e5: {  	_ =	swait.ge [sflag:s18], $0x2800  }
0x1e6: {  	[sflag:s18] =	ssyncset.done $0x0  }
0x1e7: {  	[sflag:s18] =	ssyncadd.s32 $0xFFFFD800  }
0x1e8: {  	[spmem:s2] =	stream.indirect.scatter.add.f32 [tilespmem:s14], [sflag:$0x5], $0x80, s1, s12, $0xb8;
	[tilespmem:$0x1D800] =	vst v63  }
0x1e9: {  	_ =	swait.ge [sflag:s19], $0x2800  }
0x1ea: {  	[sflag:s19] =	ssyncset.done $0x0  }
0x1eb: {  	[sflag:s19] =	ssyncadd.s32 $0xFFFFD800  }
0x1ec: {  	[tilespmem:s14], [sflag:$0x2] =	stream.indirect.gather [hbm4b:s4+s12], $0x80, s3, s12, $0xb8;
	[tilespmem:$0x1D800] =	vst v63  }
0x1ed: {  	_ =	swait.ge [sflag:s20], $0x2800  }
0x1ee: {  	[sflag:s20] =	ssyncset.done $0x0  }
0x1ef: {  	[sflag:s20] =	ssyncadd.s32 $0xFFFFD800  }
0x1f0: {  	[spmem:s2] =	stream.indirect.scatter.add.f32 [tilespmem:s15], [sflag:$0x6], $0x80, s0, s12, $0xb8;
	[tilespmem:$0x1D800] =	vst v63  }
0x1f1: {  	_ =	swait.ge [sflag:s21], $0x2800  }
0x1f2: {  	[sflag:s21] =	ssyncset.done $0x0  }
0x1f3: {  	[sflag:s21] =	ssyncadd.s32 $0xFFFFD800  }
0x1f4: {  	[tilespmem:s15], [sflag:$0x3] =	stream.indirect.gather [hbm4b:s4+s12], $0x80, s3, s12, $0xb8;
	[tilespmem:$0x1D800] =	vst v63  }
0x1f5: {  	_ =	swait.ge [sflag:s16], $0x2800  }
0x1f6: {  	[sflag:s16] =	ssyncset.done $0x0  }
0x1f7: {  	[sflag:s16] =	ssyncadd.s32 $0xFFFFD800  }
0x1f8: {  	[spmem:s2] =	stream.indirect.scatter.add.f32 [tilespmem:s13], [sflag:$0x4], $0x80, s5, s12, $0xb8;
	[tilespmem:$0x1D800] =	vst v63  }
0x1f9: {  	_ =	swait.ge [sflag:s17], $0x2800  }
0x1fa: {  	[sflag:s17] =	ssyncset.done $0x0  }
0x1fb: {  	p0 =	sne.s32 s6, $0x1200;
	[sflag:s17] =	ssyncadd.s32 $0xFFFFD800  }
.Ltmp0:
0x1fc: {  	_ =	swait.ge [sflag:s18], $0x2800;
	(pc) =	sbr.rel @p0 .LBB2_2-.Ltmp0, $4  }
0x1fd: {  	[sflag:s18] =	ssyncset.done $0x0  }
0x1fe: {  	[sflag:s18] =	ssyncadd.s32 $0xFFFFD800  }
0x1ff: {  	_ =	swait.ge [sflag:s20], $0x2800  }
0x200: {  	s6 =	sadd.s32 $0x200, s6;
	s9 =	rddreg [dreg:$0x4];
	[sflag:s20] =	ssyncset.done $0x0  }
0x201: {  	[sflag:s20] =	ssyncadd.s32 $0xFFFFD800;
	s6 =	sadd.s32 s8, s9  }
0x202: {  	[tilespmem:s3], [sflag:$0x7] =	stream.linear.gather [hbm4b:s6+s3], $0xC80, $0x38;
	[tilespmem:$0x1D800] =	vst v63  }
0x203: {  	_ =	swait.ge [sflag:s10], $0xC80  }
0x204: {  	s7 =	rddreg [dreg:$0x3];
	[sflag:s10] =	ssyncset.done $0x0  }
0x205: {  	[sflag:s10] =	ssyncadd.s32 $0xFFFFF380;
	s6 =	sadd.s32 s8, s7  }
0x206: {  	[tilespmem:s11], [sflag:$0x7] =	stream.linear.gather [hbm4b:s6+s3], $0xC80, $0x38;
	[tilespmem:$0x1D800] =	vst v63  }
0x207: {  	_ =	swait.ge [sflag:s10], $0xC80  }
0x208: {  	[sflag:s10] =	ssyncset.done $0x0  }
0x209: {  	[sflag:s10] =	ssyncadd.s32 $0xFFFFF380  }
0x20a: {  	[tilespmem:s13], [sflag:$0x1] =	stream.indirect.gather [hbm4b:s4+s12], $0x80, s3, s12, $0xb8;
	[tilespmem:$0x1D800] =	vst v63  }
0x20b: {  	s9 =	rddreg [dreg:$0x5]  }
0x20c: {  	[tilespmem:s14], [sflag:$0x2] =	stream.indirect.gather [hbm4b:s4+s12], $0x80, s9, s12, $0xb8;
	[tilespmem:$0x1D800] =	vst v63  }
0x20d: {  	s7 =	rddreg [dreg:$0x6]  }
0x20e: {  	[tilespmem:s15], [sflag:$0x3] =	stream.indirect.gather [hbm4b:s4+s12], $0x80, s7, s12, $0xb8;
	[tilespmem:$0x1D800] =	vst v63  }
0x20f: {  	_ =	swait.ge [sflag:s16], $0x2800  }
0x210: {  	[sflag:s16] =	ssyncset.done $0x0  }
0x211: {  	[sflag:s16] =	ssyncadd.s32 $0xFFFFD800  }
0x212: {  	[spmem:s2] =	stream.indirect.scatter.add.f32 [tilespmem:s13], [sflag:$0x4], $0x80, s11, s12, $0xb8;
	[tilespmem:$0x1D800] =	vst v63  }
0x213: {  	_ =	swait.ge [sflag:s17], $0x2800  }
0x214: {  	[sflag:s17] =	ssyncset.done $0x0  }
0x215: {  	s8 =	rddreg [dreg:$0x7];
	[sflag:s17] =	ssyncadd.s32 $0xFFFFD800  }
0x216: {  	[tilespmem:s13], [sflag:$0x1] =	stream.indirect.gather [hbm4b:s4+s12], $0x80, s8, s12, $0xb8;
	[tilespmem:$0x1D800] =	vst v63  }
0x217: {  	_ =	swait.ge [sflag:s18], $0x2800  }
0x218: {  	[sflag:s18] =	ssyncset.done $0x0  }
0x219: {  	s9 =	rddreg [dreg:$0x8];
	[sflag:s18] =	ssyncadd.s32 $0xFFFFD800  }
0x21a: {  	[spmem:s2] =	stream.indirect.scatter.add.f32 [tilespmem:s14], [sflag:$0x5], $0x80, s9, s12, $0xb8;
	[tilespmem:$0x1D800] =	vst v63  }
0x21b: {  	_ =	swait.ge [sflag:s19], $0x2800  }
0x21c: {  	[sflag:s19] =	ssyncset.done $0x0  }
0x21d: {  	s7 =	rddreg [dreg:$0x9];
	[sflag:s19] =	ssyncadd.s32 $0xFFFFD800  }
0x21e: {  	[tilespmem:s14], [sflag:$0x2] =	stream.indirect.gather [hbm4b:s4+s12], $0x80, s7, s12, $0xb8;
	[tilespmem:$0x1D800] =	vst v63  }
0x21f: {  	_ =	swait.ge [sflag:s20], $0x2800  }
0x220: {  	[sflag:s20] =	ssyncset.done $0x0  }
0x221: {  	s8 =	rddreg [dreg:$0xa];
	[sflag:s20] =	ssyncadd.s32 $0xFFFFD800  }
0x222: {  	[spmem:s2] =	stream.indirect.scatter.add.f32 [tilespmem:s15], [sflag:$0x6], $0x80, s8, s12, $0xb8;
	[tilespmem:$0x1D800] =	vst v63  }
0x223: {  	_ =	swait.ge [sflag:s21], $0x2800  }
0x224: {  	[sflag:s21] =	ssyncset.done $0x0  }
0x225: {  	s9 =	rddreg [dreg:$0xb];
	[sflag:s21] =	ssyncadd.s32 $0xFFFFD800  }
0x226: {  	[tilespmem:s15], [sflag:$0x3] =	stream.indirect.gather [hbm4b:s4+s12], $0x80, s9, s12, $0xb8;
	[tilespmem:$0x1D800] =	vst v63  }
0x227: {  	_ =	swait.ge [sflag:s16], $0x2800  }
0x228: {  	[sflag:s16] =	ssyncset.done $0x0  }
0x229: {  	s7 =	rddreg [dreg:$0xc];
	[sflag:s16] =	ssyncadd.s32 $0xFFFFD800  }
0x22a: {  	[spmem:s2] =	stream.indirect.scatter.add.f32 [tilespmem:s13], [sflag:$0x4], $0x80, s7, s12, $0xb8;
	[tilespmem:$0x1D800] =	vst v63  }
0x22b: {  	_ =	swait.ge [sflag:s17], $0x2800  }
0x22c: {  	[sflag:s17] =	ssyncset.done $0x0  }
0x22d: {  	s8 =	rddreg [dreg:$0xd];
	[sflag:s17] =	ssyncadd.s32 $0xFFFFD800  }
0x22e: {  	[tilespmem:s13], [sflag:$0x1] =	stream.indirect.gather [hbm4b:s4+s12], $0x80, s8, s12, $0xb8;
	[tilespmem:$0x1D800] =	vst v63  }
0x22f: {  	_ =	swait.ge [sflag:s18], $0x2800  }
0x230: {  	[sflag:s18] =	ssyncset.done $0x0  }
0x231: {  	s9 =	rddreg [dreg:$0xe];
	[sflag:s18] =	ssyncadd.s32 $0xFFFFD800  }
0x232: {  	[spmem:s2] =	stream.indirect.scatter.add.f32 [tilespmem:s14], [sflag:$0x5], $0x80, s9, s12, $0xb8;
	[tilespmem:$0x1D800] =	vst v63  }
0x233: {  	_ =	swait.ge [sflag:s19], $0x2800  }
0x234: {  	[sflag:s19] =	ssyncset.done $0x0  }
0x235: {  	s7 =	rddreg [dreg:$0xf];
	[sflag:s19] =	ssyncadd.s32 $0xFFFFD800  }
0x236: {  	[tilespmem:s14], [sflag:$0x2] =	stream.indirect.gather [hbm4b:s4+s12], $0x80, s7, s12, $0xb8;
	[tilespmem:$0x1D800] =	vst v63  }
0x237: {  	_ =	swait.ge [sflag:s20], $0x2800  }
0x238: {  	[sflag:s20] =	ssyncset.done $0x0  }
0x239: {  	s8 =	rddreg [dreg:$0x10];
	[sflag:s20] =	ssyncadd.s32 $0xFFFFD800  }
0x23a: {  	[spmem:s2] =	stream.indirect.scatter.add.f32 [tilespmem:s15], [sflag:$0x6], $0x80, s8, s12, $0xb8;
	[tilespmem:$0x1D800] =	vst v63  }
0x23b: {  	_ =	swait.ge [sflag:s21], $0x2800  }
0x23c: {  	[sflag:s21] =	ssyncset.done $0x0  }
0x23d: {  	s9 =	rddreg [dreg:$0x11];
	[sflag:s21] =	ssyncadd.s32 $0xFFFFD800  }
0x23e: {  	[tilespmem:s15], [sflag:$0x3] =	stream.indirect.gather [hbm4b:s4+s12], $0x80, s9, s12, $0xb8;
	[tilespmem:$0x1D800] =	vst v63  }
0x23f: {  	_ =	swait.ge [sflag:s16], $0x2800  }
0x240: {  	[sflag:s16] =	ssyncset.done $0x0  }
0x241: {  	s7 =	rddreg [dreg:$0x12];
	[sflag:s16] =	ssyncadd.s32 $0xFFFFD800  }
0x242: {  	[spmem:s2] =	stream.indirect.scatter.add.f32 [tilespmem:s13], [sflag:$0x4], $0x80, s7, s12, $0xb8;
	[tilespmem:$0x1D800] =	vst v63  }
0x243: {  	_ =	swait.ge [sflag:s17], $0x2800  }
0x244: {  	[sflag:s17] =	ssyncset.done $0x0  }
0x245: {  	s8 =	rddreg [dreg:$0x13];
	[sflag:s17] =	ssyncadd.s32 $0xFFFFD800  }
0x246: {  	[tilespmem:s13], [sflag:$0x1] =	stream.indirect.gather [hbm4b:s4+s12], $0x80, s8, s12, $0xb8;
	[tilespmem:$0x1D800] =	vst v63  }
0x247: {  	_ =	swait.ge [sflag:s18], $0x2800  }
0x248: {  	[sflag:s18] =	ssyncset.done $0x0  }
0x249: {  	s9 =	rddreg [dreg:$0x14];
	[sflag:s18] =	ssyncadd.s32 $0xFFFFD800  }
0x24a: {  	[spmem:s2] =	stream.indirect.scatter.add.f32 [tilespmem:s14], [sflag:$0x5], $0x80, s9, s12, $0xb8;
	[tilespmem:$0x1D800] =	vst v63  }
0x24b: {  	_ =	swait.ge [sflag:s19], $0x2800  }
0x24c: {  	[sflag:s19] =	ssyncset.done $0x0  }
0x24d: {  	s7 =	rddreg [dreg:$0x15];
	[sflag:s19] =	ssyncadd.s32 $0xFFFFD800  }
0x24e: {  	[tilespmem:s14], [sflag:$0x2] =	stream.indirect.gather [hbm4b:s4+s12], $0x80, s7, s12, $0xb8;
	[tilespmem:$0x1D800] =	vst v63  }
0x24f: {  	_ =	swait.ge [sflag:s20], $0x2800  }
0x250: {  	[sflag:s20] =	ssyncset.done $0x0  }
0x251: {  	s8 =	rddreg [dreg:$0x16];
	[sflag:s20] =	ssyncadd.s32 $0xFFFFD800  }
0x252: {  	[spmem:s2] =	stream.indirect.scatter.add.f32 [tilespmem:s15], [sflag:$0x6], $0x80, s8, s12, $0xb8;
	[tilespmem:$0x1D800] =	vst v63  }
0x253: {  	_ =	swait.ge [sflag:s21], $0x2800  }
0x254: {  	[sflag:s21] =	ssyncset.done $0x0  }
0x255: {  	s9 =	rddreg [dreg:$0x17];
	[sflag:s21] =	ssyncadd.s32 $0xFFFFD800  }
0x256: {  	[tilespmem:s15], [sflag:$0x3] =	stream.indirect.gather [hbm4b:s4+s12], $0x80, s9, s12, $0xb8;
	[tilespmem:$0x1D800] =	vst v63  }
0x257: {  	_ =	swait.ge [sflag:s16], $0x2800  }
0x258: {  	[sflag:s16] =	ssyncset.done $0x0  }
0x259: {  	s7 =	rddreg [dreg:$0x18];
	[sflag:s16] =	ssyncadd.s32 $0xFFFFD800  }
0x25a: {  	[spmem:s2] =	stream.indirect.scatter.add.f32 [tilespmem:s13], [sflag:$0x4], $0x80, s7, s12, $0xb8;
	[tilespmem:$0x1D800] =	vst v63  }
0x25b: {  	_ =	swait.ge [sflag:s17], $0x2800  }
0x25c: {  	[sflag:s17] =	ssyncset.done $0x0  }
0x25d: {  	s8 =	rddreg [dreg:$0x19];
	[sflag:s17] =	ssyncadd.s32 $0xFFFFD800  }
0x25e: {  	[tilespmem:s13], [sflag:$0x1] =	stream.indirect.gather [hbm4b:s4+s12], $0x80, s8, s12, $0xb8;
	[tilespmem:$0x1D800] =	vst v63  }
0x25f: {  	_ =	swait.ge [sflag:s18], $0x2800  }
0x260: {  	[sflag:s18] =	ssyncset.done $0x0  }
0x261: {  	s9 =	rddreg [dreg:$0x1a];
	[sflag:s18] =	ssyncadd.s32 $0xFFFFD800  }
0x262: {  	[spmem:s2] =	stream.indirect.scatter.add.f32 [tilespmem:s14], [sflag:$0x5], $0x80, s9, s12, $0xb8;
	[tilespmem:$0x1D800] =	vst v63  }
0x263: {  	_ =	swait.ge [sflag:s19], $0x2800  }
0x264: {  	[sflag:s19] =	ssyncset.done $0x0  }
0x265: {  	s7 =	rddreg [dreg:$0x1b];
	[sflag:s19] =	ssyncadd.s32 $0xFFFFD800  }
0x266: {  	[tilespmem:s14], [sflag:$0x2] =	stream.indirect.gather [hbm4b:s4+s12], $0x80, s7, s12, $0xb8;
	[tilespmem:$0x1D800] =	vst v63  }
0x267: {  	_ =	swait.ge [sflag:s20], $0x2800  }
0x268: {  	[sflag:s20] =	ssyncset.done $0x0  }
0x269: {  	s8 =	rddreg [dreg:$0x1c];
	[sflag:s20] =	ssyncadd.s32 $0xFFFFD800  }
0x26a: {  	[spmem:s2] =	stream.indirect.scatter.add.f32 [tilespmem:s15], [sflag:$0x6], $0x80, s8, s12, $0xb8;
	[tilespmem:$0x1D800] =	vst v63  }
0x26b: {  	_ =	swait.ge [sflag:s21], $0x2800  }
0x26c: {  	[sflag:s21] =	ssyncset.done $0x0  }
0x26d: {  	s9 =	rddreg [dreg:$0x1d];
	[sflag:s21] =	ssyncadd.s32 $0xFFFFD800  }
0x26e: {  	[tilespmem:s15], [sflag:$0x3] =	stream.indirect.gather [hbm4b:s4+s12], $0x80, s9, s12, $0xb8;
	[tilespmem:$0x1D800] =	vst v63  }
0x26f: {  	_ =	swait.ge [sflag:s16], $0x2800  }
0x270: {  	[sflag:s16] =	ssyncset.done $0x0  }
0x271: {  	s7 =	rddreg [dreg:$0x1e];
	[sflag:s16] =	ssyncadd.s32 $0xFFFFD800  }
0x272: {  	[spmem:s2] =	stream.indirect.scatter.add.f32 [tilespmem:s13], [sflag:$0x4], $0x80, s7, s12, $0xb8;
	[tilespmem:$0x1D800] =	vst v63  }
0x273: {  	_ =	swait.ge [sflag:s17], $0x2800  }
0x274: {  	[sflag:s17] =	ssyncset.done $0x0  }
0x275: {  	s8 =	rddreg [dreg:$0x1f];
	[sflag:s17] =	ssyncadd.s32 $0xFFFFD800  }
0x276: {  	[tilespmem:s13], [sflag:$0x1] =	stream.indirect.gather [hbm4b:s4+s12], $0x80, s8, s12, $0xb8;
	[tilespmem:$0x1D800] =	vst v63  }
0x277: {  	_ =	swait.ge [sflag:s18], $0x2800  }
0x278: {  	s9 =	sld [smem:$0x7F3]  }
0x279: {  	[sflag:s18] =	ssyncset.done $0x0  }
0x27a: {  	[sflag:s18] =	ssyncadd.s32 $0xFFFFD800  }
0x27b: {  	[spmem:s2] =	stream.indirect.scatter.add.f32 [tilespmem:s14], [sflag:$0x5], $0x80, s9, s12, $0xb8;
	[tilespmem:$0x1D800] =	vst v63  }
0x27c: {  	_ =	swait.ge [sflag:s19], $0x2800  }
0x27d: {  	s7 =	sld [smem:$0x7F4]  }
0x27e: {  	[sflag:s19] =	ssyncset.done $0x0  }
0x27f: {  	[sflag:s19] =	ssyncadd.s32 $0xFFFFD800  }
0x280: {  	[tilespmem:s14], [sflag:$0x2] =	stream.indirect.gather [hbm4b:s4+s12], $0x80, s7, s12, $0xb8;
	[tilespmem:$0x1D800] =	vst v63  }
0x281: {  	_ =	swait.ge [sflag:s20], $0x2800  }
0x282: {  	s8 =	sld [smem:$0x7F5]  }
0x283: {  	[sflag:s20] =	ssyncset.done $0x0  }
0x284: {  	[sflag:s20] =	ssyncadd.s32 $0xFFFFD800  }
0x285: {  	[spmem:s2] =	stream.indirect.scatter.add.f32 [tilespmem:s15], [sflag:$0x6], $0x80, s8, s12, $0xb8;
	[tilespmem:$0x1D800] =	vst v63  }
0x286: {  	_ =	swait.ge [sflag:s21], $0x2800  }
0x287: {  	s9 =	sld [smem:$0x7F6]  }
0x288: {  	[sflag:s21] =	ssyncset.done $0x0  }
0x289: {  	[sflag:s21] =	ssyncadd.s32 $0xFFFFD800  }
0x28a: {  	[tilespmem:s15], [sflag:$0x3] =	stream.indirect.gather [hbm4b:s4+s12], $0x80, s9, s12, $0xb8;
	[tilespmem:$0x1D800] =	vst v63  }
0x28b: {  	_ =	swait.ge [sflag:s16], $0x2800  }
0x28c: {  	s7 =	sld [smem:$0x7F7]  }
0x28d: {  	[sflag:s16] =	ssyncset.done $0x0  }
0x28e: {  	[sflag:s16] =	ssyncadd.s32 $0xFFFFD800  }
0x28f: {  	[spmem:s2] =	stream.indirect.scatter.add.f32 [tilespmem:s13], [sflag:$0x4], $0x80, s7, s12, $0xb8;
	[tilespmem:$0x1D800] =	vst v63  }
0x290: {  	_ =	swait.ge [sflag:s17], $0x2800  }
0x291: {  	s8 =	sld [smem:$0x7F8]  }
0x292: {  	[sflag:s17] =	ssyncset.done $0x0  }
0x293: {  	[sflag:s17] =	ssyncadd.s32 $0xFFFFD800  }
0x294: {  	[tilespmem:s13], [sflag:$0x1] =	stream.indirect.gather [hbm4b:s4+s12], $0x80, s8, s12, $0xb8;
	[tilespmem:$0x1D800] =	vst v63  }
0x295: {  	_ =	swait.ge [sflag:s18], $0x2800  }
0x296: {  	s9 =	sld [smem:$0x7F9]  }
0x297: {  	[sflag:s18] =	ssyncset.done $0x0  }
0x298: {  	[sflag:s18] =	ssyncadd.s32 $0xFFFFD800  }
0x299: {  	[spmem:s2] =	stream.indirect.scatter.add.f32 [tilespmem:s14], [sflag:$0x5], $0x80, s9, s12, $0xb8;
	[tilespmem:$0x1D800] =	vst v63  }
0x29a: {  	_ =	swait.ge [sflag:s19], $0x2800  }
0x29b: {  	s7 =	sld [smem:$0x7FA]  }
0x29c: {  	[sflag:s19] =	ssyncset.done $0x0  }
0x29d: {  	[sflag:s19] =	ssyncadd.s32 $0xFFFFD800  }
0x29e: {  	[tilespmem:s14], [sflag:$0x2] =	stream.indirect.gather [hbm4b:s4+s12], $0x80, s7, s12, $0xb8;
	[tilespmem:$0x1D800] =	vst v63  }
0x29f: {  	_ =	swait.ge [sflag:s20], $0x2800  }
0x2a0: {  	s8 =	sld [smem:$0x7FB]  }
0x2a1: {  	[sflag:s20] =	ssyncset.done $0x0  }
0x2a2: {  	[sflag:s20] =	ssyncadd.s32 $0xFFFFD800  }
0x2a3: {  	[spmem:s2] =	stream.indirect.scatter.add.f32 [tilespmem:s15], [sflag:$0x6], $0x80, s8, s12, $0xb8;
	[tilespmem:$0x1D800] =	vst v63  }
0x2a4: {  	_ =	swait.ge [sflag:s21], $0x2800  }
0x2a5: {  	[sflag:s21] =	ssyncset.done $0x0  }
0x2a6: {  	[sflag:s21] =	ssyncadd.s32 $0xFFFFD800  }
0x2a7: {  	[tilespmem:s15], [sflag:$0x3] =	stream.indirect.gather [hbm4b:s4+s12], $0x80, s22, s12, $0xb8;
	[tilespmem:$0x1D800] =	vst v63  }
0x2a8: {  	_ =	swait.ge [sflag:s16], $0x2800  }
0x2a9: {  	[sflag:s16] =	ssyncset.done $0x0  }
0x2aa: {  	[sflag:s16] =	ssyncadd.s32 $0xFFFFD800  }
0x2ab: {  	[spmem:s2] =	stream.indirect.scatter.add.f32 [tilespmem:s13], [sflag:$0x4], $0x80, s23, s12, $0xb8;
	[tilespmem:$0x1D800] =	vst v63  }
0x2ac: {  	_ =	swait.ge [sflag:s17], $0x2800  }
0x2ad: {  	[sflag:s17] =	ssyncset.done $0x0  }
0x2ae: {  	[sflag:s17] =	ssyncadd.s32 $0xFFFFD800  }
0x2af: {  	[tilespmem:s13], [sflag:$0x1] =	stream.indirect.gather [hbm4b:s4+s12], $0x80, s24, s12, $0xb8;
	[tilespmem:$0x1D800] =	vst v63  }
0x2b0: {  	_ =	swait.ge [sflag:s18], $0x2800  }
0x2b1: {  	[sflag:s18] =	ssyncset.done $0x0  }
0x2b2: {  	[sflag:s18] =	ssyncadd.s32 $0xFFFFD800  }
0x2b3: {  	[spmem:s2] =	stream.indirect.scatter.add.f32 [tilespmem:s14], [sflag:$0x5], $0x80, s25, s12, $0xb8;
	[tilespmem:$0x1D800] =	vst v63  }
0x2b4: {  	_ =	swait.ge [sflag:s19], $0x2800  }
0x2b5: {  	[sflag:s19] =	ssyncset.done $0x0  }
0x2b6: {  	[sflag:s19] =	ssyncadd.s32 $0xFFFFD800  }
0x2b7: {  	[tilespmem:s14], [sflag:$0x2] =	stream.indirect.gather [hbm4b:s4+s12], $0x80, s26, s12, $0xb8;
	[tilespmem:$0x1D800] =	vst v63  }
0x2b8: {  	_ =	swait.ge [sflag:s20], $0x2800  }
0x2b9: {  	[sflag:s20] =	ssyncset.done $0x0  }
0x2ba: {  	[sflag:s20] =	ssyncadd.s32 $0xFFFFD800  }
0x2bb: {  	[spmem:s2] =	stream.indirect.scatter.add.f32 [tilespmem:s15], [sflag:$0x6], $0x80, s28, s12, $0xb8;
	[tilespmem:$0x1D800] =	vst v63  }
0x2bc: {  	_ =	swait.ge [sflag:s21], $0x2800  }
0x2bd: {  	[sflag:s21] =	ssyncset.done $0x0  }
0x2be: {  	[sflag:s21] =	ssyncadd.s32 $0xFFFFD800  }
0x2bf: {  	[tilespmem:s15], [sflag:$0x3] =	stream.indirect.gather [hbm4b:s4+s12], $0x80, s29, s12, $0xb8;
	[tilespmem:$0x1D800] =	vst v63  }
0x2c0: {  	_ =	swait.ge [sflag:s16], $0x2800  }
0x2c1: {  	[sflag:s16] =	ssyncset.done $0x0  }
0x2c2: {  	[sflag:s16] =	ssyncadd.s32 $0xFFFFD800  }
0x2c3: {  	[spmem:s2] =	stream.indirect.scatter.add.f32 [tilespmem:s13], [sflag:$0x4], $0x80, s30, s12, $0xb8;
	[tilespmem:$0x1D800] =	vst v63  }
0x2c4: {  	_ =	swait.ge [sflag:s17], $0x2800  }
0x2c5: {  	[sflag:s17] =	ssyncset.done $0x0  }
0x2c6: {  	[sflag:s17] =	ssyncadd.s32 $0xFFFFD800  }
0x2c7: {  	[tilespmem:s13], [sflag:$0x1] =	stream.indirect.gather [hbm4b:s4+s12], $0x80, s31, s12, $0xb8;
	[tilespmem:$0x1D800] =	vst v63  }
0x2c8: {  	_ =	swait.ge [sflag:s18], $0x2800  }
0x2c9: {  	[sflag:s18] =	ssyncset.done $0x0  }
0x2ca: {  	[sflag:s18] =	ssyncadd.s32 $0xFFFFD800  }
0x2cb: {  	[spmem:s2] =	stream.indirect.scatter.add.f32 [tilespmem:s14], [sflag:$0x5], $0x80, s1, s12, $0xb8;
	[tilespmem:$0x1D800] =	vst v63  }
0x2cc: {  	_ =	swait.ge [sflag:s19], $0x2800  }
0x2cd: {  	[sflag:s19] =	ssyncset.done $0x0  }
0x2ce: {  	[sflag:s19] =	ssyncadd.s32 $0xFFFFD800  }
0x2cf: {  	[tilespmem:s14], [sflag:$0x2] =	stream.indirect.gather [hbm4b:s4+s12], $0x80, s3, s12, $0xb8;
	[tilespmem:$0x1D800] =	vst v63  }
0x2d0: {  	_ =	swait.ge [sflag:s20], $0x2800  }
0x2d1: {  	[sflag:s20] =	ssyncset.done $0x0  }
0x2d2: {  	[sflag:s20] =	ssyncadd.s32 $0xFFFFD800  }
0x2d3: {  	[spmem:s2] =	stream.indirect.scatter.add.f32 [tilespmem:s15], [sflag:$0x6], $0x80, s0, s12, $0xb8;
	[tilespmem:$0x1D800] =	vst v63  }
0x2d4: {  	_ =	swait.ge [sflag:s21], $0x2800  }
0x2d5: {  	[sflag:s21] =	ssyncset.done $0x0  }
0x2d6: {  	[sflag:s21] =	ssyncadd.s32 $0xFFFFD800  }
0x2d7: {  	[tilespmem:s15], [sflag:$0x3] =	stream.indirect.gather [hbm4b:s4+s12], $0x80, s3, s12, $0xb8;
	[tilespmem:$0x1D800] =	vst v63  }
0x2d8: {  	_ =	swait.ge [sflag:s16], $0x2800  }
0x2d9: {  	[sflag:s16] =	ssyncset.done $0x0  }
0x2da: {  	[sflag:s16] =	ssyncadd.s32 $0xFFFFD800  }
0x2db: {  	[spmem:s2] =	stream.indirect.scatter.add.f32 [tilespmem:s13], [sflag:$0x4], $0x80, s5, s12, $0xb8;
	[tilespmem:$0x1D800] =	vst v63  }
0x2dc: {  	_ =	swait.ge [sflag:s17], $0x2800  }
0x2dd: {  	[sflag:s17] =	ssyncset.done $0x0  }
0x2de: {  	[sflag:s17] =	ssyncadd.s32 $0xFFFFD800  }
0x2df: {  	_ =	swait.ge [sflag:s18], $0x2800  }
0x2e0: {  	[sflag:s18] =	ssyncset.done $0x0  }
0x2e1: {  	[sflag:s18] =	ssyncadd.s32 $0xFFFFD800  }
0x2e2: {  	_ =	swait.ge [sflag:s20], $0x2800  }
0x2e3: {  	[sflag:s20] =	ssyncset.done $0x0  }
0x2e4: {  	[sflag:s20] =	ssyncadd.s32 $0xFFFFD800  }
0x2e5: {  	[bflag:$0x0] =	sbarrier.arrive $0xFFFF  }
0x2e6: {  	s7 =	sld [smem:$0x7FC]  }
0x2e7: {  	s9 =	sld [smem:$0x7F1]  }
0x2e8: {  	s8 =	sld [smem:$0x7FD];
	_ =	sdelay $0x2  }
0x2e9: {  	[hbm:s9], [sflag:s7] =	dma.local [spmem:s8], $0x2800  }
0x2ea: {  	_ =	swait.ge [sflag:s10], $0x2800  }
0x2eb: {  	s6 =	sld [smem:$0x7EF];
	_ =	sdelay $0x2  }
0x2ec: {  	s9 =	sadd.s32 $0x1, s6;
	s6 =	sld [smem:$0x7F2];
	_ =	sdelay $0x2  }
0x2ed: {  	p0 =	sne.s32 s9, s6  }
.Ltmp1:
0x2ee: {  	_ = 	snop;
	(pc) =	sbr.rel @p0 .LBB2_1-.Ltmp1, $3  }
0x2ef: {  	_ =	sdelay $0x1  }
0x2f0: {  	[sflag:s10] =	ssyncset.done $0x0  }
0x2f1: {  	[sflag:s10] =	ssyncadd.s32 $0xFFFFD800  }
0x2f2: {  	_ =	sfence.sel $0x180000  }
0x2f3: {  	[bflag:$0x0] =	sbarrier.arrive $0xFFFF  }
0x2f4: {  	_ =	strace $0x9000004D  }
0x2f5: {  	s0 =	stileid.u32;
	[bflag:$0x2] =	sbarrier.arrive $0xFFFF  }
0x2f6: {  	p0 =	sne.s32 s0, $0x0;
	s0 =	rddreg [dreg:$0x2]  }
0x2f7: {  	s0 =	sadd.s32 @!p0 $0x100000, s0  }
0x2f8: {  	[sflag:s0] =	ssyncadd.tile.s32 @!p0 $0x1;
	_ =	shalt  }
.Lfunc_end2:
_tile_overlayer_lowered:
.L_overlay_start_2:
0x2f9: {  	(tag) =	ssettag $0x2  }
0x2fa: {  	s0 =	rddreg [dreg:$0x0];
	s2 =	stileid.u32  }
0x2fb: {  	s1 =	rddreg [dreg:$0x1];
	p0 =	sne.s32 s2, $0x0  }
0x2fc: {  	s3 =	rddreg [dreg:$0x2];
	[bflag:$0x3] =	sbarrier.arrive $0xFFFF;
	s2 =	simm.s32 @!p0 $0x1C07  }
0x2fd: {  	[timem:s3], [sflag:s2] =	dma.local @!p0 [hbm:s0], s1  }
0x2fe: {  	s0 =	simm.s32 @!p0 $0x7  }
0x2ff: {  	_ =	swait.ge @!p0 [sflag:s0], s1  }
0x300: {  	s1 =	ssub.s32 @!p0 $0x0, s1;
	[sflag:s0] =	ssyncset.done @!p0 $0x0  }
0x301: {  	[sflag:s0] =	ssyncadd.s32 @!p0 s1  }
0x302: {  	[bflag:$0x3] =	sbarrier.arrive $0xFFFF  }
0x303: {  	_ =	shalt  }

// kernel: kernel.8.cloned.1.call-start
scs
__scs_entry_jumppad:
0x0: {  	(pc) =	sbr.rel $0x88, $3  }
0x1: {  	(tag) =	ssettag $0x0;
	lr =	simm.s32 $0x1  }
0x2: {  	[smem:$0x3F99] =	sst lr;
	_ =	strace $0xD0000000  }
0x3: {  	_ = 	snop  }
0x4: {  	_ = 	snop  }
0x5: {  	_ = 	snop  }
0x6: {  	_ = 	snop  }
0x7: {  	_ = 	snop  }
__scs_overlays_trampoline_lowered:
0x8: {  	[smem:$0x3FA8] =	sst s0  }
0x9: {  	[smem:$0x3FA9] =	sst s1  }
0xa: {  	[smem:$0x3FAA] =	sst s2  }
0xb: {  	[smem:$0x3FAB] =	sst s3  }
0xc: {  	[smem:$0x3FAC] =	sst s4  }
0xd: {  	[smem:$0x3FAD] =	sst s5  }
0xe: {  	[smem:$0x3FAE] =	sst s6  }
0xf: {  	[smem:$0x3FAF] =	sst s7  }
0x10: {  	[smem:$0x3FB0] =	sst s8  }
0x11: {  	[smem:$0x3FB1] =	sst s9;
	s0 =	simm.s32 @!p0 $0x0  }
0x12: {  	s1 =	sld [smem:$0x3F97];
	s0 =	simm.s32 @p0 $0x1  }
0x13: {  	[smem:$0x3FB2] =	sst s0;
	s0 =	simm.s32 @!p1 $0x0  }
0x14: {  	s2 =	sld [smem:$0x3F96];
	s0 =	simm.s32 @p1 $0x1  }
0x15: {  	[smem:$0x3FB3] =	sst s0;
	s0 =	simm.s32 @!p2 $0x0  }
0x16: {  	s3 =	sld [smem:$0x3FDB];
	s0 =	simm.s32 @p2 $0x1  }
0x17: {  	s4 =	simm.s32 $0x1BF5;
	[smem:$0x3FB5] =	sst s0  }
0x18: {  	s0 =	sld [smem:$0x3F98];
	_ =	swait.ge [sflag:s4], $0x0  }
0x19: {  	s7 =	sld [smem:$0x3F99]  }
0x1a: {  	s8 =	sadd.s32 $0xFFFFE003, lr  }
0x1b: {  	s9 =	sadd.s32 $0xFFFFFEF7, lr;
	s5 =	simm.s32 $0xFFFFFFFF;
	p2 =	slt.u32 s8, $0xFFFFF086  }
0x1c: {  	p1 =	slt.u32 s9, $0xF7A;
	s5 =	simm.s32 @!p2 $0x0  }
0x1d: {  	s5 =	simm.s32 @p1 $0x1;
	p0 =	seq.s32 s7, s2  }
0x1e: {  	s7 =	smul.u32 @!p0 $0xF7A, s2;
	p2 =	seq.s32 @!p0 s5, $0x0  }
0x1f: {  	s9 =	smul.u32 $0xF7A, s1;
	s8 =	simm.s32 @!p0 $0x1BF5;
	p2 =	por !p2, p0  }
0x20: {  	[sflag:s8] =	ssyncset.s32 @!p0 $0xFFFFF086;
	s6 =	sadd.s32 @!p0 s3, s7;
	s7 =	simm.s32 @!p0 $0x108  }
0x21: {  	s3 =	sadd.s32 s3, s9;
	s6 =	sadd.s32 @!p0 $0x88, s6;
	s7 =	simm.s32 @p2 $0x1082  }
0x22: {  	[simem:s7], [sflag:s8] =	dma.local @!p0 [hbm:s6], $0xF7A  }
0x23: {  	s9 =	sor.u32 $0xD0000000, s2;
	s6 =	simm.s32 $0x108;
	_ =	swait.ge @!p0 [sflag:s8], $0x0  }
0x24: {  	s3 =	sadd.s32 $0x88, s3;
	s6 =	simm.s32 @!p1 $0x1082;
	[sflag:s4] =	ssyncset.s32 $0xFFFFF086  }
0x25: {  	[simem:s6], [sflag:s4] =	dma.local [hbm:s3], $0xF7A  }
0x26: {  	[smem:$0x3F99] =	sst s1;
	(tag) =	ssettag s2;
	_ =	strace s9  }
0x27: {  	s1 =	sld [smem:$0x3FA9]  }
0x28: {  	s2 =	sld [smem:$0x3FAA]  }
0x29: {  	s4 =	sld [smem:$0x3FAC]  }
0x2a: {  	p0 =	seq.s32 s5, $0x0;
	s5 =	sld [smem:$0x3FAD]  }
0x2b: {  	s6 =	sld [smem:$0x3FAE]  }
0x2c: {  	s7 =	sld [smem:$0x3FAF]  }
0x2d: {  	s3 =	simm.s32 $0x108;
	s8 =	sld [smem:$0x3FB0]  }
0x2e: {  	s3 =	simm.s32 @!p0 $0x1082;
	s9 =	sld [smem:$0x3FB1]  }
0x2f: {  	lr =	sadd.s32 s0, s3;
	s0 =	sld [smem:$0x3FA8]  }
0x30: {  	s3 =	sld [smem:$0x3FAB]  }
0x31: {  	[smem:$0x3FB4] =	sst s10  }
0x32: {  	s10 =	sld [smem:$0x3FB2];
	_ =	sdelay $0x3  }
0x33: {  	p0 =	seq.s32 s10, $0x1;
	s10 =	sld [smem:$0x3FB4];
	_ =	sdelay $0x3  }
0x34: {  	[smem:$0x3FB4] =	sst s10  }
0x35: {  	s10 =	sld [smem:$0x3FB3];
	_ =	sdelay $0x3  }
0x36: {  	p1 =	seq.s32 s10, $0x1;
	s10 =	sld [smem:$0x3FB4];
	_ =	sdelay $0x3  }
0x37: {  	[smem:$0x3FB4] =	sst s10  }
0x38: {  	s10 =	sld [smem:$0x3FB5]  }
0x39: {  	_ = 	snop;
	(pc) =	sbr.ind lr, $3  }
0x3a: {  	_ = 	snop  }
0x3b: {  	_ = 	snop  }
0x3c: {  	p2 =	seq.s32 s10, $0x1;
	s10 =	sld [smem:$0x3FB4]  }
0x3d: {  	_ =	shalt  }
0x3e: {  	_ =	shalt  }
0x3f: {  	_ =	shalt  }
0x40: {  	_ =	shalt  }
0x41: {  	_ =	shalt  }
0x42: {  	_ =	shalt  }
0x43: {  	_ =	shalt  }
0x44: {  	_ =	shalt  }
0x45: {  	_ =	shalt  }
0x46: {  	_ =	shalt  }
0x47: {  	_ =	shalt  }
0x48: {  	_ =	shalt  }
0x49: {  	_ =	shalt  }
0x4a: {  	_ =	shalt  }
0x4b: {  	_ =	shalt  }
0x4c: {  	_ =	shalt  }
0x4d: {  	_ =	shalt  }
0x4e: {  	_ =	shalt  }
0x4f: {  	_ =	shalt  }
0x50: {  	_ =	shalt  }
0x51: {  	_ =	shalt  }
0x52: {  	_ =	shalt  }
0x53: {  	_ =	shalt  }
0x54: {  	_ =	shalt  }
0x55: {  	_ =	shalt  }
0x56: {  	_ =	shalt  }
0x57: {  	_ =	shalt  }
0x58: {  	_ =	shalt  }
0x59: {  	_ =	shalt  }
0x5a: {  	_ =	shalt  }
0x5b: {  	_ =	shalt  }
0x5c: {  	_ =	shalt  }
0x5d: {  	_ =	shalt  }
0x5e: {  	_ =	shalt  }
0x5f: {  	_ =	shalt  }
0x60: {  	_ =	shalt  }
0x61: {  	_ =	shalt  }
0x62: {  	_ =	shalt  }
0x63: {  	_ =	shalt  }
0x64: {  	_ =	shalt  }
0x65: {  	_ =	shalt  }
0x66: {  	_ =	shalt  }
0x67: {  	_ =	shalt  }
0x68: {  	_ =	shalt  }
0x69: {  	_ =	shalt  }
0x6a: {  	_ =	shalt  }
0x6b: {  	_ =	shalt  }
0x6c: {  	_ =	shalt  }
0x6d: {  	_ =	shalt  }
0x6e: {  	_ =	shalt  }
0x6f: {  	_ =	shalt  }
0x70: {  	_ =	shalt  }
0x71: {  	_ =	shalt  }
0x72: {  	_ =	shalt  }
0x73: {  	_ =	shalt  }
0x74: {  	_ =	shalt  }
0x75: {  	_ =	shalt  }
0x76: {  	_ =	shalt  }
0x77: {  	_ =	shalt  }
0x78: {  	_ =	shalt  }
0x79: {  	_ =	shalt  }
0x7a: {  	_ =	shalt  }
0x7b: {  	_ =	shalt  }
0x7c: {  	_ =	shalt  }
0x7d: {  	_ =	shalt  }
0x7e: {  	_ =	shalt  }
0x7f: {  	_ =	shalt  }
0x80: {  	_ =	shalt  }
0x81: {  	_ =	shalt  }
0x82: {  	_ =	shalt  }
0x83: {  	_ =	shalt  }
0x84: {  	_ =	shalt  }
0x85: {  	_ =	shalt  }
0x86: {  	_ =	shalt  }
0x87: {  	_ =	shalt  }
.Lfunc_end0:
.L_simem_size_0:
called_computation_lowered:
.L_overlay_start_0:
0x88: {  	s2 =	sld [smem:$0x3FD9]  }
0x89: {  	s3 =	sld [smem:$0x3FFE];
	_ =	sdelay $0x1  }
0x8a: {  	s1 =	srdreg.scid  }
0x8b: {  	s0 =	sand.u32 $0x1, s1  }
0x8c: {  	s16 =	sshll.u32 s0, $0xA;
	s2 =	sadd.s32 s3, s2  }
0x8d: {  	s2 =	sadd.s32 s2, s16  }
0x8e: {  	[smem:$0x3FC0] =	sst s2  }
0x8f: {  	_ = 	snop  }
0x90: {  	(tm) =	ssettm $0x1  }
0x91: {  	s17 =	sld [smem:$0x3FFB];
	_ =	sdelay $0x3  }
0x92: {  	_ =	strace s17  }
0x93: {  	s2 =	sld [smem:$0x3FFC];
	_ =	sdelay $0x3  }
0x94: {  	_ =	strace s2  }
0x95: {  	s2 =	sld [smem:$0x3FFD];
	_ =	sdelay $0x3  }
0x96: {  	_ =	strace s2  }
0x97: {  	_ =	strace $0x8FFFFFFF  }
0x98: {  	s18 =	sld [smem:$0x3FDB];
	_ =	sdelay $0x1  }
0x99: {  	s19 =	simm.s32 $_scs_section_size  }
0x9a: {  	s4 =	simm.s32 $_size__tile_overlayer_lowered;
	s5 =	simm.s32 $_tile_overlayer_lowered  }
0x9b: {  	s22 =	simm.s32 $0x1BFF;
	s21 =	sshll.u32 s5, $0x1;
	s2 =	sadd.s32 s19, s18  }
0x9c: {  	s6 =	simm.s32 $0x0;
	s20 =	sshll.u32 s4, $0x1;
	s4 =	sadd.s32 s21, s2  }
0x9d: {  	[timem:s6], [sflag:s22] =	dma.local [hbm:s4], s20  }
0x9e: {  	_ =	swait.ge [sflag:s22], s20  }
0x9f: {  	s3 =	ssub.s32 $0x0, s20;
	[sflag:s22] =	ssyncset.done $0x0  }
0xa0: {  	[sflag:s22] =	ssyncadd.s32 s3;
	_ =	sdelay $0x1  }
0xa1: {  	s23 =	simm.s32 $0x1B8B  }
0xa2: {  	_ =	swait.ge [sflag:s23], $0x1  }
0xa3: {  	[sflag:s23] =	ssyncset.done $0x0  }
0xa4: {  	s25 =	simm.s32 $0x1B8E;
	s24 =	sld [smem:$0x3FFE];
	[sflag:s23] =	ssyncadd.s32 $0xFFFFFFFF  }
0xa5: {  	s26 =	simm.s32 $execute0_lowered;
	[smem:$0x3FD2] =	sst s25  }
0xa6: {  	s4 =	sshll.u32 s26, $0x1;
	_ =	strace $0x80000046;
	[dreg:$0x1] =	wrdreg $0xFFFFFFFF  }
0xa7: {  	s28 =	simm.s32 $_size_execute0_lowered;
	s2 =	sadd.s32 s2, s4;
	[dreg:$0x0] =	wrdreg $0x0  }
0xa8: {  	s4 =	sshll.u32 s28, $0x1;
	[dreg:$0x2] =	wrdreg s2  }
0xa9: {  	[dreg:$0x3] =	wrdreg s4  }
0xaa: {  	[dreg:$0x4] =	wrdreg $0xC0  }
0xab: {  	_ =	task [dreg:s6], $0x5FFFF  }
0xac: {  	[dreg:$0x1] =	wrdreg $0xFFFFFFFF  }
0xad: {  	[dreg:$0x0] =	wrdreg $0x60  }
0xae: {  	[dreg:$0x2] =	wrdreg s24  }
0xaf: {  	[dreg:$0x3] =	wrdreg $0x70000  }
0xb0: {  	[dreg:$0x4] =	wrdreg $0x9  }
0xb1: {  	_ =	task.clear_ibuf [dreg:s6], $0x5FFFF;
	_ =	strace $0x90000046  }
0xb2: {  	s29 =	simm.s32 $0x9;
	_ =	strace $0x80000048  }
0xb3: {  	_ =	swait.ge [sflag:s29], $0x1  }
0xb4: {  	[sflag:s29] =	ssyncadd.s32 $0xFFFFFFFF  }
0xb5: {  	_ =	strace $0x90000048  }
0xb6: {  	_ =	sfence  }
0xb7: {  	s30 =	sld [smem:$0x0];
	_ =	sdelay $0x2  }
0xb8: {  	s31 =	sshll.u32 s1, $0xD;
	s1 =	sshrl.u32 s1, $0x2  }
0xb9: {  	s3 =	sand.u32 $0x4000, s31;
	s1 =	sadd.s32 s1, s30  }
0xba: {  	s0 =	sor.u32 s3, s0;
	s1 =	sshll.u32 s1, $0x11  }
0xbb: {  	s0 =	sor.u32 s1, s0  }
0xbc: {  	s0 =	sadd.s32 $0x8F2B, s0  }
0xbd: {  	[sflag:s0] =	ssyncadd.remote.s32 $0x1  }
0xbe: {  	_ =	sfence.sel $0xFFFF  }
0xbf: {  	[dreg:$0x0] =	wrdreg $0xFFFFFFFF;
	(pc) =	sbr.abs _section_cstart, $3  }
0xc0: {  	[dreg:$0x1] =	wrdreg $0xFFFFFFFF  }
0xc1: {  	_ =	task.clear_ibuf [dreg:s6], $0x2FFFF;
	_ =	strace $0x9FFFFFFF  }
0xc2: {  	(tm) =	ssettm $0x7FFFFFFF  }
0xc3: {  	_ =	shalt  }
tec
execute0_lowered:
.L_overlay_start_1:
0x0: {  	(tag) =	ssettag $0x1  }
0x1: {  	s9 =	rddreg [dreg:$0x0]  }
0x2: {  	s1 =	rddreg [dreg:$0x1]  }
0x3: {  	s2 =	srdreg.scid;
	s0 =	rddreg [dreg:$0x2];
	s3 =	simm.s32 $0x0  }
0x4: {  	s18 =	simm.s32 $0x50;
	s19 =	simm.s32 $0x1;
	s20 =	simm.s32 $0x0  }
0x5: {  	s24 =	simm.s32 $0x0;
	s8 =	sand.u32 $0x1, s2;
	s2 =	stileid.u32  }
0x6: {  	[smem:$0x7FF] =	sst s3;
	s4 =	sadd.s32 $0x1600, s9;
	s10 =	smul.u32 $0x140000, s8  }
0x7: {  	s5 =	sadd.s32 $0x15600, s9;
	s6 =	sadd.s32 $0x29600, s9;
	s11 =	smul.u32 $0x14000, s2  }
0x8: {  	s7 =	sadd.s32 $0x2A000, s9;
	_ =	strace $0x80000047;
	s12 =	smul.u32 $0x50000, s2  }
0x9: {  	s28 =	ssub.s32 $0x2, s8;
	s14 =	smul.u32 $0x50000, s8;
	s31 =	sshll.u32 s2, $0x6  }
0xa: {  	s15 =	smul.u32 $0x5000, s2;
	s29 =	sshrl.u32 s28, $0x1;
	s8 =	sor.u32 $0x1C02, s31  }
0xb: {  	s10 =	sadd.s32 s11, s10;
	s30 =	sshrl.u32 s12, $0x2;
	s16 =	ssub.s32 s28, s29  }
0xc: {  	s10 =	sshrl.u32 s10, $0x3;
	s17 =	sadd.s32 s30, s1;
	s12 =	smax.u32 s16, $0x1  }
0xd: {  	s16 =	simm.s32 $0x4800;
	s13 =	sadd.s32 s10, s9;
	s9 =	sadd.s32 $0x29B00, s9  }
0xe: {  	s10 =	sadd.s32 s15, s14;
	s14 =	simm.s32 $0x2;
	s15 =	simm.s32 $0x2000  }
0xf: {  	s11 =	sadd.s32 $0x2C800, s13;
	s13 =	sshrl.u32 s17, $0x3;
	s17 =	simm.s32 $0x1000  }
.LBB2_1:
0x10: {  	[spmem:s13], [sflag:s8] =	dma.local [hbm:s7], $0x2800  }
0x11: {  	_ =	swait.ge [sflag:s14], $0x2800  }
0x12: {  	[sflag:s14] =	ssyncset.done $0x0  }
0x13: {  	[sflag:s14] =	ssyncadd.s32 $0xFFFFD800  }
0x14: {  	[tilespmem:s15], [sflag:$0x2] =	stream.linear.gather [hbm4b:s6+s3], $0x2800, $0x38;
	[tilespmem:$0x1B000] =	vst v63  }
0x15: {  	_ =	swait.ge [sflag:s14], $0x2800  }
0x16: {  	[sflag:s14] =	ssyncset.done $0x0  }
0x17: {  	[sflag:s14] =	ssyncadd.s32 $0xFFFFD800  }
0x18: {  	[tilespmem:s16], [sflag:$0x2] =	stream.linear.gather [hbm4b:s9+s3], $0x2800, $0x38;
	[tilespmem:$0x1B000] =	vst v63  }
0x19: {  	_ =	swait.ge [sflag:s14], $0x2800  }
0x1a: {  	[sflag:s14] =	ssyncset.done $0x0  }
0x1b: {  	[sflag:s14] =	ssyncadd.s32 $0xFFFFD800  }
0x1c: {  	s21 =	simm.s32 $0x0;
	[bflag:$0x0] =	sbarrier.arrive $0xFFFF  }
.LBB2_2:
0x1d: {  	s22 =	sshll.u32 s21, $0xC  }
0x1e: {  	s22 =	sadd.s32 s22, s10  }
0x1f: {  	s22 =	sshrl.u32 s22, $0x3  }
0x20: {  	s23 =	sadd.s32 s4, s22  }
0x21: {  	[tilespmem:s24], [sflag:$0x2] =	stream.linear.gather [hbm4b:s23+s24], $0xC80, $0x38;
	[tilespmem:$0x1B000] =	vst v63  }
0x22: {  	_ =	swait.ge [sflag:s14], $0xC80  }
0x23: {  	[sflag:s14] =	ssyncset.done $0x0  }
0x24: {  	s22 =	sadd.s32 s5, s22;
	[sflag:s14] =	ssyncadd.s32 $0xFFFFF380  }
0x25: {  	[tilespmem:s17], [sflag:$0x2] =	stream.linear.gather [hbm4b:s22+s24], $0xC80, $0x38;
	[tilespmem:$0x1B000] =	vst v63  }
0x26: {  	_ =	swait.ge [sflag:s14], $0xC80  }
0x27: {  	s31 =	simm.s32 $0x0;
	[sflag:s14] =	ssyncset.done $0x0  }
0x28: {  	s23 =	simm.s32 $0x1000;
	s22 =	simm.s32 $0x200;
	[sflag:s14] =	ssyncadd.s32 $0xFFFFF380  }
0x29: {  	[spmem:s1] =	stream.indirect.scatter.add.f32 [tilespmem:s15], [sflag:$0x1], $0x80, s31, s18, $0xb8;
	[tilespmem:$0x1B000] =	vst v63  }
.LBB2_3:
0x2a: {  	[spmem:s1] =	stream.indirect.scatter.add.f32 [tilespmem:s16], [sflag:$0x1], $0x80, s23, s18, $0xb8;
	[tilespmem:$0x1B000] =	vst v63  }
0x2b: {  	s23 =	smov.u32 s22;
	p0 =	sne.s32 s22, $0x3000  }
.Ltmp0:
0x2c: {  	s22 =	sadd.s32 $0x200, s22;
	(pc) =	sbr.rel @p0 .LBB2_3-.Ltmp0, $4  }
0x2d: {  	_ = 	snop  }
0x2e: {  	s23 =	sshra.s32 s23, $0x2  }
0x2f: {  	[spmem:s1] =	stream.indirect.scatter.add.f32 [tilespmem:s15], [sflag:$0x1], $0x80, s23, s18, $0xb8;
	[tilespmem:$0x1B000] =	vst v63  }
0x30: {  	s23 =	sadd.s32 $0x1000, s23  }
0x31: {  	[spmem:s1] =	stream.indirect.scatter.add.f32 [tilespmem:s16], [sflag:$0x1], $0x80, s23, s18, $0xb8;
	[tilespmem:$0x1B000] =	vst v63  }
0x32: {  	_ =	swait.ge [sflag:s19], $0x2800  }
0x33: {  	[sflag:s19] =	ssyncset.done $0x0  }
0x34: {  	[sflag:s19] =	ssyncadd.s32 $0xFFFFD800  }
0x35: {  	_ =	swait.ge [sflag:s19], $0x2800  }
0x36: {  	s22 =	simm.s32 $0x18;
	[sflag:s19] =	ssyncset.done $0x0  }
.LBB2_5:
0x37: {  	p0 =	sne.s32 s22, $0x1;
	s22 =	sadd.s32 $0xFFFFFFFF, s22;
	[sflag:s19] =	ssyncadd.s32 $0xFFFFD800  }
.Ltmp1:
0x38: {  	_ =	swait.ge [sflag:s19], $0x2800;
	(pc) =	sbr.rel @p0 .LBB2_5-.Ltmp1, $4  }
0x39: {  	[sflag:s19] =	ssyncset.done $0x0  }
0x3a: {  	[sflag:s19] =	ssyncadd.s32 $0xFFFFD800  }
0x3b: {  	_ =	swait.ge [sflag:s19], $0x2800  }
0x3c: {  	[sflag:s19] =	ssyncset.done $0x0  }
0x3d: {  	s21 =	sadd.s32 $0x1, s21  }
0x3e: {  	p0 =	sne.s32 s21, $0x5  }
.Ltmp2:
0x3f: {  	_ = 	snop;
	(pc) =	sbr.rel @p0 .LBB2_2-.Ltmp2, $2  }
0x40: {  	_ =	sdelay $0x2  }
0x41: {  	[sflag:s19] =	ssyncadd.s32 $0xFFFFD800  }
0x42: {  	s20 =	sadd.s32 $0x1, s20  }
0x43: {  	p0 =	sne.s32 s20, s12  }
.Ltmp3:
0x44: {  	[bflag:$0x0] =	sbarrier.arrive $0xFFFF;
	(pc) =	sbr.rel @p0 .LBB2_1-.Ltmp3, $4  }
0x45: {  	[hbm:s11], [sflag:s8] =	dma.local [spmem:s13], $0x2800  }
0x46: {  	_ =	swait.ge [sflag:s14], $0x2800  }
0x47: {  	[sflag:s14] =	ssyncset.done $0x0  }
0x48: {  	[sflag:s14] =	ssyncadd.s32 $0xFFFFD800  }
0x49: {  	_ =	sfence.sel $0x180000  }
0x4a: {  	[bflag:$0x0] =	sbarrier.arrive $0xFFFF  }
0x4b: {  	p0 =	sne.s32 s2, $0x0;
	_ =	strace $0x90000047  }
0x4c: {  	s0 =	sadd.s32 @!p0 $0x100000, s0;
	[bflag:$0x2] =	sbarrier.arrive $0xFFFF  }
0x4d: {  	[sflag:s0] =	ssyncadd.tile.s32 @!p0 $0x1;
	_ =	shalt  }
.Lfunc_end2:
_tile_overlayer_lowered:
.L_overlay_start_2:
0x4e: {  	(tag) =	ssettag $0x2  }
0x4f: {  	s0 =	rddreg [dreg:$0x0];
	s2 =	stileid.u32  }
0x50: {  	s1 =	rddreg [dreg:$0x1];
	p0 =	sne.s32 s2, $0x0  }
0x51: {  	s3 =	rddreg [dreg:$0x2];
	[bflag:$0x3] =	sbarrier.arrive $0xFFFF;
	s2 =	simm.s32 @!p0 $0x1C02  }
0x52: {  	[timem:s3], [sflag:s2] =	dma.local @!p0 [hbm:s0], s1  }
0x53: {  	s0 =	simm.s32 @!p0 $0x2  }
0x54: {  	_ =	swait.ge @!p0 [sflag:s0], s1  }
0x55: {  	s1 =	ssub.s32 @!p0 $0x0, s1;
	[sflag:s0] =	ssyncset.done @!p0 $0x0  }
0x56: {  	[sflag:s0] =	ssyncadd.s32 @!p0 s1  }
0x57: {  	[bflag:$0x3] =	sbarrier.arrive $0xFFFF  }
0x58: {  	_ =	shalt  }

</sc_bundles>
